<compile_context>
chip_gen: v7x
topology: tpu7x:2x2x1
jax: 0.10.2.dev20260603
libtpu: 0.0.44.dev20260713+nightly
codegen_flags: <defaults>
</compile_context>

<pallas_src>
import functools

import jax
import jax.numpy as jnp
from jax import lax
from jax.experimental import pallas as pl
from jax.experimental.pallas import tpu as pltpu
from jax.experimental.pallas import tpu_sc as plsc

_NUM_CLASSES = 512
_N = 1600000
_M = 100000
_NC = 2
_NS = 16
_NW = _NC * _NS
_PER_W = _N // _NW
_CHUNK = 2000
_N_CHUNKS = _PER_W // _CHUNK
_VREGS = _CHUNK // 16
_LANE_STRIDE = _NUM_CLASSES + 1
_HIST_WORDS = 16 * _LANE_STRIDE
_NBUF = 5


@functools.partial(
    pl.kernel,
    mesh=plsc.VectorSubcoreMesh(core_axis_name="c", subcore_axis_name="s"),
    out_type=jax.ShapeDtypeStruct((_NW, _NUM_CLASSES), jnp.float32),
    compiler_params=pltpu.CompilerParams(needs_layout_passes=False),
    scratch_types=(
        [pltpu.VMEM_SHARED((_M,), jnp.int32)]
        + [pltpu.VMEM((_CHUNK,), jnp.int32) for _ in range(_NBUF)]
        + [pltpu.VMEM((_CHUNK,), jnp.float32) for _ in range(_NBUF)]
        + [pltpu.VMEM((_CHUNK,), jnp.int32) for _ in range(_NBUF)]
        + [pltpu.VMEM((_HIST_WORDS,), jnp.float32),
           pltpu.VMEM((_NUM_CLASSES,), jnp.float32)]
        + [pltpu.SemaphoreType.DMA for _ in range(1 + 3 * _NBUF)]
    ),
)
def _sc_hist(scores_hbm, mgi_hbm, table_hbm, out_hbm, table_sh, *rest):
    idx_bufs = rest[0:_NBUF]
    sc_bufs = rest[_NBUF:2 * _NBUF]
    cls_bufs = rest[2 * _NBUF:3 * _NBUF]
    hist_v = rest[3 * _NBUF]
    out_v = rest[3 * _NBUF + 1]
    sem_t = rest[3 * _NBUF + 2]
    sem_i = rest[3 * _NBUF + 3:3 * _NBUF + 3 + _NBUF]
    sem_s = rest[3 * _NBUF + 3 + _NBUF:3 * _NBUF + 3 + 2 * _NBUF]
    sem_g = rest[3 * _NBUF + 3 + 2 * _NBUF:]

    sid = lax.axis_index("s")
    wid = sid * _NC + lax.axis_index("c")
    base = wid * _PER_W

    @pl.when(sid == 0)
    def _():
        pltpu.async_copy(table_hbm, table_sh, sem_t).wait()

    def start_chunk(ci):
        buf = ci % _NBUF
        off = base + ci * _CHUNK
        i_dma = pltpu.async_copy(
            mgi_hbm.at[pl.ds(off, _CHUNK)], idx_bufs[buf], sem_i[buf])
        s_dma = pltpu.async_copy(
            scores_hbm.at[pl.ds(off, _CHUNK)], sc_bufs[buf], sem_s[buf])
        return i_dma, s_dma

    pending = [start_chunk(ci) for ci in range(_NBUF - 2)]

    zeros16 = jnp.zeros((16,), jnp.float32)

    @plsc.parallel_loop(0, _HIST_WORDS // 16, unroll=9)
    def _(i):
        hist_v[pl.ds(i * 16, 16)] = zeros16

    lane_off = lax.iota(jnp.int32, 16) * _LANE_STRIDE

    plsc.subcore_barrier()

    def start_gather(ci):
        buf = ci % _NBUF
        return pltpu.async_copy(
            table_sh.at[idx_bufs[buf]], cls_bufs[buf], sem_g[buf])

    i0, s0 = pending.pop(0)
    i0.wait()
    g_pending = [(start_gather(0), s0)]

    for ci in range(_N_CHUNKS):
        buf = ci % _NBUF
        if ci + 1 < _N_CHUNKS:
            i_dma, s_dma = pending.pop(0)
            i_dma.wait()
            g_pending.append((start_gather(ci + 1), s_dma))
        if ci + _NBUF - 2 < _N_CHUNKS:
            pending.append(start_chunk(ci + _NBUF - 2))

        g_dma, s_dma = g_pending.pop(0)
        g_dma.wait()
        s_dma.wait()

        cb, sb = cls_bufs[buf], sc_bufs[buf]

        @plsc.parallel_loop(0, _VREGS, unroll=5)
        def _(j):
            cls = cb[pl.ds(j * 16, 16)]
            s = sb[pl.ds(j * 16, 16)]
            plsc.addupdate_scatter(hist_v, [cls + lane_off], s)

    @plsc.parallel_loop(0, _NUM_CLASSES // 16, unroll=4)
    def _(j):
        acc = jnp.zeros((16,), jnp.float32)
        for k in range(16):
            acc = acc + hist_v[pl.ds(k * _LANE_STRIDE + j * 16, 16)]
        out_v[pl.ds(j * 16, 16)] = acc

    pltpu.sync_copy(out_v, out_hbm.at[wid])


def kernel(scores_val, meta_gaussian_indices, meta_gaussian_class_indices):
    hists = _sc_hist(scores_val, meta_gaussian_indices,
                     meta_gaussian_class_indices)
    return jnp.sum(hists, axis=0) * jnp.float32(1.0 / _M)

# --- scband reference (transcript-rebuilt; emitter-appended) ---
"""Pipeline reference for scband-feature-classifier-cave-70437463655137 (READ-ONLY COPY).

The authoritative reference and input builder live on the scoring server;
editing this copy changes nothing except your own understanding.
"""

import jax, jax.numpy as jnp
import numpy as np

NUM_CLASSES = 512
N = 1600000
M = 100000

def setup_inputs(seed: int = 0) -> dict:
    key = jax.random.key(seed)
    k1, k2, k3 = jax.random.split(key, 3)
    scores_val = jax.random.normal(k1, (N,), dtype=jnp.float32)
    meta_gaussian_indices = jax.random.randint(k2, (N,), 0, M, dtype=jnp.int32)
    meta_gaussian_class_indices = jax.random.randint(k3, (M,), 0, NUM_CLASSES, dtype=jnp.int32)
    return {
        "scores_val": scores_val,
        "meta_gaussian_indices": meta_gaussian_indices,
        "meta_gaussian_class_indices": meta_gaussian_class_indices,
    }

def reference(scores_val, meta_gaussian_indices, meta_gaussian_class_indices):
    # score_class_indices[i] = meta_gaussian_class_indices[meta_gaussian_indices[i]]  (gather)
    score_class_indices = jnp.take(meta_gaussian_class_indices, meta_gaussian_indices, axis=0)
    # for each class: sum of scores_val where score_class_indices == cls  (segment sum)
    sums = jax.ops.segment_sum(scores_val, score_class_indices, num_segments=NUM_CLASSES)
    scores = sums / meta_gaussian_class_indices.shape[0]
    return scores

if __name__ == "__main__":
    import jax
    _d = setup_inputs()
    print(jax.jit(kernel)(*tuple(_d.values())))

</pallas_src>

<mosaic_0001>
#map = affine_map<(d0, d1) -> (0)>
#map1 = affine_map<(d0, d1) -> (0, 0)>
module attributes {stable_mosaic.version = 14 : i64} {
  func.func @_sc_hist(%arg0: i32, %arg1: i32, %arg2: memref<1600000xf32, #tpu.memory_space<hbm>>, %arg3: memref<1600000xi32, #tpu.memory_space<hbm>>, %arg4: memref<100000xi32, #tpu.memory_space<hbm>>, %arg5: memref<32x512xf32, #tpu.memory_space<hbm>>, %arg6: memref<100000xi32, #tpu.memory_space<vmem_shared>>, %arg7: memref<2000xi32, #tpu.memory_space<vmem>>, %arg8: memref<2000xi32, #tpu.memory_space<vmem>>, %arg9: memref<2000xi32, #tpu.memory_space<vmem>>, %arg10: memref<2000xi32, #tpu.memory_space<vmem>>, %arg11: memref<2000xi32, #tpu.memory_space<vmem>>, %arg12: memref<2000xf32, #tpu.memory_space<vmem>>, %arg13: memref<2000xf32, #tpu.memory_space<vmem>>, %arg14: memref<2000xf32, #tpu.memory_space<vmem>>, %arg15: memref<2000xf32, #tpu.memory_space<vmem>>, %arg16: memref<2000xf32, #tpu.memory_space<vmem>>, %arg17: memref<2000xi32, #tpu.memory_space<vmem>>, %arg18: memref<2000xi32, #tpu.memory_space<vmem>>, %arg19: memref<2000xi32, #tpu.memory_space<vmem>>, %arg20: memref<2000xi32, #tpu.memory_space<vmem>>, %arg21: memref<2000xi32, #tpu.memory_space<vmem>>, %arg22: memref<8208xf32, #tpu.memory_space<vmem>>, %arg23: memref<512xf32, #tpu.memory_space<vmem>>, %arg24: memref<!tpu.dma_semaphore, #tpu.memory_space<semaphore_mem>>, %arg25: memref<!tpu.dma_semaphore, #tpu.memory_space<semaphore_mem>>, %arg26: memref<!tpu.dma_semaphore, #tpu.memory_space<semaphore_mem>>, %arg27: memref<!tpu.dma_semaphore, #tpu.memory_space<semaphore_mem>>, %arg28: memref<!tpu.dma_semaphore, #tpu.memory_space<semaphore_mem>>, %arg29: memref<!tpu.dma_semaphore, #tpu.memory_space<semaphore_mem>>, %arg30: memref<!tpu.dma_semaphore, #tpu.memory_space<semaphore_mem>>, %arg31: memref<!tpu.dma_semaphore, #tpu.memory_space<semaphore_mem>>, %arg32: memref<!tpu.dma_semaphore, #tpu.memory_space<semaphore_mem>>, %arg33: memref<!tpu.dma_semaphore, #tpu.memory_space<semaphore_mem>>, %arg34: memref<!tpu.dma_semaphore, #tpu.memory_space<semaphore_mem>>, %arg35: memref<!tpu.dma_semaphore, #tpu.memory_space<semaphore_mem>>, %arg36: memref<!tpu.dma_semaphore, #tpu.memory_space<semaphore_mem>>, %arg37: memref<!tpu.dma_semaphore, #tpu.memory_space<semaphore_mem>>, %arg38: memref<!tpu.dma_semaphore, #tpu.memory_space<semaphore_mem>>, %arg39: memref<!tpu.dma_semaphore, #tpu.memory_space<semaphore_mem>>) attributes {dimension_semantics = [#tpu.dimension_semantics<core_parallel>, #tpu.dimension_semantics<subcore_parallel>], iteration_bounds = array<i64: 2, 16>, scalar_prefetch = 0 : i64, scratch_operands = 34 : i64, tpu.core_type = #tpu.core_type<sc_vector_subcore>, window_params = [{transform_indices = #map}, {transform_indices = #map}, {transform_indices = #map}, {transform_indices = #map1}]} {
    %mul3A = arith.constant 2 : i32
    %mul3A_0 = arith.muli %arg1, %mul3A : i32
    %add3A = arith.addi %mul3A_0, %arg0 : i32
    %mul3A_1 = arith.constant 50000 : i32
    %mul3A_2 = arith.muli %add3A, %mul3A_1 : i32
    %eq3A = arith.constant 0 : i32
    %eq3A_3 = arith.cmpi eq, %arg1, %eq3A : i32
    %convert_element_type3A = arith.extui %eq3A_3 : i1 to i32
    %cond3A = arith.constant 0 : i32
    %cond3A_4 = arith.cmpi ne, %convert_element_type3A, %cond3A : i32
    scf.if %cond3A_4 {
      tpu.enqueue_dma source(%arg4 : memref<100000xi32, #tpu.memory_space<hbm>>) target(%arg6 : memref<100000xi32, #tpu.memory_space<vmem_shared>>) target_semaphore(%arg24 : memref<!tpu.dma_semaphore, #tpu.memory_space<semaphore_mem>>)
      tpu.wait_dma2 semaphore(%arg24 : memref<!tpu.dma_semaphore, #tpu.memory_space<semaphore_mem>>) src(%arg4 : memref<100000xi32, #tpu.memory_space<hbm>>) dst(%arg6 : memref<100000xi32, #tpu.memory_space<vmem_shared>>)
    } else {
    }
    %add3A_5 = arith.constant 0 : i32
    %add3A_6 = arith.addi %mul3A_2, %add3A_5 : i32
    %dma_start3A = tpu.memref_slice %arg3[%add3A_6] : memref<1600000xi32, #tpu.memory_space<hbm>> -> memref<2000xi32, #tpu.memory_space<hbm>>
    %dma_start3A_7 = tpu.memref_slice %arg3[%add3A_6] : memref<1600000xi32, #tpu.memory_space<hbm>> -> memref<2000xi32, #tpu.memory_space<hbm>>
    tpu.enqueue_dma source(%dma_start3A_7 : memref<2000xi32, #tpu.memory_space<hbm>>) target(%arg7 : memref<2000xi32, #tpu.memory_space<vmem>>) target_semaphore(%arg25 : memref<!tpu.dma_semaphore, #tpu.memory_space<semaphore_mem>>)
    %dma_start3A_8 = tpu.memref_slice %arg2[%add3A_6] : memref<1600000xf32, #tpu.memory_space<hbm>> -> memref<2000xf32, #tpu.memory_space<hbm>>
    %dma_start3A_9 = tpu.memref_slice %arg2[%add3A_6] : memref<1600000xf32, #tpu.memory_space<hbm>> -> memref<2000xf32, #tpu.memory_space<hbm>>
    tpu.enqueue_dma source(%dma_start3A_9 : memref<2000xf32, #tpu.memory_space<hbm>>) target(%arg12 : memref<2000xf32, #tpu.memory_space<vmem>>) target_semaphore(%arg30 : memref<!tpu.dma_semaphore, #tpu.memory_space<semaphore_mem>>)
    %add3A_10 = arith.constant 2000 : i32
    %add3A_11 = arith.addi %mul3A_2, %add3A_10 : i32
    %dma_start3A_12 = tpu.memref_slice %arg3[%add3A_11] : memref<1600000xi32, #tpu.memory_space<hbm>> -> memref<2000xi32, #tpu.memory_space<hbm>>
    %dma_start3A_13 = tpu.memref_slice %arg3[%add3A_11] : memref<1600000xi32, #tpu.memory_space<hbm>> -> memref<2000xi32, #tpu.memory_space<hbm>>
    tpu.enqueue_dma source(%dma_start3A_13 : memref<2000xi32, #tpu.memory_space<hbm>>) target(%arg8 : memref<2000xi32, #tpu.memory_space<vmem>>) target_semaphore(%arg26 : memref<!tpu.dma_semaphore, #tpu.memory_space<semaphore_mem>>)
    %dma_start3A_14 = tpu.memref_slice %arg2[%add3A_11] : memref<1600000xf32, #tpu.memory_space<hbm>> -> memref<2000xf32, #tpu.memory_space<hbm>>
    %dma_start3A_15 = tpu.memref_slice %arg2[%add3A_11] : memref<1600000xf32, #tpu.memory_space<hbm>> -> memref<2000xf32, #tpu.memory_space<hbm>>
    tpu.enqueue_dma source(%dma_start3A_15 : memref<2000xf32, #tpu.memory_space<hbm>>) target(%arg13 : memref<2000xf32, #tpu.memory_space<vmem>>) target_semaphore(%arg31 : memref<!tpu.dma_semaphore, #tpu.memory_space<semaphore_mem>>)
    %add3A_16 = arith.constant 4000 : i32
    %add3A_17 = arith.addi %mul3A_2, %add3A_16 : i32
    %dma_start3A_18 = tpu.memref_slice %arg3[%add3A_17] : memref<1600000xi32, #tpu.memory_space<hbm>> -> memref<2000xi32, #tpu.memory_space<hbm>>
    %dma_start3A_19 = tpu.memref_slice %arg3[%add3A_17] : memref<1600000xi32, #tpu.memory_space<hbm>> -> memref<2000xi32, #tpu.memory_space<hbm>>
    tpu.enqueue_dma source(%dma_start3A_19 : memref<2000xi32, #tpu.memory_space<hbm>>) target(%arg9 : memref<2000xi32, #tpu.memory_space<vmem>>) target_semaphore(%arg27 : memref<!tpu.dma_semaphore, #tpu.memory_space<semaphore_mem>>)
    %dma_start3A_20 = tpu.memref_slice %arg2[%add3A_17] : memref<1600000xf32, #tpu.memory_space<hbm>> -> memref<2000xf32, #tpu.memory_space<hbm>>
    %dma_start3A_21 = tpu.memref_slice %arg2[%add3A_17] : memref<1600000xf32, #tpu.memory_space<hbm>> -> memref<2000xf32, #tpu.memory_space<hbm>>
    tpu.enqueue_dma source(%dma_start3A_21 : memref<2000xf32, #tpu.memory_space<hbm>>) target(%arg14 : memref<2000xf32, #tpu.memory_space<vmem>>) target_semaphore(%arg32 : memref<!tpu.dma_semaphore, #tpu.memory_space<semaphore_mem>>)
    %broadcast_in_dim3A = arith.constant 0.000000e+00 : f32
    %broadcast_in_dim3A_22 = vector.broadcast %broadcast_in_dim3A : f32 to vector<16xf32>
    %parallel_loop3A = arith.constant 0 : i32
    %parallel_loop3A_23 = arith.constant 513 : i32
    %parallel_loop3A_24 = arith.constant 1 : i32
    scf.for %parallel_loop3A_437 = %parallel_loop3A to %parallel_loop3A_23 step %parallel_loop3A_24  : i32 {
      %parallel_loop3A_438 = arith.constant 16 : i32
      %parallel_loop3A_439 = arith.muli %parallel_loop3A_437, %parallel_loop3A_438 : i32
      %parallel_loop3A_440 = arith.index_cast %parallel_loop3A_439 : i32 to index
      %parallel_loop3A_441 = tpu.vector_load %arg22[%parallel_loop3A_440] {strides = array<i32>} : memref<8208xf32, #tpu.memory_space<vmem>>, vector<16xf32>,
      tpu.vector_store %arg22[%parallel_loop3A_440], %broadcast_in_dim3A_22 {strides = array<i32>} : memref<8208xf32, #tpu.memory_space<vmem>>, vector<16xf32>,
    } {sc.loop_unroll_factor = 9 : i64, sc.parallel_access}
    %iota3A = tpu.iota {dimensions = array<i32: 0>} : vector<16xi32>
    %mul3A_25 = arith.constant 513 : i32
    %mul3A_26 = vector.broadcast %mul3A_25 : i32 to vector<16xi32>
    %mul3A_27 = arith.muli %iota3A, %mul3A_26 : vector<16xi32>
    %barrier3A = arith.constant 0 : index
    tpu.barrier barrier_id(%barrier3A)
    %dma_wait3A = tpu.memref_slice %arg3[%add3A_6] : memref<1600000xi32, #tpu.memory_space<hbm>> -> memref<2000xi32, #tpu.memory_space<hbm>>
    %dma_wait3A_28 = tpu.memref_slice %arg3[%add3A_6] : memref<1600000xi32, #tpu.memory_space<hbm>> -> memref<2000xi32, #tpu.memory_space<hbm>>
    tpu.wait_dma2 semaphore(%arg25 : memref<!tpu.dma_semaphore, #tpu.memory_space<semaphore_mem>>) src(%dma_wait3A_28 : memref<2000xi32, #tpu.memory_space<hbm>>) dst(%arg7 : memref<2000xi32, #tpu.memory_space<vmem>>)
    %dma_start3A_29 = arith.constant 0 : i32
    %dma_start3A_30 = tpu.memref_slice %arg6[%dma_start3A_29] : memref<100000xi32, #tpu.memory_space<vmem_shared>> -> memref<100000xi32, #tpu.memory_space<vmem_shared>>
    tpu.enqueue_indirect_dma source(%dma_start3A_30 : memref<100000xi32, #tpu.memory_space<vmem_shared>>) target(%arg17 : memref<2000xi32, #tpu.memory_space<vmem>>) offsets(%arg7 : memref<2000xi32, #tpu.memory_space<vmem>>) semaphore(%arg35 : memref<!tpu.dma_semaphore, #tpu.memory_space<semaphore_mem>>)
    %dma_wait3A_31 = tpu.memref_slice %arg3[%add3A_11] : memref<1600000xi32, #tpu.memory_space<hbm>> -> memref<2000xi32, #tpu.memory_space<hbm>>
    %dma_wait3A_32 = tpu.memref_slice %arg3[%add3A_11] : memref<1600000xi32, #tpu.memory_space<hbm>> -> memref<2000xi32, #tpu.memory_space<hbm>>
    tpu.wait_dma2 semaphore(%arg26 : memref<!tpu.dma_semaphore, #tpu.memory_space<semaphore_mem>>) src(%dma_wait3A_32 : memref<2000xi32, #tpu.memory_space<hbm>>) dst(%arg8 : memref<2000xi32, #tpu.memory_space<vmem>>)
    %dma_start3A_33 = arith.constant 0 : i32
    %dma_start3A_34 = tpu.memref_slice %arg6[%dma_start3A_33] : memref<100000xi32, #tpu.memory_space<vmem_shared>> -> memref<100000xi32, #tpu.memory_space<vmem_shared>>
    tpu.enqueue_indirect_dma source(%dma_start3A_34 : memref<100000xi32, #tpu.memory_space<vmem_shared>>) target(%arg18 : memref<2000xi32, #tpu.memory_space<vmem>>) offsets(%arg8 : memref<2000xi32, #tpu.memory_space<vmem>>) semaphore(%arg36 : memref<!tpu.dma_semaphore, #tpu.memory_space<semaphore_mem>>)
    %add3A_35 = arith.constant 6000 : i32
    %add3A_36 = arith.addi %mul3A_2, %add3A_35 : i32
    %dma_start3A_37 = tpu.memref_slice %arg3[%add3A_36] : memref<1600000xi32, #tpu.memory_space<hbm>> -> memref<2000xi32, #tpu.memory_space<hbm>>
    %dma_start3A_38 = tpu.memref_slice %arg3[%add3A_36] : memref<1600000xi32, #tpu.memory_space<hbm>> -> memref<2000xi32, #tpu.memory_space<hbm>>
    tpu.enqueue_dma source(%dma_start3A_38 : memref<2000xi32, #tpu.memory_space<hbm>>) target(%arg10 : memref<2000xi32, #tpu.memory_space<vmem>>) target_semaphore(%arg28 : memref<!tpu.dma_semaphore, #tpu.memory_space<semaphore_mem>>)
    %dma_start3A_39 = tpu.memref_slice %arg2[%add3A_36] : memref<1600000xf32, #tpu.memory_space<hbm>> -> memref<2000xf32, #tpu.memory_space<hbm>>
    %dma_start3A_40 = tpu.memref_slice %arg2[%add3A_36] : memref<1600000xf32, #tpu.memory_space<hbm>> -> memref<2000xf32, #tpu.memory_space<hbm>>
    tpu.enqueue_dma source(%dma_start3A_40 : memref<2000xf32, #tpu.memory_space<hbm>>) target(%arg15 : memref<2000xf32, #tpu.memory_space<vmem>>) target_semaphore(%arg33 : memref<!tpu.dma_semaphore, #tpu.memory_space<semaphore_mem>>)
    %dma_wait3A_41 = arith.constant 0 : i32
    %dma_wait3A_42 = tpu.memref_slice %arg6[%dma_wait3A_41] : memref<100000xi32, #tpu.memory_space<vmem_shared>> -> memref<100000xi32, #tpu.memory_space<vmem_shared>>
    tpu.wait_indirect_dma semaphore(%arg35 : memref<!tpu.dma_semaphore, #tpu.memory_space<semaphore_mem>>) src(%dma_wait3A_42 : memref<100000xi32, #tpu.memory_space<vmem_shared>>) dst(%arg17 : memref<2000xi32, #tpu.memory_space<vmem>>)
    %dma_wait3A_43 = tpu.memref_slice %arg2[%add3A_6] : memref<1600000xf32, #tpu.memory_space<hbm>> -> memref<2000xf32, #tpu.memory_space<hbm>>
    %dma_wait3A_44 = tpu.memref_slice %arg2[%add3A_6] : memref<1600000xf32, #tpu.memory_space<hbm>> -> memref<2000xf32, #tpu.memory_space<hbm>>
    tpu.wait_dma2 semaphore(%arg30 : memref<!tpu.dma_semaphore, #tpu.memory_space<semaphore_mem>>) src(%dma_wait3A_44 : memref<2000xf32, #tpu.memory_space<hbm>>) dst(%arg12 : memref<2000xf32, #tpu.memory_space<vmem>>)
    %parallel_loop3A_45 = arith.constant 0 : i32
    %parallel_loop3A_46 = arith.constant 125 : i32
    %parallel_loop3A_47 = arith.constant 1 : i32
    scf.for %parallel_loop3A_437 = %parallel_loop3A_45 to %parallel_loop3A_46 step %parallel_loop3A_47  : i32 {
      %parallel_loop3A_438 = arith.constant 16 : i32
      %parallel_loop3A_439 = arith.muli %parallel_loop3A_437, %parallel_loop3A_438 : i32
      %parallel_loop3A_440 = arith.index_cast %parallel_loop3A_439 : i32 to index
      %parallel_loop3A_441 = tpu.vector_load %arg17[%parallel_loop3A_440] {strides = array<i32>} : memref<2000xi32, #tpu.memory_space<vmem>>, vector<16xi32>,
      %parallel_loop3A_442 = arith.constant 16 : i32
      %parallel_loop3A_443 = arith.muli %parallel_loop3A_437, %parallel_loop3A_442 : i32
      %parallel_loop3A_444 = arith.index_cast %parallel_loop3A_443 : i32 to index
      %parallel_loop3A_445 = tpu.vector_load %arg12[%parallel_loop3A_444] {strides = array<i32>} : memref<2000xf32, #tpu.memory_space<vmem>>, vector<16xf32>,
      %parallel_loop3A_446 = arith.addi %parallel_loop3A_441, %mul3A_27 : vector<16xi32>
      tpu.vector_store_idx %arg22[%parallel_loop3A_446], %parallel_loop3A_445 {add = true} : memref<8208xf32, #tpu.memory_space<vmem>>[vector<16xi32>], vector<16xf32>,
    } {sc.loop_unroll_factor = 5 : i64, sc.parallel_access}
    %dma_wait3A_48 = tpu.memref_slice %arg3[%add3A_17] : memref<1600000xi32, #tpu.memory_space<hbm>> -> memref<2000xi32, #tpu.memory_space<hbm>>
    %dma_wait3A_49 = tpu.memref_slice %arg3[%add3A_17] : memref<1600000xi32, #tpu.memory_space<hbm>> -> memref<2000xi32, #tpu.memory_space<hbm>>
    tpu.wait_dma2 semaphore(%arg27 : memref<!tpu.dma_semaphore, #tpu.memory_space<semaphore_mem>>) src(%dma_wait3A_49 : memref<2000xi32, #tpu.memory_space<hbm>>) dst(%arg9 : memref<2000xi32, #tpu.memory_space<vmem>>)
    %dma_start3A_50 = arith.constant 0 : i32
    %dma_start3A_51 = tpu.memref_slice %arg6[%dma_start3A_50] : memref<100000xi32, #tpu.memory_space<vmem_shared>> -> memref<100000xi32, #tpu.memory_space<vmem_shared>>
    tpu.enqueue_indirect_dma source(%dma_start3A_51 : memref<100000xi32, #tpu.memory_space<vmem_shared>>) target(%arg19 : memref<2000xi32, #tpu.memory_space<vmem>>) offsets(%arg9 : memref<2000xi32, #tpu.memory_space<vmem>>) semaphore(%arg37 : memref<!tpu.dma_semaphore, #tpu.memory_space<semaphore_mem>>)
    %add3A_52 = arith.constant 8000 : i32
    %add3A_53 = arith.addi %mul3A_2, %add3A_52 : i32
    %dma_start3A_54 = tpu.memref_slice %arg3[%add3A_53] : memref<1600000xi32, #tpu.memory_space<hbm>> -> memref<2000xi32, #tpu.memory_space<hbm>>
    %dma_start3A_55 = tpu.memref_slice %arg3[%add3A_53] : memref<1600000xi32, #tpu.memory_space<hbm>> -> memref<2000xi32, #tpu.memory_space<hbm>>
    tpu.enqueue_dma source(%dma_start3A_55 : memref<2000xi32, #tpu.memory_space<hbm>>) target(%arg11 : memref<2000xi32, #tpu.memory_space<vmem>>) target_semaphore(%arg29 : memref<!tpu.dma_semaphore, #tpu.memory_space<semaphore_mem>>)
    %dma_start3A_56 = tpu.memref_slice %arg2[%add3A_53] : memref<1600000xf32, #tpu.memory_space<hbm>> -> memref<2000xf32, #tpu.memory_space<hbm>>
    %dma_start3A_57 = tpu.memref_slice %arg2[%add3A_53] : memref<1600000xf32, #tpu.memory_space<hbm>> -> memref<2000xf32, #tpu.memory_space<hbm>>
    tpu.enqueue_dma source(%dma_start3A_57 : memref<2000xf32, #tpu.memory_space<hbm>>) target(%arg16 : memref<2000xf32, #tpu.memory_space<vmem>>) target_semaphore(%arg34 : memref<!tpu.dma_semaphore, #tpu.memory_space<semaphore_mem>>)
    %dma_wait3A_58 = arith.constant 0 : i32
    %dma_wait3A_59 = tpu.memref_slice %arg6[%dma_wait3A_58] : memref<100000xi32, #tpu.memory_space<vmem_shared>> -> memref<100000xi32, #tpu.memory_space<vmem_shared>>
    tpu.wait_indirect_dma semaphore(%arg36 : memref<!tpu.dma_semaphore, #tpu.memory_space<semaphore_mem>>) src(%dma_wait3A_59 : memref<100000xi32, #tpu.memory_space<vmem_shared>>) dst(%arg18 : memref<2000xi32, #tpu.memory_space<vmem>>)
    %dma_wait3A_60 = tpu.memref_slice %arg2[%add3A_11] : memref<1600000xf32, #tpu.memory_space<hbm>> -> memref<2000xf32, #tpu.memory_space<hbm>>
    %dma_wait3A_61 = tpu.memref_slice %arg2[%add3A_11] : memref<1600000xf32, #tpu.memory_space<hbm>> -> memref<2000xf32, #tpu.memory_space<hbm>>
    tpu.wait_dma2 semaphore(%arg31 : memref<!tpu.dma_semaphore, #tpu.memory_space<semaphore_mem>>) src(%dma_wait3A_61 : memref<2000xf32, #tpu.memory_space<hbm>>) dst(%arg13 : memref<2000xf32, #tpu.memory_space<vmem>>)
    %parallel_loop3A_62 = arith.constant 0 : i32
    %parallel_loop3A_63 = arith.constant 125 : i32
    %parallel_loop3A_64 = arith.constant 1 : i32
    scf.for %parallel_loop3A_437 = %parallel_loop3A_62 to %parallel_loop3A_63 step %parallel_loop3A_64  : i32 {
      %parallel_loop3A_438 = arith.constant 16 : i32
      %parallel_loop3A_439 = arith.muli %parallel_loop3A_437, %parallel_loop3A_438 : i32
      %parallel_loop3A_440 = arith.index_cast %parallel_loop3A_439 : i32 to index
      %parallel_loop3A_441 = tpu.vector_load %arg18[%parallel_loop3A_440] {strides = array<i32>} : memref<2000xi32, #tpu.memory_space<vmem>>, vector<16xi32>,
      %parallel_loop3A_442 = arith.constant 16 : i32
      %parallel_loop3A_443 = arith.muli %parallel_loop3A_437, %parallel_loop3A_442 : i32
      %parallel_loop3A_444 = arith.index_cast %parallel_loop3A_443 : i32 to index
      %parallel_loop3A_445 = tpu.vector_load %arg13[%parallel_loop3A_444] {strides = array<i32>} : memref<2000xf32, #tpu.memory_space<vmem>>, vector<16xf32>,
      %parallel_loop3A_446 = arith.addi %parallel_loop3A_441, %mul3A_27 : vector<16xi32>
      tpu.vector_store_idx %arg22[%parallel_loop3A_446], %parallel_loop3A_445 {add = true} : memref<8208xf32, #tpu.memory_space<vmem>>[vector<16xi32>], vector<16xf32>,
    } {sc.loop_unroll_factor = 5 : i64, sc.parallel_access}
    %dma_wait3A_65 = tpu.memref_slice %arg3[%add3A_36] : memref<1600000xi32, #tpu.memory_space<hbm>> -> memref<2000xi32, #tpu.memory_space<hbm>>
    %dma_wait3A_66 = tpu.memref_slice %arg3[%add3A_36] : memref<1600000xi32, #tpu.memory_space<hbm>> -> memref<2000xi32, #tpu.memory_space<hbm>>
    tpu.wait_dma2 semaphore(%arg28 : memref<!tpu.dma_semaphore, #tpu.memory_space<semaphore_mem>>) src(%dma_wait3A_66 : memref<2000xi32, #tpu.memory_space<hbm>>) dst(%arg10 : memref<2000xi32, #tpu.memory_space<vmem>>)
    %dma_start3A_67 = arith.constant 0 : i32
    %dma_start3A_68 = tpu.memref_slice %arg6[%dma_start3A_67] : memref<100000xi32, #tpu.memory_space<vmem_shared>> -> memref<100000xi32, #tpu.memory_space<vmem_shared>>
    tpu.enqueue_indirect_dma source(%dma_start3A_68 : memref<100000xi32, #tpu.memory_space<vmem_shared>>) target(%arg20 : memref<2000xi32, #tpu.memory_space<vmem>>) offsets(%arg10 : memref<2000xi32, #tpu.memory_space<vmem>>) semaphore(%arg38 : memref<!tpu.dma_semaphore, #tpu.memory_space<semaphore_mem>>)
    %add3A_69 = arith.constant 10000 : i32
    %add3A_70 = arith.addi %mul3A_2, %add3A_69 : i32
    %dma_start3A_71 = tpu.memref_slice %arg3[%add3A_70] : memref<1600000xi32, #tpu.memory_space<hbm>> -> memref<2000xi32, #tpu.memory_space<hbm>>
    %dma_start3A_72 = tpu.memref_slice %arg3[%add3A_70] : memref<1600000xi32, #tpu.memory_space<hbm>> -> memref<2000xi32, #tpu.memory_space<hbm>>
    tpu.enqueue_dma source(%dma_start3A_72 : memref<2000xi32, #tpu.memory_space<hbm>>) target(%arg7 : memref<2000xi32, #tpu.memory_space<vmem>>) target_semaphore(%arg25 : memref<!tpu.dma_semaphore, #tpu.memory_space<semaphore_mem>>)
    %dma_start3A_73 = tpu.memref_slice %arg2[%add3A_70] : memref<1600000xf32, #tpu.memory_space<hbm>> -> memref<2000xf32, #tpu.memory_space<hbm>>
    %dma_start3A_74 = tpu.memref_slice %arg2[%add3A_70] : memref<1600000xf32, #tpu.memory_space<hbm>> -> memref<2000xf32, #tpu.memory_space<hbm>>
    tpu.enqueue_dma source(%dma_start3A_74 : memref<2000xf32, #tpu.memory_space<hbm>>) target(%arg12 : memref<2000xf32, #tpu.memory_space<vmem>>) target_semaphore(%arg30 : memref<!tpu.dma_semaphore, #tpu.memory_space<semaphore_mem>>)
    %dma_wait3A_75 = arith.constant 0 : i32
    %dma_wait3A_76 = tpu.memref_slice %arg6[%dma_wait3A_75] : memref<100000xi32, #tpu.memory_space<vmem_shared>> -> memref<100000xi32, #tpu.memory_space<vmem_shared>>
    tpu.wait_indirect_dma semaphore(%arg37 : memref<!tpu.dma_semaphore, #tpu.memory_space<semaphore_mem>>) src(%dma_wait3A_76 : memref<100000xi32, #tpu.memory_space<vmem_shared>>) dst(%arg19 : memref<2000xi32, #tpu.memory_space<vmem>>)
    %dma_wait3A_77 = tpu.memref_slice %arg2[%add3A_17] : memref<1600000xf32, #tpu.memory_space<hbm>> -> memref<2000xf32, #tpu.memory_space<hbm>>
    %dma_wait3A_78 = tpu.memref_slice %arg2[%add3A_17] : memref<1600000xf32, #tpu.memory_space<hbm>> -> memref<2000xf32, #tpu.memory_space<hbm>>
    tpu.wait_dma2 semaphore(%arg32 : memref<!tpu.dma_semaphore, #tpu.memory_space<semaphore_mem>>) src(%dma_wait3A_78 : memref<2000xf32, #tpu.memory_space<hbm>>) dst(%arg14 : memref<2000xf32, #tpu.memory_space<vmem>>)
    %parallel_loop3A_79 = arith.constant 0 : i32
    %parallel_loop3A_80 = arith.constant 125 : i32
    %parallel_loop3A_81 = arith.constant 1 : i32
    scf.for %parallel_loop3A_437 = %parallel_loop3A_79 to %parallel_loop3A_80 step %parallel_loop3A_81  : i32 {
      %parallel_loop3A_438 = arith.constant 16 : i32
      %parallel_loop3A_439 = arith.muli %parallel_loop3A_437, %parallel_loop3A_438 : i32
      %parallel_loop3A_440 = arith.index_cast %parallel_loop3A_439 : i32 to index
      %parallel_loop3A_441 = tpu.vector_load %arg19[%parallel_loop3A_440] {strides = array<i32>} : memref<2000xi32, #tpu.memory_space<vmem>>, vector<16xi32>,
      %parallel_loop3A_442 = arith.constant 16 : i32
      %parallel_loop3A_443 = arith.muli %parallel_loop3A_437, %parallel_loop3A_442 : i32
      %parallel_loop3A_444 = arith.index_cast %parallel_loop3A_443 : i32 to index
      %parallel_loop3A_445 = tpu.vector_load %arg14[%parallel_loop3A_444] {strides = array<i32>} : memref<2000xf32, #tpu.memory_space<vmem>>, vector<16xf32>,
      %parallel_loop3A_446 = arith.addi %parallel_loop3A_441, %mul3A_27 : vector<16xi32>
      tpu.vector_store_idx %arg22[%parallel_loop3A_446], %parallel_loop3A_445 {add = true} : memref<8208xf32, #tpu.memory_space<vmem>>[vector<16xi32>], vector<16xf32>,
    } {sc.loop_unroll_factor = 5 : i64, sc.parallel_access}
    %dma_wait3A_82 = tpu.memref_slice %arg3[%add3A_53] : memref<1600000xi32, #tpu.memory_space<hbm>> -> memref<2000xi32, #tpu.memory_space<hbm>>
    %dma_wait3A_83 = tpu.memref_slice %arg3[%add3A_53] : memref<1600000xi32, #tpu.memory_space<hbm>> -> memref<2000xi32, #tpu.memory_space<hbm>>
    tpu.wait_dma2 semaphore(%arg29 : memref<!tpu.dma_semaphore, #tpu.memory_space<semaphore_mem>>) src(%dma_wait3A_83 : memref<2000xi32, #tpu.memory_space<hbm>>) dst(%arg11 : memref<2000xi32, #tpu.memory_space<vmem>>)
    %dma_start3A_84 = arith.constant 0 : i32
    %dma_start3A_85 = tpu.memref_slice %arg6[%dma_start3A_84] : memref<100000xi32, #tpu.memory_space<vmem_shared>> -> memref<100000xi32, #tpu.memory_space<vmem_shared>>
    tpu.enqueue_indirect_dma source(%dma_start3A_85 : memref<100000xi32, #tpu.memory_space<vmem_shared>>) target(%arg21 : memref<2000xi32, #tpu.memory_space<vmem>>) offsets(%arg11 : memref<2000xi32, #tpu.memory_space<vmem>>) semaphore(%arg39 : memref<!tpu.dma_semaphore, #tpu.memory_space<semaphore_mem>>)
    %add3A_86 = arith.constant 12000 : i32
    %add3A_87 = arith.addi %mul3A_2, %add3A_86 : i32
    %dma_start3A_88 = tpu.memref_slice %arg3[%add3A_87] : memref<1600000xi32, #tpu.memory_space<hbm>> -> memref<2000xi32, #tpu.memory_space<hbm>>
    %dma_start3A_89 = tpu.memref_slice %arg3[%add3A_87] : memref<1600000xi32, #tpu.memory_space<hbm>> -> memref<2000xi32, #tpu.memory_space<hbm>>
    tpu.enqueue_dma source(%dma_start3A_89 : memref<2000xi32, #tpu.memory_space<hbm>>) target(%arg8 : memref<2000xi32, #tpu.memory_space<vmem>>) target_semaphore(%arg26 : memref<!tpu.dma_semaphore, #tpu.memory_space<semaphore_mem>>)
    %dma_start3A_90 = tpu.memref_slice %arg2[%add3A_87] : memref<1600000xf32, #tpu.memory_space<hbm>> -> memref<2000xf32, #tpu.memory_space<hbm>>
    %dma_start3A_91 = tpu.memref_slice %arg2[%add3A_87] : memref<1600000xf32, #tpu.memory_space<hbm>> -> memref<2000xf32, #tpu.memory_space<hbm>>
    tpu.enqueue_dma source(%dma_start3A_91 : memref<2000xf32, #tpu.memory_space<hbm>>) target(%arg13 : memref<2000xf32, #tpu.memory_space<vmem>>) target_semaphore(%arg31 : memref<!tpu.dma_semaphore, #tpu.memory_space<semaphore_mem>>)
    %dma_wait3A_92 = arith.constant 0 : i32
    %dma_wait3A_93 = tpu.memref_slice %arg6[%dma_wait3A_92] : memref<100000xi32, #tpu.memory_space<vmem_shared>> -> memref<100000xi32, #tpu.memory_space<vmem_shared>>
    tpu.wait_indirect_dma semaphore(%arg38 : memref<!tpu.dma_semaphore, #tpu.memory_space<semaphore_mem>>) src(%dma_wait3A_93 : memref<100000xi32, #tpu.memory_space<vmem_shared>>) dst(%arg20 : memref<2000xi32, #tpu.memory_space<vmem>>)
    %dma_wait3A_94 = tpu.memref_slice %arg2[%add3A_36] : memref<1600000xf32, #tpu.memory_space<hbm>> -> memref<2000xf32, #tpu.memory_space<hbm>>
    %dma_wait3A_95 = tpu.memref_slice %arg2[%add3A_36] : memref<1600000xf32, #tpu.memory_space<hbm>> -> memref<2000xf32, #tpu.memory_space<hbm>>
    tpu.wait_dma2 semaphore(%arg33 : memref<!tpu.dma_semaphore, #tpu.memory_space<semaphore_mem>>) src(%dma_wait3A_95 : memref<2000xf32, #tpu.memory_space<hbm>>) dst(%arg15 : memref<2000xf32, #tpu.memory_space<vmem>>)
    %parallel_loop3A_96 = arith.constant 0 : i32
    %parallel_loop3A_97 = arith.constant 125 : i32
    %parallel_loop3A_98 = arith.constant 1 : i32
    scf.for %parallel_loop3A_437 = %parallel_loop3A_96 to %parallel_loop3A_97 step %parallel_loop3A_98  : i32 {
      %parallel_loop3A_438 = arith.constant 16 : i32
      %parallel_loop3A_439 = arith.muli %parallel_loop3A_437, %parallel_loop3A_438 : i32
      %parallel_loop3A_440 = arith.index_cast %parallel_loop3A_439 : i32 to index
      %parallel_loop3A_441 = tpu.vector_load %arg20[%parallel_loop3A_440] {strides = array<i32>} : memref<2000xi32, #tpu.memory_space<vmem>>, vector<16xi32>,
      %parallel_loop3A_442 = arith.constant 16 : i32
      %parallel_loop3A_443 = arith.muli %parallel_loop3A_437, %parallel_loop3A_442 : i32
      %parallel_loop3A_444 = arith.index_cast %parallel_loop3A_443 : i32 to index
      %parallel_loop3A_445 = tpu.vector_load %arg15[%parallel_loop3A_444] {strides = array<i32>} : memref<2000xf32, #tpu.memory_space<vmem>>, vector<16xf32>,
      %parallel_loop3A_446 = arith.addi %parallel_loop3A_441, %mul3A_27 : vector<16xi32>
      tpu.vector_store_idx %arg22[%parallel_loop3A_446], %parallel_loop3A_445 {add = true} : memref<8208xf32, #tpu.memory_space<vmem>>[vector<16xi32>], vector<16xf32>,
    } {sc.loop_unroll_factor = 5 : i64, sc.parallel_access}
    %dma_wait3A_99 = tpu.memref_slice %arg3[%add3A_70] : memref<1600000xi32, #tpu.memory_space<hbm>> -> memref<2000xi32, #tpu.memory_space<hbm>>
    %dma_wait3A_100 = tpu.memref_slice %arg3[%add3A_70] : memref<1600000xi32, #tpu.memory_space<hbm>> -> memref<2000xi32, #tpu.memory_space<hbm>>
    tpu.wait_dma2 semaphore(%arg25 : memref<!tpu.dma_semaphore, #tpu.memory_space<semaphore_mem>>) src(%dma_wait3A_100 : memref<2000xi32, #tpu.memory_space<hbm>>) dst(%arg7 : memref<2000xi32, #tpu.memory_space<vmem>>)
    %dma_start3A_101 = arith.constant 0 : i32
    %dma_start3A_102 = tpu.memref_slice %arg6[%dma_start3A_101] : memref<100000xi32, #tpu.memory_space<vmem_shared>> -> memref<100000xi32, #tpu.memory_space<vmem_shared>>
    tpu.enqueue_indirect_dma source(%dma_start3A_102 : memref<100000xi32, #tpu.memory_space<vmem_shared>>) target(%arg17 : memref<2000xi32, #tpu.memory_space<vmem>>) offsets(%arg7 : memref<2000xi32, #tpu.memory_space<vmem>>) semaphore(%arg35 : memref<!tpu.dma_semaphore, #tpu.memory_space<semaphore_mem>>)
    %add3A_103 = arith.constant 14000 : i32
    %add3A_104 = arith.addi %mul3A_2, %add3A_103 : i32
    %dma_start3A_105 = tpu.memref_slice %arg3[%add3A_104] : memref<1600000xi32, #tpu.memory_space<hbm>> -> memref<2000xi32, #tpu.memory_space<hbm>>
    %dma_start3A_106 = tpu.memref_slice %arg3[%add3A_104] : memref<1600000xi32, #tpu.memory_space<hbm>> -> memref<2000xi32, #tpu.memory_space<hbm>>
    tpu.enqueue_dma source(%dma_start3A_106 : memref<2000xi32, #tpu.memory_space<hbm>>) target(%arg9 : memref<2000xi32, #tpu.memory_space<vmem>>) target_semaphore(%arg27 : memref<!tpu.dma_semaphore, #tpu.memory_space<semaphore_mem>>)
    %dma_start3A_107 = tpu.memref_slice %arg2[%add3A_104] : memref<1600000xf32, #tpu.memory_space<hbm>> -> memref<2000xf32, #tpu.memory_space<hbm>>
    %dma_start3A_108 = tpu.memref_slice %arg2[%add3A_104] : memref<1600000xf32, #tpu.memory_space<hbm>> -> memref<2000xf32, #tpu.memory_space<hbm>>
    tpu.enqueue_dma source(%dma_start3A_108 : memref<2000xf32, #tpu.memory_space<hbm>>) target(%arg14 : memref<2000xf32, #tpu.memory_space<vmem>>) target_semaphore(%arg32 : memref<!tpu.dma_semaphore, #tpu.memory_space<semaphore_mem>>)
    %dma_wait3A_109 = arith.constant 0 : i32
    %dma_wait3A_110 = tpu.memref_slice %arg6[%dma_wait3A_109] : memref<100000xi32, #tpu.memory_space<vmem_shared>> -> memref<100000xi32, #tpu.memory_space<vmem_shared>>
    tpu.wait_indirect_dma semaphore(%arg39 : memref<!tpu.dma_semaphore, #tpu.memory_space<semaphore_mem>>) src(%dma_wait3A_110 : memref<100000xi32, #tpu.memory_space<vmem_shared>>) dst(%arg21 : memref<2000xi32, #tpu.memory_space<vmem>>)
    %dma_wait3A_111 = tpu.memref_slice %arg2[%add3A_53] : memref<1600000xf32, #tpu.memory_space<hbm>> -> memref<2000xf32, #tpu.memory_space<hbm>>
    %dma_wait3A_112 = tpu.memref_slice %arg2[%add3A_53] : memref<1600000xf32, #tpu.memory_space<hbm>> -> memref<2000xf32, #tpu.memory_space<hbm>>
    tpu.wait_dma2 semaphore(%arg34 : memref<!tpu.dma_semaphore, #tpu.memory_space<semaphore_mem>>) src(%dma_wait3A_112 : memref<2000xf32, #tpu.memory_space<hbm>>) dst(%arg16 : memref<2000xf32, #tpu.memory_space<vmem>>)
    %parallel_loop3A_113 = arith.constant 0 : i32
    %parallel_loop3A_114 = arith.constant 125 : i32
    %parallel_loop3A_115 = arith.constant 1 : i32
    scf.for %parallel_loop3A_437 = %parallel_loop3A_113 to %parallel_loop3A_114 step %parallel_loop3A_115  : i32 {
      %parallel_loop3A_438 = arith.constant 16 : i32
      %parallel_loop3A_439 = arith.muli %parallel_loop3A_437, %parallel_loop3A_438 : i32
      %parallel_loop3A_440 = arith.index_cast %parallel_loop3A_439 : i32 to index
      %parallel_loop3A_441 = tpu.vector_load %arg21[%parallel_loop3A_440] {strides = array<i32>} : memref<2000xi32, #tpu.memory_space<vmem>>, vector<16xi32>,
      %parallel_loop3A_442 = arith.constant 16 : i32
      %parallel_loop3A_443 = arith.muli %parallel_loop3A_437, %parallel_loop3A_442 : i32
      %parallel_loop3A_444 = arith.index_cast %parallel_loop3A_443 : i32 to index
      %parallel_loop3A_445 = tpu.vector_load %arg16[%parallel_loop3A_444] {strides = array<i32>} : memref<2000xf32, #tpu.memory_space<vmem>>, vector<16xf32>,
      %parallel_loop3A_446 = arith.addi %parallel_loop3A_441, %mul3A_27 : vector<16xi32>
      tpu.vector_store_idx %arg22[%parallel_loop3A_446], %parallel_loop3A_445 {add = true} : memref<8208xf32, #tpu.memory_space<vmem>>[vector<16xi32>], vector<16xf32>,
    } {sc.loop_unroll_factor = 5 : i64, sc.parallel_access}
    %dma_wait3A_116 = tpu.memref_slice %arg3[%add3A_87] : memref<1600000xi32, #tpu.memory_space<hbm>> -> memref<2000xi32, #tpu.memory_space<hbm>>
    %dma_wait3A_117 = tpu.memref_slice %arg3[%add3A_87] : memref<1600000xi32, #tpu.memory_space<hbm>> -> memref<2000xi32, #tpu.memory_space<hbm>>
    tpu.wait_dma2 semaphore(%arg26 : memref<!tpu.dma_semaphore, #tpu.memory_space<semaphore_mem>>) src(%dma_wait3A_117 : memref<2000xi32, #tpu.memory_space<hbm>>) dst(%arg8 : memref<2000xi32, #tpu.memory_space<vmem>>)
    %dma_start3A_118 = arith.constant 0 : i32
    %dma_start3A_119 = tpu.memref_slice %arg6[%dma_start3A_118] : memref<100000xi32, #tpu.memory_space<vmem_shared>> -> memref<100000xi32, #tpu.memory_space<vmem_shared>>
    tpu.enqueue_indirect_dma source(%dma_start3A_119 : memref<100000xi32, #tpu.memory_space<vmem_shared>>) target(%arg18 : memref<2000xi32, #tpu.memory_space<vmem>>) offsets(%arg8 : memref<2000xi32, #tpu.memory_space<vmem>>) semaphore(%arg36 : memref<!tpu.dma_semaphore, #tpu.memory_space<semaphore_mem>>)
    %add3A_120 = arith.constant 16000 : i32
    %add3A_121 = arith.addi %mul3A_2, %add3A_120 : i32
    %dma_start3A_122 = tpu.memref_slice %arg3[%add3A_121] : memref<1600000xi32, #tpu.memory_space<hbm>> -> memref<2000xi32, #tpu.memory_space<hbm>>
    %dma_start3A_123 = tpu.memref_slice %arg3[%add3A_121] : memref<1600000xi32, #tpu.memory_space<hbm>> -> memref<2000xi32, #tpu.memory_space<hbm>>
    tpu.enqueue_dma source(%dma_start3A_123 : memref<2000xi32, #tpu.memory_space<hbm>>) target(%arg10 : memref<2000xi32, #tpu.memory_space<vmem>>) target_semaphore(%arg28 : memref<!tpu.dma_semaphore, #tpu.memory_space<semaphore_mem>>)
    %dma_start3A_124 = tpu.memref_slice %arg2[%add3A_121] : memref<1600000xf32, #tpu.memory_space<hbm>> -> memref<2000xf32, #tpu.memory_space<hbm>>
    %dma_start3A_125 = tpu.memref_slice %arg2[%add3A_121] : memref<1600000xf32, #tpu.memory_space<hbm>> -> memref<2000xf32, #tpu.memory_space<hbm>>
    tpu.enqueue_dma source(%dma_start3A_125 : memref<2000xf32, #tpu.memory_space<hbm>>) target(%arg15 : memref<2000xf32, #tpu.memory_space<vmem>>) target_semaphore(%arg33 : memref<!tpu.dma_semaphore, #tpu.memory_space<semaphore_mem>>)
    %dma_wait3A_126 = arith.constant 0 : i32
    %dma_wait3A_127 = tpu.memref_slice %arg6[%dma_wait3A_126] : memref<100000xi32, #tpu.memory_space<vmem_shared>> -> memref<100000xi32, #tpu.memory_space<vmem_shared>>
    tpu.wait_indirect_dma semaphore(%arg35 : memref<!tpu.dma_semaphore, #tpu.memory_space<semaphore_mem>>) src(%dma_wait3A_127 : memref<100000xi32, #tpu.memory_space<vmem_shared>>) dst(%arg17 : memref<2000xi32, #tpu.memory_space<vmem>>)
    %dma_wait3A_128 = tpu.memref_slice %arg2[%add3A_70] : memref<1600000xf32, #tpu.memory_space<hbm>> -> memref<2000xf32, #tpu.memory_space<hbm>>
    %dma_wait3A_129 = tpu.memref_slice %arg2[%add3A_70] : memref<1600000xf32, #tpu.memory_space<hbm>> -> memref<2000xf32, #tpu.memory_space<hbm>>
    tpu.wait_dma2 semaphore(%arg30 : memref<!tpu.dma_semaphore, #tpu.memory_space<semaphore_mem>>) src(%dma_wait3A_129 : memref<2000xf32, #tpu.memory_space<hbm>>) dst(%arg12 : memref<2000xf32, #tpu.memory_space<vmem>>)
    %parallel_loop3A_130 = arith.constant 0 : i32
    %parallel_loop3A_131 = arith.constant 125 : i32
    %parallel_loop3A_132 = arith.constant 1 : i32
    scf.for %parallel_loop3A_437 = %parallel_loop3A_130 to %parallel_loop3A_131 step %parallel_loop3A_132  : i32 {
      %parallel_loop3A_438 = arith.constant 16 : i32
      %parallel_loop3A_439 = arith.muli %parallel_loop3A_437, %parallel_loop3A_438 : i32
      %parallel_loop3A_440 = arith.index_cast %parallel_loop3A_439 : i32 to index
      %parallel_loop3A_441 = tpu.vector_load %arg17[%parallel_loop3A_440] {strides = array<i32>} : memref<2000xi32, #tpu.memory_space<vmem>>, vector<16xi32>,
      %parallel_loop3A_442 = arith.constant 16 : i32
      %parallel_loop3A_443 = arith.muli %parallel_loop3A_437, %parallel_loop3A_442 : i32
      %parallel_loop3A_444 = arith.index_cast %parallel_loop3A_443 : i32 to index
      %parallel_loop3A_445 = tpu.vector_load %arg12[%parallel_loop3A_444] {strides = array<i32>} : memref<2000xf32, #tpu.memory_space<vmem>>, vector<16xf32>,
      %parallel_loop3A_446 = arith.addi %parallel_loop3A_441, %mul3A_27 : vector<16xi32>
      tpu.vector_store_idx %arg22[%parallel_loop3A_446], %parallel_loop3A_445 {add = true} : memref<8208xf32, #tpu.memory_space<vmem>>[vector<16xi32>], vector<16xf32>,
    } {sc.loop_unroll_factor = 5 : i64, sc.parallel_access}
    %dma_wait3A_133 = tpu.memref_slice %arg3[%add3A_104] : memref<1600000xi32, #tpu.memory_space<hbm>> -> memref<2000xi32, #tpu.memory_space<hbm>>
    %dma_wait3A_134 = tpu.memref_slice %arg3[%add3A_104] : memref<1600000xi32, #tpu.memory_space<hbm>> -> memref<2000xi32, #tpu.memory_space<hbm>>
    tpu.wait_dma2 semaphore(%arg27 : memref<!tpu.dma_semaphore, #tpu.memory_space<semaphore_mem>>) src(%dma_wait3A_134 : memref<2000xi32, #tpu.memory_space<hbm>>) dst(%arg9 : memref<2000xi32, #tpu.memory_space<vmem>>)
    %dma_start3A_135 = arith.constant 0 : i32
    %dma_start3A_136 = tpu.memref_slice %arg6[%dma_start3A_135] : memref<100000xi32, #tpu.memory_space<vmem_shared>> -> memref<100000xi32, #tpu.memory_space<vmem_shared>>
    tpu.enqueue_indirect_dma source(%dma_start3A_136 : memref<100000xi32, #tpu.memory_space<vmem_shared>>) target(%arg19 : memref<2000xi32, #tpu.memory_space<vmem>>) offsets(%arg9 : memref<2000xi32, #tpu.memory_space<vmem>>) semaphore(%arg37 : memref<!tpu.dma_semaphore, #tpu.memory_space<semaphore_mem>>)
    %add3A_137 = arith.constant 18000 : i32
    %add3A_138 = arith.addi %mul3A_2, %add3A_137 : i32
    %dma_start3A_139 = tpu.memref_slice %arg3[%add3A_138] : memref<1600000xi32, #tpu.memory_space<hbm>> -> memref<2000xi32, #tpu.memory_space<hbm>>
    %dma_start3A_140 = tpu.memref_slice %arg3[%add3A_138] : memref<1600000xi32, #tpu.memory_space<hbm>> -> memref<2000xi32, #tpu.memory_space<hbm>>
    tpu.enqueue_dma source(%dma_start3A_140 : memref<2000xi32, #tpu.memory_space<hbm>>) target(%arg11 : memref<2000xi32, #tpu.memory_space<vmem>>) target_semaphore(%arg29 : memref<!tpu.dma_semaphore, #tpu.memory_space<semaphore_mem>>)
    %dma_start3A_141 = tpu.memref_slice %arg2[%add3A_138] : memref<1600000xf32, #tpu.memory_space<hbm>> -> memref<2000xf32, #tpu.memory_space<hbm>>
    %dma_start3A_142 = tpu.memref_slice %arg2[%add3A_138] : memref<1600000xf32, #tpu.memory_space<hbm>> -> memref<2000xf32, #tpu.memory_space<hbm>>
    tpu.enqueue_dma source(%dma_start3A_142 : memref<2000xf32, #tpu.memory_space<hbm>>) target(%arg16 : memref<2000xf32, #tpu.memory_space<vmem>>) target_semaphore(%arg34 : memref<!tpu.dma_semaphore, #tpu.memory_space<semaphore_mem>>)
    %dma_wait3A_143 = arith.constant 0 : i32
    %dma_wait3A_144 = tpu.memref_slice %arg6[%dma_wait3A_143] : memref<100000xi32, #tpu.memory_space<vmem_shared>> -> memref<100000xi32, #tpu.memory_space<vmem_shared>>
    tpu.wait_indirect_dma semaphore(%arg36 : memref<!tpu.dma_semaphore, #tpu.memory_space<semaphore_mem>>) src(%dma_wait3A_144 : memref<100000xi32, #tpu.memory_space<vmem_shared>>) dst(%arg18 : memref<2000xi32, #tpu.memory_space<vmem>>)
    %dma_wait3A_145 = tpu.memref_slice %arg2[%add3A_87] : memref<1600000xf32, #tpu.memory_space<hbm>> -> memref<2000xf32, #tpu.memory_space<hbm>>
    %dma_wait3A_146 = tpu.memref_slice %arg2[%add3A_87] : memref<1600000xf32, #tpu.memory_space<hbm>> -> memref<2000xf32, #tpu.memory_space<hbm>>
    tpu.wait_dma2 semaphore(%arg31 : memref<!tpu.dma_semaphore, #tpu.memory_space<semaphore_mem>>) src(%dma_wait3A_146 : memref<2000xf32, #tpu.memory_space<hbm>>) dst(%arg13 : memref<2000xf32, #tpu.memory_space<vmem>>)
    %parallel_loop3A_147 = arith.constant 0 : i32
    %parallel_loop3A_148 = arith.constant 125 : i32
    %parallel_loop3A_149 = arith.constant 1 : i32
    scf.for %parallel_loop3A_437 = %parallel_loop3A_147 to %parallel_loop3A_148 step %parallel_loop3A_149  : i32 {
      %parallel_loop3A_438 = arith.constant 16 : i32
      %parallel_loop3A_439 = arith.muli %parallel_loop3A_437, %parallel_loop3A_438 : i32
      %parallel_loop3A_440 = arith.index_cast %parallel_loop3A_439 : i32 to index
      %parallel_loop3A_441 = tpu.vector_load %arg18[%parallel_loop3A_440] {strides = array<i32>} : memref<2000xi32, #tpu.memory_space<vmem>>, vector<16xi32>,
      %parallel_loop3A_442 = arith.constant 16 : i32
      %parallel_loop3A_443 = arith.muli %parallel_loop3A_437, %parallel_loop3A_442 : i32
      %parallel_loop3A_444 = arith.index_cast %parallel_loop3A_443 : i32 to index
      %parallel_loop3A_445 = tpu.vector_load %arg13[%parallel_loop3A_444] {strides = array<i32>} : memref<2000xf32, #tpu.memory_space<vmem>>, vector<16xf32>,
      %parallel_loop3A_446 = arith.addi %parallel_loop3A_441, %mul3A_27 : vector<16xi32>
      tpu.vector_store_idx %arg22[%parallel_loop3A_446], %parallel_loop3A_445 {add = true} : memref<8208xf32, #tpu.memory_space<vmem>>[vector<16xi32>], vector<16xf32>,
    } {sc.loop_unroll_factor = 5 : i64, sc.parallel_access}
    %dma_wait3A_150 = tpu.memref_slice %arg3[%add3A_121] : memref<1600000xi32, #tpu.memory_space<hbm>> -> memref<2000xi32, #tpu.memory_space<hbm>>
    %dma_wait3A_151 = tpu.memref_slice %arg3[%add3A_121] : memref<1600000xi32, #tpu.memory_space<hbm>> -> memref<2000xi32, #tpu.memory_space<hbm>>
    tpu.wait_dma2 semaphore(%arg28 : memref<!tpu.dma_semaphore, #tpu.memory_space<semaphore_mem>>) src(%dma_wait3A_151 : memref<2000xi32, #tpu.memory_space<hbm>>) dst(%arg10 : memref<2000xi32, #tpu.memory_space<vmem>>)
    %dma_start3A_152 = arith.constant 0 : i32
    %dma_start3A_153 = tpu.memref_slice %arg6[%dma_start3A_152] : memref<100000xi32, #tpu.memory_space<vmem_shared>> -> memref<100000xi32, #tpu.memory_space<vmem_shared>>
    tpu.enqueue_indirect_dma source(%dma_start3A_153 : memref<100000xi32, #tpu.memory_space<vmem_shared>>) target(%arg20 : memref<2000xi32, #tpu.memory_space<vmem>>) offsets(%arg10 : memref<2000xi32, #tpu.memory_space<vmem>>) semaphore(%arg38 : memref<!tpu.dma_semaphore, #tpu.memory_space<semaphore_mem>>)
    %add3A_154 = arith.constant 20000 : i32
    %add3A_155 = arith.addi %mul3A_2, %add3A_154 : i32
    %dma_start3A_156 = tpu.memref_slice %arg3[%add3A_155] : memref<1600000xi32, #tpu.memory_space<hbm>> -> memref<2000xi32, #tpu.memory_space<hbm>>
    %dma_start3A_157 = tpu.memref_slice %arg3[%add3A_155] : memref<1600000xi32, #tpu.memory_space<hbm>> -> memref<2000xi32, #tpu.memory_space<hbm>>
    tpu.enqueue_dma source(%dma_start3A_157 : memref<2000xi32, #tpu.memory_space<hbm>>) target(%arg7 : memref<2000xi32, #tpu.memory_space<vmem>>) target_semaphore(%arg25 : memref<!tpu.dma_semaphore, #tpu.memory_space<semaphore_mem>>)
    %dma_start3A_158 = tpu.memref_slice %arg2[%add3A_155] : memref<1600000xf32, #tpu.memory_space<hbm>> -> memref<2000xf32, #tpu.memory_space<hbm>>
    %dma_start3A_159 = tpu.memref_slice %arg2[%add3A_155] : memref<1600000xf32, #tpu.memory_space<hbm>> -> memref<2000xf32, #tpu.memory_space<hbm>>
    tpu.enqueue_dma source(%dma_start3A_159 : memref<2000xf32, #tpu.memory_space<hbm>>) target(%arg12 : memref<2000xf32, #tpu.memory_space<vmem>>) target_semaphore(%arg30 : memref<!tpu.dma_semaphore, #tpu.memory_space<semaphore_mem>>)
    %dma_wait3A_160 = arith.constant 0 : i32
    %dma_wait3A_161 = tpu.memref_slice %arg6[%dma_wait3A_160] : memref<100000xi32, #tpu.memory_space<vmem_shared>> -> memref<100000xi32, #tpu.memory_space<vmem_shared>>
    tpu.wait_indirect_dma semaphore(%arg37 : memref<!tpu.dma_semaphore, #tpu.memory_space<semaphore_mem>>) src(%dma_wait3A_161 : memref<100000xi32, #tpu.memory_space<vmem_shared>>) dst(%arg19 : memref<2000xi32, #tpu.memory_space<vmem>>)
    %dma_wait3A_162 = tpu.memref_slice %arg2[%add3A_104] : memref<1600000xf32, #tpu.memory_space<hbm>> -> memref<2000xf32, #tpu.memory_space<hbm>>
    %dma_wait3A_163 = tpu.memref_slice %arg2[%add3A_104] : memref<1600000xf32, #tpu.memory_space<hbm>> -> memref<2000xf32, #tpu.memory_space<hbm>>
    tpu.wait_dma2 semaphore(%arg32 : memref<!tpu.dma_semaphore, #tpu.memory_space<semaphore_mem>>) src(%dma_wait3A_163 : memref<2000xf32, #tpu.memory_space<hbm>>) dst(%arg14 : memref<2000xf32, #tpu.memory_space<vmem>>)
    %parallel_loop3A_164 = arith.constant 0 : i32
    %parallel_loop3A_165 = arith.constant 125 : i32
    %parallel_loop3A_166 = arith.constant 1 : i32
    scf.for %parallel_loop3A_437 = %parallel_loop3A_164 to %parallel_loop3A_165 step %parallel_loop3A_166  : i32 {
      %parallel_loop3A_438 = arith.constant 16 : i32
      %parallel_loop3A_439 = arith.muli %parallel_loop3A_437, %parallel_loop3A_438 : i32
      %parallel_loop3A_440 = arith.index_cast %parallel_loop3A_439 : i32 to index
      %parallel_loop3A_441 = tpu.vector_load %arg19[%parallel_loop3A_440] {strides = array<i32>} : memref<2000xi32, #tpu.memory_space<vmem>>, vector<16xi32>,
      %parallel_loop3A_442 = arith.constant 16 : i32
      %parallel_loop3A_443 = arith.muli %parallel_loop3A_437, %parallel_loop3A_442 : i32
      %parallel_loop3A_444 = arith.index_cast %parallel_loop3A_443 : i32 to index
      %parallel_loop3A_445 = tpu.vector_load %arg14[%parallel_loop3A_444] {strides = array<i32>} : memref<2000xf32, #tpu.memory_space<vmem>>, vector<16xf32>,
      %parallel_loop3A_446 = arith.addi %parallel_loop3A_441, %mul3A_27 : vector<16xi32>
      tpu.vector_store_idx %arg22[%parallel_loop3A_446], %parallel_loop3A_445 {add = true} : memref<8208xf32, #tpu.memory_space<vmem>>[vector<16xi32>], vector<16xf32>,
    } {sc.loop_unroll_factor = 5 : i64, sc.parallel_access}
    %dma_wait3A_167 = tpu.memref_slice %arg3[%add3A_138] : memref<1600000xi32, #tpu.memory_space<hbm>> -> memref<2000xi32, #tpu.memory_space<hbm>>
    %dma_wait3A_168 = tpu.memref_slice %arg3[%add3A_138] : memref<1600000xi32, #tpu.memory_space<hbm>> -> memref<2000xi32, #tpu.memory_space<hbm>>
    tpu.wait_dma2 semaphore(%arg29 : memref<!tpu.dma_semaphore, #tpu.memory_space<semaphore_mem>>) src(%dma_wait3A_168 : memref<2000xi32, #tpu.memory_space<hbm>>) dst(%arg11 : memref<2000xi32, #tpu.memory_space<vmem>>)
    %dma_start3A_169 = arith.constant 0 : i32
    %dma_start3A_170 = tpu.memref_slice %arg6[%dma_start3A_169] : memref<100000xi32, #tpu.memory_space<vmem_shared>> -> memref<100000xi32, #tpu.memory_space<vmem_shared>>
    tpu.enqueue_indirect_dma source(%dma_start3A_170 : memref<100000xi32, #tpu.memory_space<vmem_shared>>) target(%arg21 : memref<2000xi32, #tpu.memory_space<vmem>>) offsets(%arg11 : memref<2000xi32, #tpu.memory_space<vmem>>) semaphore(%arg39 : memref<!tpu.dma_semaphore, #tpu.memory_space<semaphore_mem>>)
    %add3A_171 = arith.constant 22000 : i32
    %add3A_172 = arith.addi %mul3A_2, %add3A_171 : i32
    %dma_start3A_173 = tpu.memref_slice %arg3[%add3A_172] : memref<1600000xi32, #tpu.memory_space<hbm>> -> memref<2000xi32, #tpu.memory_space<hbm>>
    %dma_start3A_174 = tpu.memref_slice %arg3[%add3A_172] : memref<1600000xi32, #tpu.memory_space<hbm>> -> memref<2000xi32, #tpu.memory_space<hbm>>
    tpu.enqueue_dma source(%dma_start3A_174 : memref<2000xi32, #tpu.memory_space<hbm>>) target(%arg8 : memref<2000xi32, #tpu.memory_space<vmem>>) target_semaphore(%arg26 : memref<!tpu.dma_semaphore, #tpu.memory_space<semaphore_mem>>)
    %dma_start3A_175 = tpu.memref_slice %arg2[%add3A_172] : memref<1600000xf32, #tpu.memory_space<hbm>> -> memref<2000xf32, #tpu.memory_space<hbm>>
    %dma_start3A_176 = tpu.memref_slice %arg2[%add3A_172] : memref<1600000xf32, #tpu.memory_space<hbm>> -> memref<2000xf32, #tpu.memory_space<hbm>>
    tpu.enqueue_dma source(%dma_start3A_176 : memref<2000xf32, #tpu.memory_space<hbm>>) target(%arg13 : memref<2000xf32, #tpu.memory_space<vmem>>) target_semaphore(%arg31 : memref<!tpu.dma_semaphore, #tpu.memory_space<semaphore_mem>>)
    %dma_wait3A_177 = arith.constant 0 : i32
    %dma_wait3A_178 = tpu.memref_slice %arg6[%dma_wait3A_177] : memref<100000xi32, #tpu.memory_space<vmem_shared>> -> memref<100000xi32, #tpu.memory_space<vmem_shared>>
    tpu.wait_indirect_dma semaphore(%arg38 : memref<!tpu.dma_semaphore, #tpu.memory_space<semaphore_mem>>) src(%dma_wait3A_178 : memref<100000xi32, #tpu.memory_space<vmem_shared>>) dst(%arg20 : memref<2000xi32, #tpu.memory_space<vmem>>)
    %dma_wait3A_179 = tpu.memref_slice %arg2[%add3A_121] : memref<1600000xf32, #tpu.memory_space<hbm>> -> memref<2000xf32, #tpu.memory_space<hbm>>
    %dma_wait3A_180 = tpu.memref_slice %arg2[%add3A_121] : memref<1600000xf32, #tpu.memory_space<hbm>> -> memref<2000xf32, #tpu.memory_space<hbm>>
    tpu.wait_dma2 semaphore(%arg33 : memref<!tpu.dma_semaphore, #tpu.memory_space<semaphore_mem>>) src(%dma_wait3A_180 : memref<2000xf32, #tpu.memory_space<hbm>>) dst(%arg15 : memref<2000xf32, #tpu.memory_space<vmem>>)
    %parallel_loop3A_181 = arith.constant 0 : i32
    %parallel_loop3A_182 = arith.constant 125 : i32
    %parallel_loop3A_183 = arith.constant 1 : i32
    scf.for %parallel_loop3A_437 = %parallel_loop3A_181 to %parallel_loop3A_182 step %parallel_loop3A_183  : i32 {
      %parallel_loop3A_438 = arith.constant 16 : i32
      %parallel_loop3A_439 = arith.muli %parallel_loop3A_437, %parallel_loop3A_438 : i32
      %parallel_loop3A_440 = arith.index_cast %parallel_loop3A_439 : i32 to index
      %parallel_loop3A_441 = tpu.vector_load %arg20[%parallel_loop3A_440] {strides = array<i32>} : memref<2000xi32, #tpu.memory_space<vmem>>, vector<16xi32>,
      %parallel_loop3A_442 = arith.constant 16 : i32
      %parallel_loop3A_443 = arith.muli %parallel_loop3A_437, %parallel_loop3A_442 : i32
      %parallel_loop3A_444 = arith.index_cast %parallel_loop3A_443 : i32 to index
      %parallel_loop3A_445 = tpu.vector_load %arg15[%parallel_loop3A_444] {strides = array<i32>} : memref<2000xf32, #tpu.memory_space<vmem>>, vector<16xf32>,
      %parallel_loop3A_446 = arith.addi %parallel_loop3A_441, %mul3A_27 : vector<16xi32>
      tpu.vector_store_idx %arg22[%parallel_loop3A_446], %parallel_loop3A_445 {add = true} : memref<8208xf32, #tpu.memory_space<vmem>>[vector<16xi32>], vector<16xf32>,
    } {sc.loop_unroll_factor = 5 : i64, sc.parallel_access}
    %dma_wait3A_184 = tpu.memref_slice %arg3[%add3A_155] : memref<1600000xi32, #tpu.memory_space<hbm>> -> memref<2000xi32, #tpu.memory_space<hbm>>
    %dma_wait3A_185 = tpu.memref_slice %arg3[%add3A_155] : memref<1600000xi32, #tpu.memory_space<hbm>> -> memref<2000xi32, #tpu.memory_space<hbm>>
    tpu.wait_dma2 semaphore(%arg25 : memref<!tpu.dma_semaphore, #tpu.memory_space<semaphore_mem>>) src(%dma_wait3A_185 : memref<2000xi32, #tpu.memory_space<hbm>>) dst(%arg7 : memref<2000xi32, #tpu.memory_space<vmem>>)
    %dma_start3A_186 = arith.constant 0 : i32
    %dma_start3A_187 = tpu.memref_slice %arg6[%dma_start3A_186] : memref<100000xi32, #tpu.memory_space<vmem_shared>> -> memref<100000xi32, #tpu.memory_space<vmem_shared>>
    tpu.enqueue_indirect_dma source(%dma_start3A_187 : memref<100000xi32, #tpu.memory_space<vmem_shared>>) target(%arg17 : memref<2000xi32, #tpu.memory_space<vmem>>) offsets(%arg7 : memref<2000xi32, #tpu.memory_space<vmem>>) semaphore(%arg35 : memref<!tpu.dma_semaphore, #tpu.memory_space<semaphore_mem>>)
    %add3A_188 = arith.constant 24000 : i32
    %add3A_189 = arith.addi %mul3A_2, %add3A_188 : i32
    %dma_start3A_190 = tpu.memref_slice %arg3[%add3A_189] : memref<1600000xi32, #tpu.memory_space<hbm>> -> memref<2000xi32, #tpu.memory_space<hbm>>
    %dma_start3A_191 = tpu.memref_slice %arg3[%add3A_189] : memref<1600000xi32, #tpu.memory_space<hbm>> -> memref<2000xi32, #tpu.memory_space<hbm>>
    tpu.enqueue_dma source(%dma_start3A_191 : memref<2000xi32, #tpu.memory_space<hbm>>) target(%arg9 : memref<2000xi32, #tpu.memory_space<vmem>>) target_semaphore(%arg27 : memref<!tpu.dma_semaphore, #tpu.memory_space<semaphore_mem>>)
    %dma_start3A_192 = tpu.memref_slice %arg2[%add3A_189] : memref<1600000xf32, #tpu.memory_space<hbm>> -> memref<2000xf32, #tpu.memory_space<hbm>>
    %dma_start3A_193 = tpu.memref_slice %arg2[%add3A_189] : memref<1600000xf32, #tpu.memory_space<hbm>> -> memref<2000xf32, #tpu.memory_space<hbm>>
    tpu.enqueue_dma source(%dma_start3A_193 : memref<2000xf32, #tpu.memory_space<hbm>>) target(%arg14 : memref<2000xf32, #tpu.memory_space<vmem>>) target_semaphore(%arg32 : memref<!tpu.dma_semaphore, #tpu.memory_space<semaphore_mem>>)
    %dma_wait3A_194 = arith.constant 0 : i32
    %dma_wait3A_195 = tpu.memref_slice %arg6[%dma_wait3A_194] : memref<100000xi32, #tpu.memory_space<vmem_shared>> -> memref<100000xi32, #tpu.memory_space<vmem_shared>>
    tpu.wait_indirect_dma semaphore(%arg39 : memref<!tpu.dma_semaphore, #tpu.memory_space<semaphore_mem>>) src(%dma_wait3A_195 : memref<100000xi32, #tpu.memory_space<vmem_shared>>) dst(%arg21 : memref<2000xi32, #tpu.memory_space<vmem>>)
    %dma_wait3A_196 = tpu.memref_slice %arg2[%add3A_138] : memref<1600000xf32, #tpu.memory_space<hbm>> -> memref<2000xf32, #tpu.memory_space<hbm>>
    %dma_wait3A_197 = tpu.memref_slice %arg2[%add3A_138] : memref<1600000xf32, #tpu.memory_space<hbm>> -> memref<2000xf32, #tpu.memory_space<hbm>>
    tpu.wait_dma2 semaphore(%arg34 : memref<!tpu.dma_semaphore, #tpu.memory_space<semaphore_mem>>) src(%dma_wait3A_197 : memref<2000xf32, #tpu.memory_space<hbm>>) dst(%arg16 : memref<2000xf32, #tpu.memory_space<vmem>>)
    %parallel_loop3A_198 = arith.constant 0 : i32
    %parallel_loop3A_199 = arith.constant 125 : i32
    %parallel_loop3A_200 = arith.constant 1 : i32
    scf.for %parallel_loop3A_437 = %parallel_loop3A_198 to %parallel_loop3A_199 step %parallel_loop3A_200  : i32 {
      %parallel_loop3A_438 = arith.constant 16 : i32
      %parallel_loop3A_439 = arith.muli %parallel_loop3A_437, %parallel_loop3A_438 : i32
      %parallel_loop3A_440 = arith.index_cast %parallel_loop3A_439 : i32 to index
      %parallel_loop3A_441 = tpu.vector_load %arg21[%parallel_loop3A_440] {strides = array<i32>} : memref<2000xi32, #tpu.memory_space<vmem>>, vector<16xi32>,
      %parallel_loop3A_442 = arith.constant 16 : i32
      %parallel_loop3A_443 = arith.muli %parallel_loop3A_437, %parallel_loop3A_442 : i32
      %parallel_loop3A_444 = arith.index_cast %parallel_loop3A_443 : i32 to index
      %parallel_loop3A_445 = tpu.vector_load %arg16[%parallel_loop3A_444] {strides = array<i32>} : memref<2000xf32, #tpu.memory_space<vmem>>, vector<16xf32>,
      %parallel_loop3A_446 = arith.addi %parallel_loop3A_441, %mul3A_27 : vector<16xi32>
      tpu.vector_store_idx %arg22[%parallel_loop3A_446], %parallel_loop3A_445 {add = true} : memref<8208xf32, #tpu.memory_space<vmem>>[vector<16xi32>], vector<16xf32>,
    } {sc.loop_unroll_factor = 5 : i64, sc.parallel_access}
    %dma_wait3A_201 = tpu.memref_slice %arg3[%add3A_172] : memref<1600000xi32, #tpu.memory_space<hbm>> -> memref<2000xi32, #tpu.memory_space<hbm>>
    %dma_wait3A_202 = tpu.memref_slice %arg3[%add3A_172] : memref<1600000xi32, #tpu.memory_space<hbm>> -> memref<2000xi32, #tpu.memory_space<hbm>>
    tpu.wait_dma2 semaphore(%arg26 : memref<!tpu.dma_semaphore, #tpu.memory_space<semaphore_mem>>) src(%dma_wait3A_202 : memref<2000xi32, #tpu.memory_space<hbm>>) dst(%arg8 : memref<2000xi32, #tpu.memory_space<vmem>>)
    %dma_start3A_203 = arith.constant 0 : i32
    %dma_start3A_204 = tpu.memref_slice %arg6[%dma_start3A_203] : memref<100000xi32, #tpu.memory_space<vmem_shared>> -> memref<100000xi32, #tpu.memory_space<vmem_shared>>
    tpu.enqueue_indirect_dma source(%dma_start3A_204 : memref<100000xi32, #tpu.memory_space<vmem_shared>>) target(%arg18 : memref<2000xi32, #tpu.memory_space<vmem>>) offsets(%arg8 : memref<2000xi32, #tpu.memory_space<vmem>>) semaphore(%arg36 : memref<!tpu.dma_semaphore, #tpu.memory_space<semaphore_mem>>)
    %add3A_205 = arith.constant 26000 : i32
    %add3A_206 = arith.addi %mul3A_2, %add3A_205 : i32
    %dma_start3A_207 = tpu.memref_slice %arg3[%add3A_206] : memref<1600000xi32, #tpu.memory_space<hbm>> -> memref<2000xi32, #tpu.memory_space<hbm>>
    %dma_start3A_208 = tpu.memref_slice %arg3[%add3A_206] : memref<1600000xi32, #tpu.memory_space<hbm>> -> memref<2000xi32, #tpu.memory_space<hbm>>
    tpu.enqueue_dma source(%dma_start3A_208 : memref<2000xi32, #tpu.memory_space<hbm>>) target(%arg10 : memref<2000xi32, #tpu.memory_space<vmem>>) target_semaphore(%arg28 : memref<!tpu.dma_semaphore, #tpu.memory_space<semaphore_mem>>)
    %dma_start3A_209 = tpu.memref_slice %arg2[%add3A_206] : memref<1600000xf32, #tpu.memory_space<hbm>> -> memref<2000xf32, #tpu.memory_space<hbm>>
    %dma_start3A_210 = tpu.memref_slice %arg2[%add3A_206] : memref<1600000xf32, #tpu.memory_space<hbm>> -> memref<2000xf32, #tpu.memory_space<hbm>>
    tpu.enqueue_dma source(%dma_start3A_210 : memref<2000xf32, #tpu.memory_space<hbm>>) target(%arg15 : memref<2000xf32, #tpu.memory_space<vmem>>) target_semaphore(%arg33 : memref<!tpu.dma_semaphore, #tpu.memory_space<semaphore_mem>>)
    %dma_wait3A_211 = arith.constant 0 : i32
    %dma_wait3A_212 = tpu.memref_slice %arg6[%dma_wait3A_211] : memref<100000xi32, #tpu.memory_space<vmem_shared>> -> memref<100000xi32, #tpu.memory_space<vmem_shared>>
    tpu.wait_indirect_dma semaphore(%arg35 : memref<!tpu.dma_semaphore, #tpu.memory_space<semaphore_mem>>) src(%dma_wait3A_212 : memref<100000xi32, #tpu.memory_space<vmem_shared>>) dst(%arg17 : memref<2000xi32, #tpu.memory_space<vmem>>)
    %dma_wait3A_213 = tpu.memref_slice %arg2[%add3A_155] : memref<1600000xf32, #tpu.memory_space<hbm>> -> memref<2000xf32, #tpu.memory_space<hbm>>
    %dma_wait3A_214 = tpu.memref_slice %arg2[%add3A_155] : memref<1600000xf32, #tpu.memory_space<hbm>> -> memref<2000xf32, #tpu.memory_space<hbm>>
    tpu.wait_dma2 semaphore(%arg30 : memref<!tpu.dma_semaphore, #tpu.memory_space<semaphore_mem>>) src(%dma_wait3A_214 : memref<2000xf32, #tpu.memory_space<hbm>>) dst(%arg12 : memref<2000xf32, #tpu.memory_space<vmem>>)
    %parallel_loop3A_215 = arith.constant 0 : i32
    %parallel_loop3A_216 = arith.constant 125 : i32
    %parallel_loop3A_217 = arith.constant 1 : i32
    scf.for %parallel_loop3A_437 = %parallel_loop3A_215 to %parallel_loop3A_216 step %parallel_loop3A_217  : i32 {
      %parallel_loop3A_438 = arith.constant 16 : i32
      %parallel_loop3A_439 = arith.muli %parallel_loop3A_437, %parallel_loop3A_438 : i32
      %parallel_loop3A_440 = arith.index_cast %parallel_loop3A_439 : i32 to index
      %parallel_loop3A_441 = tpu.vector_load %arg17[%parallel_loop3A_440] {strides = array<i32>} : memref<2000xi32, #tpu.memory_space<vmem>>, vector<16xi32>,
      %parallel_loop3A_442 = arith.constant 16 : i32
      %parallel_loop3A_443 = arith.muli %parallel_loop3A_437, %parallel_loop3A_442 : i32
      %parallel_loop3A_444 = arith.index_cast %parallel_loop3A_443 : i32 to index
      %parallel_loop3A_445 = tpu.vector_load %arg12[%parallel_loop3A_444] {strides = array<i32>} : memref<2000xf32, #tpu.memory_space<vmem>>, vector<16xf32>,
      %parallel_loop3A_446 = arith.addi %parallel_loop3A_441, %mul3A_27 : vector<16xi32>
      tpu.vector_store_idx %arg22[%parallel_loop3A_446], %parallel_loop3A_445 {add = true} : memref<8208xf32, #tpu.memory_space<vmem>>[vector<16xi32>], vector<16xf32>,
    } {sc.loop_unroll_factor = 5 : i64, sc.parallel_access}
    %dma_wait3A_218 = tpu.memref_slice %arg3[%add3A_189] : memref<1600000xi32, #tpu.memory_space<hbm>> -> memref<2000xi32, #tpu.memory_space<hbm>>
    %dma_wait3A_219 = tpu.memref_slice %arg3[%add3A_189] : memref<1600000xi32, #tpu.memory_space<hbm>> -> memref<2000xi32, #tpu.memory_space<hbm>>
    tpu.wait_dma2 semaphore(%arg27 : memref<!tpu.dma_semaphore, #tpu.memory_space<semaphore_mem>>) src(%dma_wait3A_219 : memref<2000xi32, #tpu.memory_space<hbm>>) dst(%arg9 : memref<2000xi32, #tpu.memory_space<vmem>>)
    %dma_start3A_220 = arith.constant 0 : i32
    %dma_start3A_221 = tpu.memref_slice %arg6[%dma_start3A_220] : memref<100000xi32, #tpu.memory_space<vmem_shared>> -> memref<100000xi32, #tpu.memory_space<vmem_shared>>
    tpu.enqueue_indirect_dma source(%dma_start3A_221 : memref<100000xi32, #tpu.memory_space<vmem_shared>>) target(%arg19 : memref<2000xi32, #tpu.memory_space<vmem>>) offsets(%arg9 : memref<2000xi32, #tpu.memory_space<vmem>>) semaphore(%arg37 : memref<!tpu.dma_semaphore, #tpu.memory_space<semaphore_mem>>)
    %add3A_222 = arith.constant 28000 : i32
    %add3A_223 = arith.addi %mul3A_2, %add3A_222 : i32
    %dma_start3A_224 = tpu.memref_slice %arg3[%add3A_223] : memref<1600000xi32, #tpu.memory_space<hbm>> -> memref<2000xi32, #tpu.memory_space<hbm>>
    %dma_start3A_225 = tpu.memref_slice %arg3[%add3A_223] : memref<1600000xi32, #tpu.memory_space<hbm>> -> memref<2000xi32, #tpu.memory_space<hbm>>
    tpu.enqueue_dma source(%dma_start3A_225 : memref<2000xi32, #tpu.memory_space<hbm>>) target(%arg11 : memref<2000xi32, #tpu.memory_space<vmem>>) target_semaphore(%arg29 : memref<!tpu.dma_semaphore, #tpu.memory_space<semaphore_mem>>)
    %dma_start3A_226 = tpu.memref_slice %arg2[%add3A_223] : memref<1600000xf32, #tpu.memory_space<hbm>> -> memref<2000xf32, #tpu.memory_space<hbm>>
    %dma_start3A_227 = tpu.memref_slice %arg2[%add3A_223] : memref<1600000xf32, #tpu.memory_space<hbm>> -> memref<2000xf32, #tpu.memory_space<hbm>>
    tpu.enqueue_dma source(%dma_start3A_227 : memref<2000xf32, #tpu.memory_space<hbm>>) target(%arg16 : memref<2000xf32, #tpu.memory_space<vmem>>) target_semaphore(%arg34 : memref<!tpu.dma_semaphore, #tpu.memory_space<semaphore_mem>>)
    %dma_wait3A_228 = arith.constant 0 : i32
    %dma_wait3A_229 = tpu.memref_slice %arg6[%dma_wait3A_228] : memref<100000xi32, #tpu.memory_space<vmem_shared>> -> memref<100000xi32, #tpu.memory_space<vmem_shared>>
    tpu.wait_indirect_dma semaphore(%arg36 : memref<!tpu.dma_semaphore, #tpu.memory_space<semaphore_mem>>) src(%dma_wait3A_229 : memref<100000xi32, #tpu.memory_space<vmem_shared>>) dst(%arg18 : memref<2000xi32, #tpu.memory_space<vmem>>)
    %dma_wait3A_230 = tpu.memref_slice %arg2[%add3A_172] : memref<1600000xf32, #tpu.memory_space<hbm>> -> memref<2000xf32, #tpu.memory_space<hbm>>
    %dma_wait3A_231 = tpu.memref_slice %arg2[%add3A_172] : memref<1600000xf32, #tpu.memory_space<hbm>> -> memref<2000xf32, #tpu.memory_space<hbm>>
    tpu.wait_dma2 semaphore(%arg31 : memref<!tpu.dma_semaphore, #tpu.memory_space<semaphore_mem>>) src(%dma_wait3A_231 : memref<2000xf32, #tpu.memory_space<hbm>>) dst(%arg13 : memref<2000xf32, #tpu.memory_space<vmem>>)
    %parallel_loop3A_232 = arith.constant 0 : i32
    %parallel_loop3A_233 = arith.constant 125 : i32
    %parallel_loop3A_234 = arith.constant 1 : i32
    scf.for %parallel_loop3A_437 = %parallel_loop3A_232 to %parallel_loop3A_233 step %parallel_loop3A_234  : i32 {
      %parallel_loop3A_438 = arith.constant 16 : i32
      %parallel_loop3A_439 = arith.muli %parallel_loop3A_437, %parallel_loop3A_438 : i32
      %parallel_loop3A_440 = arith.index_cast %parallel_loop3A_439 : i32 to index
      %parallel_loop3A_441 = tpu.vector_load %arg18[%parallel_loop3A_440] {strides = array<i32>} : memref<2000xi32, #tpu.memory_space<vmem>>, vector<16xi32>,
      %parallel_loop3A_442 = arith.constant 16 : i32
      %parallel_loop3A_443 = arith.muli %parallel_loop3A_437, %parallel_loop3A_442 : i32
      %parallel_loop3A_444 = arith.index_cast %parallel_loop3A_443 : i32 to index
      %parallel_loop3A_445 = tpu.vector_load %arg13[%parallel_loop3A_444] {strides = array<i32>} : memref<2000xf32, #tpu.memory_space<vmem>>, vector<16xf32>,
      %parallel_loop3A_446 = arith.addi %parallel_loop3A_441, %mul3A_27 : vector<16xi32>
      tpu.vector_store_idx %arg22[%parallel_loop3A_446], %parallel_loop3A_445 {add = true} : memref<8208xf32, #tpu.memory_space<vmem>>[vector<16xi32>], vector<16xf32>,
    } {sc.loop_unroll_factor = 5 : i64, sc.parallel_access}
    %dma_wait3A_235 = tpu.memref_slice %arg3[%add3A_206] : memref<1600000xi32, #tpu.memory_space<hbm>> -> memref<2000xi32, #tpu.memory_space<hbm>>
    %dma_wait3A_236 = tpu.memref_slice %arg3[%add3A_206] : memref<1600000xi32, #tpu.memory_space<hbm>> -> memref<2000xi32, #tpu.memory_space<hbm>>
    tpu.wait_dma2 semaphore(%arg28 : memref<!tpu.dma_semaphore, #tpu.memory_space<semaphore_mem>>) src(%dma_wait3A_236 : memref<2000xi32, #tpu.memory_space<hbm>>) dst(%arg10 : memref<2000xi32, #tpu.memory_space<vmem>>)
    %dma_start3A_237 = arith.constant 0 : i32
    %dma_start3A_238 = tpu.memref_slice %arg6[%dma_start3A_237] : memref<100000xi32, #tpu.memory_space<vmem_shared>> -> memref<100000xi32, #tpu.memory_space<vmem_shared>>
    tpu.enqueue_indirect_dma source(%dma_start3A_238 : memref<100000xi32, #tpu.memory_space<vmem_shared>>) target(%arg20 : memref<2000xi32, #tpu.memory_space<vmem>>) offsets(%arg10 : memref<2000xi32, #tpu.memory_space<vmem>>) semaphore(%arg38 : memref<!tpu.dma_semaphore, #tpu.memory_space<semaphore_mem>>)
    %add3A_239 = arith.constant 30000 : i32
    %add3A_240 = arith.addi %mul3A_2, %add3A_239 : i32
    %dma_start3A_241 = tpu.memref_slice %arg3[%add3A_240] : memref<1600000xi32, #tpu.memory_space<hbm>> -> memref<2000xi32, #tpu.memory_space<hbm>>
    %dma_start3A_242 = tpu.memref_slice %arg3[%add3A_240] : memref<1600000xi32, #tpu.memory_space<hbm>> -> memref<2000xi32, #tpu.memory_space<hbm>>
    tpu.enqueue_dma source(%dma_start3A_242 : memref<2000xi32, #tpu.memory_space<hbm>>) target(%arg7 : memref<2000xi32, #tpu.memory_space<vmem>>) target_semaphore(%arg25 : memref<!tpu.dma_semaphore, #tpu.memory_space<semaphore_mem>>)
    %dma_start3A_243 = tpu.memref_slice %arg2[%add3A_240] : memref<1600000xf32, #tpu.memory_space<hbm>> -> memref<2000xf32, #tpu.memory_space<hbm>>
    %dma_start3A_244 = tpu.memref_slice %arg2[%add3A_240] : memref<1600000xf32, #tpu.memory_space<hbm>> -> memref<2000xf32, #tpu.memory_space<hbm>>
    tpu.enqueue_dma source(%dma_start3A_244 : memref<2000xf32, #tpu.memory_space<hbm>>) target(%arg12 : memref<2000xf32, #tpu.memory_space<vmem>>) target_semaphore(%arg30 : memref<!tpu.dma_semaphore, #tpu.memory_space<semaphore_mem>>)
    %dma_wait3A_245 = arith.constant 0 : i32
    %dma_wait3A_246 = tpu.memref_slice %arg6[%dma_wait3A_245] : memref<100000xi32, #tpu.memory_space<vmem_shared>> -> memref<100000xi32, #tpu.memory_space<vmem_shared>>
    tpu.wait_indirect_dma semaphore(%arg37 : memref<!tpu.dma_semaphore, #tpu.memory_space<semaphore_mem>>) src(%dma_wait3A_246 : memref<100000xi32, #tpu.memory_space<vmem_shared>>) dst(%arg19 : memref<2000xi32, #tpu.memory_space<vmem>>)
    %dma_wait3A_247 = tpu.memref_slice %arg2[%add3A_189] : memref<1600000xf32, #tpu.memory_space<hbm>> -> memref<2000xf32, #tpu.memory_space<hbm>>
    %dma_wait3A_248 = tpu.memref_slice %arg2[%add3A_189] : memref<1600000xf32, #tpu.memory_space<hbm>> -> memref<2000xf32, #tpu.memory_space<hbm>>
    tpu.wait_dma2 semaphore(%arg32 : memref<!tpu.dma_semaphore, #tpu.memory_space<semaphore_mem>>) src(%dma_wait3A_248 : memref<2000xf32, #tpu.memory_space<hbm>>) dst(%arg14 : memref<2000xf32, #tpu.memory_space<vmem>>)
    %parallel_loop3A_249 = arith.constant 0 : i32
    %parallel_loop3A_250 = arith.constant 125 : i32
    %parallel_loop3A_251 = arith.constant 1 : i32
    scf.for %parallel_loop3A_437 = %parallel_loop3A_249 to %parallel_loop3A_250 step %parallel_loop3A_251  : i32 {
      %parallel_loop3A_438 = arith.constant 16 : i32
      %parallel_loop3A_439 = arith.muli %parallel_loop3A_437, %parallel_loop3A_438 : i32
      %parallel_loop3A_440 = arith.index_cast %parallel_loop3A_439 : i32 to index
      %parallel_loop3A_441 = tpu.vector_load %arg19[%parallel_loop3A_440] {strides = array<i32>} : memref<2000xi32, #tpu.memory_space<vmem>>, vector<16xi32>,
      %parallel_loop3A_442 = arith.constant 16 : i32
      %parallel_loop3A_443 = arith.muli %parallel_loop3A_437, %parallel_loop3A_442 : i32
      %parallel_loop3A_444 = arith.index_cast %parallel_loop3A_443 : i32 to index
      %parallel_loop3A_445 = tpu.vector_load %arg14[%parallel_loop3A_444] {strides = array<i32>} : memref<2000xf32, #tpu.memory_space<vmem>>, vector<16xf32>,
      %parallel_loop3A_446 = arith.addi %parallel_loop3A_441, %mul3A_27 : vector<16xi32>
      tpu.vector_store_idx %arg22[%parallel_loop3A_446], %parallel_loop3A_445 {add = true} : memref<8208xf32, #tpu.memory_space<vmem>>[vector<16xi32>], vector<16xf32>,
    } {sc.loop_unroll_factor = 5 : i64, sc.parallel_access}
    %dma_wait3A_252 = tpu.memref_slice %arg3[%add3A_223] : memref<1600000xi32, #tpu.memory_space<hbm>> -> memref<2000xi32, #tpu.memory_space<hbm>>
    %dma_wait3A_253 = tpu.memref_slice %arg3[%add3A_223] : memref<1600000xi32, #tpu.memory_space<hbm>> -> memref<2000xi32, #tpu.memory_space<hbm>>
    tpu.wait_dma2 semaphore(%arg29 : memref<!tpu.dma_semaphore, #tpu.memory_space<semaphore_mem>>) src(%dma_wait3A_253 : memref<2000xi32, #tpu.memory_space<hbm>>) dst(%arg11 : memref<2000xi32, #tpu.memory_space<vmem>>)
    %dma_start3A_254 = arith.constant 0 : i32
    %dma_start3A_255 = tpu.memref_slice %arg6[%dma_start3A_254] : memref<100000xi32, #tpu.memory_space<vmem_shared>> -> memref<100000xi32, #tpu.memory_space<vmem_shared>>
    tpu.enqueue_indirect_dma source(%dma_start3A_255 : memref<100000xi32, #tpu.memory_space<vmem_shared>>) target(%arg21 : memref<2000xi32, #tpu.memory_space<vmem>>) offsets(%arg11 : memref<2000xi32, #tpu.memory_space<vmem>>) semaphore(%arg39 : memref<!tpu.dma_semaphore, #tpu.memory_space<semaphore_mem>>)
    %add3A_256 = arith.constant 32000 : i32
    %add3A_257 = arith.addi %mul3A_2, %add3A_256 : i32
    %dma_start3A_258 = tpu.memref_slice %arg3[%add3A_257] : memref<1600000xi32, #tpu.memory_space<hbm>> -> memref<2000xi32, #tpu.memory_space<hbm>>
    %dma_start3A_259 = tpu.memref_slice %arg3[%add3A_257] : memref<1600000xi32, #tpu.memory_space<hbm>> -> memref<2000xi32, #tpu.memory_space<hbm>>
    tpu.enqueue_dma source(%dma_start3A_259 : memref<2000xi32, #tpu.memory_space<hbm>>) target(%arg8 : memref<2000xi32, #tpu.memory_space<vmem>>) target_semaphore(%arg26 : memref<!tpu.dma_semaphore, #tpu.memory_space<semaphore_mem>>)
    %dma_start3A_260 = tpu.memref_slice %arg2[%add3A_257] : memref<1600000xf32, #tpu.memory_space<hbm>> -> memref<2000xf32, #tpu.memory_space<hbm>>
    %dma_start3A_261 = tpu.memref_slice %arg2[%add3A_257] : memref<1600000xf32, #tpu.memory_space<hbm>> -> memref<2000xf32, #tpu.memory_space<hbm>>
    tpu.enqueue_dma source(%dma_start3A_261 : memref<2000xf32, #tpu.memory_space<hbm>>) target(%arg13 : memref<2000xf32, #tpu.memory_space<vmem>>) target_semaphore(%arg31 : memref<!tpu.dma_semaphore, #tpu.memory_space<semaphore_mem>>)
    %dma_wait3A_262 = arith.constant 0 : i32
    %dma_wait3A_263 = tpu.memref_slice %arg6[%dma_wait3A_262] : memref<100000xi32, #tpu.memory_space<vmem_shared>> -> memref<100000xi32, #tpu.memory_space<vmem_shared>>
    tpu.wait_indirect_dma semaphore(%arg38 : memref<!tpu.dma_semaphore, #tpu.memory_space<semaphore_mem>>) src(%dma_wait3A_263 : memref<100000xi32, #tpu.memory_space<vmem_shared>>) dst(%arg20 : memref<2000xi32, #tpu.memory_space<vmem>>)
    %dma_wait3A_264 = tpu.memref_slice %arg2[%add3A_206] : memref<1600000xf32, #tpu.memory_space<hbm>> -> memref<2000xf32, #tpu.memory_space<hbm>>
    %dma_wait3A_265 = tpu.memref_slice %arg2[%add3A_206] : memref<1600000xf32, #tpu.memory_space<hbm>> -> memref<2000xf32, #tpu.memory_space<hbm>>
    tpu.wait_dma2 semaphore(%arg33 : memref<!tpu.dma_semaphore, #tpu.memory_space<semaphore_mem>>) src(%dma_wait3A_265 : memref<2000xf32, #tpu.memory_space<hbm>>) dst(%arg15 : memref<2000xf32, #tpu.memory_space<vmem>>)
    %parallel_loop3A_266 = arith.constant 0 : i32
    %parallel_loop3A_267 = arith.constant 125 : i32
    %parallel_loop3A_268 = arith.constant 1 : i32
    scf.for %parallel_loop3A_437 = %parallel_loop3A_266 to %parallel_loop3A_267 step %parallel_loop3A_268  : i32 {
      %parallel_loop3A_438 = arith.constant 16 : i32
      %parallel_loop3A_439 = arith.muli %parallel_loop3A_437, %parallel_loop3A_438 : i32
      %parallel_loop3A_440 = arith.index_cast %parallel_loop3A_439 : i32 to index
      %parallel_loop3A_441 = tpu.vector_load %arg20[%parallel_loop3A_440] {strides = array<i32>} : memref<2000xi32, #tpu.memory_space<vmem>>, vector<16xi32>,
      %parallel_loop3A_442 = arith.constant 16 : i32
      %parallel_loop3A_443 = arith.muli %parallel_loop3A_437, %parallel_loop3A_442 : i32
      %parallel_loop3A_444 = arith.index_cast %parallel_loop3A_443 : i32 to index
      %parallel_loop3A_445 = tpu.vector_load %arg15[%parallel_loop3A_444] {strides = array<i32>} : memref<2000xf32, #tpu.memory_space<vmem>>, vector<16xf32>,
      %parallel_loop3A_446 = arith.addi %parallel_loop3A_441, %mul3A_27 : vector<16xi32>
      tpu.vector_store_idx %arg22[%parallel_loop3A_446], %parallel_loop3A_445 {add = true} : memref<8208xf32, #tpu.memory_space<vmem>>[vector<16xi32>], vector<16xf32>,
    } {sc.loop_unroll_factor = 5 : i64, sc.parallel_access}
    %dma_wait3A_269 = tpu.memref_slice %arg3[%add3A_240] : memref<1600000xi32, #tpu.memory_space<hbm>> -> memref<2000xi32, #tpu.memory_space<hbm>>
    %dma_wait3A_270 = tpu.memref_slice %arg3[%add3A_240] : memref<1600000xi32, #tpu.memory_space<hbm>> -> memref<2000xi32, #tpu.memory_space<hbm>>
    tpu.wait_dma2 semaphore(%arg25 : memref<!tpu.dma_semaphore, #tpu.memory_space<semaphore_mem>>) src(%dma_wait3A_270 : memref<2000xi32, #tpu.memory_space<hbm>>) dst(%arg7 : memref<2000xi32, #tpu.memory_space<vmem>>)
    %dma_start3A_271 = arith.constant 0 : i32
    %dma_start3A_272 = tpu.memref_slice %arg6[%dma_start3A_271] : memref<100000xi32, #tpu.memory_space<vmem_shared>> -> memref<100000xi32, #tpu.memory_space<vmem_shared>>
    tpu.enqueue_indirect_dma source(%dma_start3A_272 : memref<100000xi32, #tpu.memory_space<vmem_shared>>) target(%arg17 : memref<2000xi32, #tpu.memory_space<vmem>>) offsets(%arg7 : memref<2000xi32, #tpu.memory_space<vmem>>) semaphore(%arg35 : memref<!tpu.dma_semaphore, #tpu.memory_space<semaphore_mem>>)
    %add3A_273 = arith.constant 34000 : i32
    %add3A_274 = arith.addi %mul3A_2, %add3A_273 : i32
    %dma_start3A_275 = tpu.memref_slice %arg3[%add3A_274] : memref<1600000xi32, #tpu.memory_space<hbm>> -> memref<2000xi32, #tpu.memory_space<hbm>>
    %dma_start3A_276 = tpu.memref_slice %arg3[%add3A_274] : memref<1600000xi32, #tpu.memory_space<hbm>> -> memref<2000xi32, #tpu.memory_space<hbm>>
    tpu.enqueue_dma source(%dma_start3A_276 : memref<2000xi32, #tpu.memory_space<hbm>>) target(%arg9 : memref<2000xi32, #tpu.memory_space<vmem>>) target_semaphore(%arg27 : memref<!tpu.dma_semaphore, #tpu.memory_space<semaphore_mem>>)
    %dma_start3A_277 = tpu.memref_slice %arg2[%add3A_274] : memref<1600000xf32, #tpu.memory_space<hbm>> -> memref<2000xf32, #tpu.memory_space<hbm>>
    %dma_start3A_278 = tpu.memref_slice %arg2[%add3A_274] : memref<1600000xf32, #tpu.memory_space<hbm>> -> memref<2000xf32, #tpu.memory_space<hbm>>
    tpu.enqueue_dma source(%dma_start3A_278 : memref<2000xf32, #tpu.memory_space<hbm>>) target(%arg14 : memref<2000xf32, #tpu.memory_space<vmem>>) target_semaphore(%arg32 : memref<!tpu.dma_semaphore, #tpu.memory_space<semaphore_mem>>)
    %dma_wait3A_279 = arith.constant 0 : i32
    %dma_wait3A_280 = tpu.memref_slice %arg6[%dma_wait3A_279] : memref<100000xi32, #tpu.memory_space<vmem_shared>> -> memref<100000xi32, #tpu.memory_space<vmem_shared>>
    tpu.wait_indirect_dma semaphore(%arg39 : memref<!tpu.dma_semaphore, #tpu.memory_space<semaphore_mem>>) src(%dma_wait3A_280 : memref<100000xi32, #tpu.memory_space<vmem_shared>>) dst(%arg21 : memref<2000xi32, #tpu.memory_space<vmem>>)
    %dma_wait3A_281 = tpu.memref_slice %arg2[%add3A_223] : memref<1600000xf32, #tpu.memory_space<hbm>> -> memref<2000xf32, #tpu.memory_space<hbm>>
    %dma_wait3A_282 = tpu.memref_slice %arg2[%add3A_223] : memref<1600000xf32, #tpu.memory_space<hbm>> -> memref<2000xf32, #tpu.memory_space<hbm>>
    tpu.wait_dma2 semaphore(%arg34 : memref<!tpu.dma_semaphore, #tpu.memory_space<semaphore_mem>>) src(%dma_wait3A_282 : memref<2000xf32, #tpu.memory_space<hbm>>) dst(%arg16 : memref<2000xf32, #tpu.memory_space<vmem>>)
    %parallel_loop3A_283 = arith.constant 0 : i32
    %parallel_loop3A_284 = arith.constant 125 : i32
    %parallel_loop3A_285 = arith.constant 1 : i32
    scf.for %parallel_loop3A_437 = %parallel_loop3A_283 to %parallel_loop3A_284 step %parallel_loop3A_285  : i32 {
      %parallel_loop3A_438 = arith.constant 16 : i32
      %parallel_loop3A_439 = arith.muli %parallel_loop3A_437, %parallel_loop3A_438 : i32
      %parallel_loop3A_440 = arith.index_cast %parallel_loop3A_439 : i32 to index
      %parallel_loop3A_441 = tpu.vector_load %arg21[%parallel_loop3A_440] {strides = array<i32>} : memref<2000xi32, #tpu.memory_space<vmem>>, vector<16xi32>,
      %parallel_loop3A_442 = arith.constant 16 : i32
      %parallel_loop3A_443 = arith.muli %parallel_loop3A_437, %parallel_loop3A_442 : i32
      %parallel_loop3A_444 = arith.index_cast %parallel_loop3A_443 : i32 to index
      %parallel_loop3A_445 = tpu.vector_load %arg16[%parallel_loop3A_444] {strides = array<i32>} : memref<2000xf32, #tpu.memory_space<vmem>>, vector<16xf32>,
      %parallel_loop3A_446 = arith.addi %parallel_loop3A_441, %mul3A_27 : vector<16xi32>
      tpu.vector_store_idx %arg22[%parallel_loop3A_446], %parallel_loop3A_445 {add = true} : memref<8208xf32, #tpu.memory_space<vmem>>[vector<16xi32>], vector<16xf32>,
    } {sc.loop_unroll_factor = 5 : i64, sc.parallel_access}
    %dma_wait3A_286 = tpu.memref_slice %arg3[%add3A_257] : memref<1600000xi32, #tpu.memory_space<hbm>> -> memref<2000xi32, #tpu.memory_space<hbm>>
    %dma_wait3A_287 = tpu.memref_slice %arg3[%add3A_257] : memref<1600000xi32, #tpu.memory_space<hbm>> -> memref<2000xi32, #tpu.memory_space<hbm>>
    tpu.wait_dma2 semaphore(%arg26 : memref<!tpu.dma_semaphore, #tpu.memory_space<semaphore_mem>>) src(%dma_wait3A_287 : memref<2000xi32, #tpu.memory_space<hbm>>) dst(%arg8 : memref<2000xi32, #tpu.memory_space<vmem>>)
    %dma_start3A_288 = arith.constant 0 : i32
    %dma_start3A_289 = tpu.memref_slice %arg6[%dma_start3A_288] : memref<100000xi32, #tpu.memory_space<vmem_shared>> -> memref<100000xi32, #tpu.memory_space<vmem_shared>>
    tpu.enqueue_indirect_dma source(%dma_start3A_289 : memref<100000xi32, #tpu.memory_space<vmem_shared>>) target(%arg18 : memref<2000xi32, #tpu.memory_space<vmem>>) offsets(%arg8 : memref<2000xi32, #tpu.memory_space<vmem>>) semaphore(%arg36 : memref<!tpu.dma_semaphore, #tpu.memory_space<semaphore_mem>>)
    %add3A_290 = arith.constant 36000 : i32
    %add3A_291 = arith.addi %mul3A_2, %add3A_290 : i32
    %dma_start3A_292 = tpu.memref_slice %arg3[%add3A_291] : memref<1600000xi32, #tpu.memory_space<hbm>> -> memref<2000xi32, #tpu.memory_space<hbm>>
    %dma_start3A_293 = tpu.memref_slice %arg3[%add3A_291] : memref<1600000xi32, #tpu.memory_space<hbm>> -> memref<2000xi32, #tpu.memory_space<hbm>>
    tpu.enqueue_dma source(%dma_start3A_293 : memref<2000xi32, #tpu.memory_space<hbm>>) target(%arg10 : memref<2000xi32, #tpu.memory_space<vmem>>) target_semaphore(%arg28 : memref<!tpu.dma_semaphore, #tpu.memory_space<semaphore_mem>>)
    %dma_start3A_294 = tpu.memref_slice %arg2[%add3A_291] : memref<1600000xf32, #tpu.memory_space<hbm>> -> memref<2000xf32, #tpu.memory_space<hbm>>
    %dma_start3A_295 = tpu.memref_slice %arg2[%add3A_291] : memref<1600000xf32, #tpu.memory_space<hbm>> -> memref<2000xf32, #tpu.memory_space<hbm>>
    tpu.enqueue_dma source(%dma_start3A_295 : memref<2000xf32, #tpu.memory_space<hbm>>) target(%arg15 : memref<2000xf32, #tpu.memory_space<vmem>>) target_semaphore(%arg33 : memref<!tpu.dma_semaphore, #tpu.memory_space<semaphore_mem>>)
    %dma_wait3A_296 = arith.constant 0 : i32
    %dma_wait3A_297 = tpu.memref_slice %arg6[%dma_wait3A_296] : memref<100000xi32, #tpu.memory_space<vmem_shared>> -> memref<100000xi32, #tpu.memory_space<vmem_shared>>
    tpu.wait_indirect_dma semaphore(%arg35 : memref<!tpu.dma_semaphore, #tpu.memory_space<semaphore_mem>>) src(%dma_wait3A_297 : memref<100000xi32, #tpu.memory_space<vmem_shared>>) dst(%arg17 : memref<2000xi32, #tpu.memory_space<vmem>>)
    %dma_wait3A_298 = tpu.memref_slice %arg2[%add3A_240] : memref<1600000xf32, #tpu.memory_space<hbm>> -> memref<2000xf32, #tpu.memory_space<hbm>>
    %dma_wait3A_299 = tpu.memref_slice %arg2[%add3A_240] : memref<1600000xf32, #tpu.memory_space<hbm>> -> memref<2000xf32, #tpu.memory_space<hbm>>
    tpu.wait_dma2 semaphore(%arg30 : memref<!tpu.dma_semaphore, #tpu.memory_space<semaphore_mem>>) src(%dma_wait3A_299 : memref<2000xf32, #tpu.memory_space<hbm>>) dst(%arg12 : memref<2000xf32, #tpu.memory_space<vmem>>)
    %parallel_loop3A_300 = arith.constant 0 : i32
    %parallel_loop3A_301 = arith.constant 125 : i32
    %parallel_loop3A_302 = arith.constant 1 : i32
    scf.for %parallel_loop3A_437 = %parallel_loop3A_300 to %parallel_loop3A_301 step %parallel_loop3A_302  : i32 {
      %parallel_loop3A_438 = arith.constant 16 : i32
      %parallel_loop3A_439 = arith.muli %parallel_loop3A_437, %parallel_loop3A_438 : i32
      %parallel_loop3A_440 = arith.index_cast %parallel_loop3A_439 : i32 to index
      %parallel_loop3A_441 = tpu.vector_load %arg17[%parallel_loop3A_440] {strides = array<i32>} : memref<2000xi32, #tpu.memory_space<vmem>>, vector<16xi32>,
      %parallel_loop3A_442 = arith.constant 16 : i32
      %parallel_loop3A_443 = arith.muli %parallel_loop3A_437, %parallel_loop3A_442 : i32
      %parallel_loop3A_444 = arith.index_cast %parallel_loop3A_443 : i32 to index
      %parallel_loop3A_445 = tpu.vector_load %arg12[%parallel_loop3A_444] {strides = array<i32>} : memref<2000xf32, #tpu.memory_space<vmem>>, vector<16xf32>,
      %parallel_loop3A_446 = arith.addi %parallel_loop3A_441, %mul3A_27 : vector<16xi32>
      tpu.vector_store_idx %arg22[%parallel_loop3A_446], %parallel_loop3A_445 {add = true} : memref<8208xf32, #tpu.memory_space<vmem>>[vector<16xi32>], vector<16xf32>,
    } {sc.loop_unroll_factor = 5 : i64, sc.parallel_access}
    %dma_wait3A_303 = tpu.memref_slice %arg3[%add3A_274] : memref<1600000xi32, #tpu.memory_space<hbm>> -> memref<2000xi32, #tpu.memory_space<hbm>>
    %dma_wait3A_304 = tpu.memref_slice %arg3[%add3A_274] : memref<1600000xi32, #tpu.memory_space<hbm>> -> memref<2000xi32, #tpu.memory_space<hbm>>
    tpu.wait_dma2 semaphore(%arg27 : memref<!tpu.dma_semaphore, #tpu.memory_space<semaphore_mem>>) src(%dma_wait3A_304 : memref<2000xi32, #tpu.memory_space<hbm>>) dst(%arg9 : memref<2000xi32, #tpu.memory_space<vmem>>)
    %dma_start3A_305 = arith.constant 0 : i32
    %dma_start3A_306 = tpu.memref_slice %arg6[%dma_start3A_305] : memref<100000xi32, #tpu.memory_space<vmem_shared>> -> memref<100000xi32, #tpu.memory_space<vmem_shared>>
    tpu.enqueue_indirect_dma source(%dma_start3A_306 : memref<100000xi32, #tpu.memory_space<vmem_shared>>) target(%arg19 : memref<2000xi32, #tpu.memory_space<vmem>>) offsets(%arg9 : memref<2000xi32, #tpu.memory_space<vmem>>) semaphore(%arg37 : memref<!tpu.dma_semaphore, #tpu.memory_space<semaphore_mem>>)
    %add3A_307 = arith.constant 38000 : i32
    %add3A_308 = arith.addi %mul3A_2, %add3A_307 : i32
    %dma_start3A_309 = tpu.memref_slice %arg3[%add3A_308] : memref<1600000xi32, #tpu.memory_space<hbm>> -> memref<2000xi32, #tpu.memory_space<hbm>>
    %dma_start3A_310 = tpu.memref_slice %arg3[%add3A_308] : memref<1600000xi32, #tpu.memory_space<hbm>> -> memref<2000xi32, #tpu.memory_space<hbm>>
    tpu.enqueue_dma source(%dma_start3A_310 : memref<2000xi32, #tpu.memory_space<hbm>>) target(%arg11 : memref<2000xi32, #tpu.memory_space<vmem>>) target_semaphore(%arg29 : memref<!tpu.dma_semaphore, #tpu.memory_space<semaphore_mem>>)
    %dma_start3A_311 = tpu.memref_slice %arg2[%add3A_308] : memref<1600000xf32, #tpu.memory_space<hbm>> -> memref<2000xf32, #tpu.memory_space<hbm>>
    %dma_start3A_312 = tpu.memref_slice %arg2[%add3A_308] : memref<1600000xf32, #tpu.memory_space<hbm>> -> memref<2000xf32, #tpu.memory_space<hbm>>
    tpu.enqueue_dma source(%dma_start3A_312 : memref<2000xf32, #tpu.memory_space<hbm>>) target(%arg16 : memref<2000xf32, #tpu.memory_space<vmem>>) target_semaphore(%arg34 : memref<!tpu.dma_semaphore, #tpu.memory_space<semaphore_mem>>)
    %dma_wait3A_313 = arith.constant 0 : i32
    %dma_wait3A_314 = tpu.memref_slice %arg6[%dma_wait3A_313] : memref<100000xi32, #tpu.memory_space<vmem_shared>> -> memref<100000xi32, #tpu.memory_space<vmem_shared>>
    tpu.wait_indirect_dma semaphore(%arg36 : memref<!tpu.dma_semaphore, #tpu.memory_space<semaphore_mem>>) src(%dma_wait3A_314 : memref<100000xi32, #tpu.memory_space<vmem_shared>>) dst(%arg18 : memref<2000xi32, #tpu.memory_space<vmem>>)
    %dma_wait3A_315 = tpu.memref_slice %arg2[%add3A_257] : memref<1600000xf32, #tpu.memory_space<hbm>> -> memref<2000xf32, #tpu.memory_space<hbm>>
    %dma_wait3A_316 = tpu.memref_slice %arg2[%add3A_257] : memref<1600000xf32, #tpu.memory_space<hbm>> -> memref<2000xf32, #tpu.memory_space<hbm>>
    tpu.wait_dma2 semaphore(%arg31 : memref<!tpu.dma_semaphore, #tpu.memory_space<semaphore_mem>>) src(%dma_wait3A_316 : memref<2000xf32, #tpu.memory_space<hbm>>) dst(%arg13 : memref<2000xf32, #tpu.memory_space<vmem>>)
    %parallel_loop3A_317 = arith.constant 0 : i32
    %parallel_loop3A_318 = arith.constant 125 : i32
    %parallel_loop3A_319 = arith.constant 1 : i32
    scf.for %parallel_loop3A_437 = %parallel_loop3A_317 to %parallel_loop3A_318 step %parallel_loop3A_319  : i32 {
      %parallel_loop3A_438 = arith.constant 16 : i32
      %parallel_loop3A_439 = arith.muli %parallel_loop3A_437, %parallel_loop3A_438 : i32
      %parallel_loop3A_440 = arith.index_cast %parallel_loop3A_439 : i32 to index
      %parallel_loop3A_441 = tpu.vector_load %arg18[%parallel_loop3A_440] {strides = array<i32>} : memref<2000xi32, #tpu.memory_space<vmem>>, vector<16xi32>,
      %parallel_loop3A_442 = arith.constant 16 : i32
      %parallel_loop3A_443 = arith.muli %parallel_loop3A_437, %parallel_loop3A_442 : i32
      %parallel_loop3A_444 = arith.index_cast %parallel_loop3A_443 : i32 to index
      %parallel_loop3A_445 = tpu.vector_load %arg13[%parallel_loop3A_444] {strides = array<i32>} : memref<2000xf32, #tpu.memory_space<vmem>>, vector<16xf32>,
      %parallel_loop3A_446 = arith.addi %parallel_loop3A_441, %mul3A_27 : vector<16xi32>
      tpu.vector_store_idx %arg22[%parallel_loop3A_446], %parallel_loop3A_445 {add = true} : memref<8208xf32, #tpu.memory_space<vmem>>[vector<16xi32>], vector<16xf32>,
    } {sc.loop_unroll_factor = 5 : i64, sc.parallel_access}
    %dma_wait3A_320 = tpu.memref_slice %arg3[%add3A_291] : memref<1600000xi32, #tpu.memory_space<hbm>> -> memref<2000xi32, #tpu.memory_space<hbm>>
    %dma_wait3A_321 = tpu.memref_slice %arg3[%add3A_291] : memref<1600000xi32, #tpu.memory_space<hbm>> -> memref<2000xi32, #tpu.memory_space<hbm>>
    tpu.wait_dma2 semaphore(%arg28 : memref<!tpu.dma_semaphore, #tpu.memory_space<semaphore_mem>>) src(%dma_wait3A_321 : memref<2000xi32, #tpu.memory_space<hbm>>) dst(%arg10 : memref<2000xi32, #tpu.memory_space<vmem>>)
    %dma_start3A_322 = arith.constant 0 : i32
    %dma_start3A_323 = tpu.memref_slice %arg6[%dma_start3A_322] : memref<100000xi32, #tpu.memory_space<vmem_shared>> -> memref<100000xi32, #tpu.memory_space<vmem_shared>>
    tpu.enqueue_indirect_dma source(%dma_start3A_323 : memref<100000xi32, #tpu.memory_space<vmem_shared>>) target(%arg20 : memref<2000xi32, #tpu.memory_space<vmem>>) offsets(%arg10 : memref<2000xi32, #tpu.memory_space<vmem>>) semaphore(%arg38 : memref<!tpu.dma_semaphore, #tpu.memory_space<semaphore_mem>>)
    %add3A_324 = arith.constant 40000 : i32
    %add3A_325 = arith.addi %mul3A_2, %add3A_324 : i32
    %dma_start3A_326 = tpu.memref_slice %arg3[%add3A_325] : memref<1600000xi32, #tpu.memory_space<hbm>> -> memref<2000xi32, #tpu.memory_space<hbm>>
    %dma_start3A_327 = tpu.memref_slice %arg3[%add3A_325] : memref<1600000xi32, #tpu.memory_space<hbm>> -> memref<2000xi32, #tpu.memory_space<hbm>>
    tpu.enqueue_dma source(%dma_start3A_327 : memref<2000xi32, #tpu.memory_space<hbm>>) target(%arg7 : memref<2000xi32, #tpu.memory_space<vmem>>) target_semaphore(%arg25 : memref<!tpu.dma_semaphore, #tpu.memory_space<semaphore_mem>>)
    %dma_start3A_328 = tpu.memref_slice %arg2[%add3A_325] : memref<1600000xf32, #tpu.memory_space<hbm>> -> memref<2000xf32, #tpu.memory_space<hbm>>
    %dma_start3A_329 = tpu.memref_slice %arg2[%add3A_325] : memref<1600000xf32, #tpu.memory_space<hbm>> -> memref<2000xf32, #tpu.memory_space<hbm>>
    tpu.enqueue_dma source(%dma_start3A_329 : memref<2000xf32, #tpu.memory_space<hbm>>) target(%arg12 : memref<2000xf32, #tpu.memory_space<vmem>>) target_semaphore(%arg30 : memref<!tpu.dma_semaphore, #tpu.memory_space<semaphore_mem>>)
    %dma_wait3A_330 = arith.constant 0 : i32
    %dma_wait3A_331 = tpu.memref_slice %arg6[%dma_wait3A_330] : memref<100000xi32, #tpu.memory_space<vmem_shared>> -> memref<100000xi32, #tpu.memory_space<vmem_shared>>
    tpu.wait_indirect_dma semaphore(%arg37 : memref<!tpu.dma_semaphore, #tpu.memory_space<semaphore_mem>>) src(%dma_wait3A_331 : memref<100000xi32, #tpu.memory_space<vmem_shared>>) dst(%arg19 : memref<2000xi32, #tpu.memory_space<vmem>>)
    %dma_wait3A_332 = tpu.memref_slice %arg2[%add3A_274] : memref<1600000xf32, #tpu.memory_space<hbm>> -> memref<2000xf32, #tpu.memory_space<hbm>>
    %dma_wait3A_333 = tpu.memref_slice %arg2[%add3A_274] : memref<1600000xf32, #tpu.memory_space<hbm>> -> memref<2000xf32, #tpu.memory_space<hbm>>
    tpu.wait_dma2 semaphore(%arg32 : memref<!tpu.dma_semaphore, #tpu.memory_space<semaphore_mem>>) src(%dma_wait3A_333 : memref<2000xf32, #tpu.memory_space<hbm>>) dst(%arg14 : memref<2000xf32, #tpu.memory_space<vmem>>)
    %parallel_loop3A_334 = arith.constant 0 : i32
    %parallel_loop3A_335 = arith.constant 125 : i32
    %parallel_loop3A_336 = arith.constant 1 : i32
    scf.for %parallel_loop3A_437 = %parallel_loop3A_334 to %parallel_loop3A_335 step %parallel_loop3A_336  : i32 {
      %parallel_loop3A_438 = arith.constant 16 : i32
      %parallel_loop3A_439 = arith.muli %parallel_loop3A_437, %parallel_loop3A_438 : i32
      %parallel_loop3A_440 = arith.index_cast %parallel_loop3A_439 : i32 to index
      %parallel_loop3A_441 = tpu.vector_load %arg19[%parallel_loop3A_440] {strides = array<i32>} : memref<2000xi32, #tpu.memory_space<vmem>>, vector<16xi32>,
      %parallel_loop3A_442 = arith.constant 16 : i32
      %parallel_loop3A_443 = arith.muli %parallel_loop3A_437, %parallel_loop3A_442 : i32
      %parallel_loop3A_444 = arith.index_cast %parallel_loop3A_443 : i32 to index
      %parallel_loop3A_445 = tpu.vector_load %arg14[%parallel_loop3A_444] {strides = array<i32>} : memref<2000xf32, #tpu.memory_space<vmem>>, vector<16xf32>,
      %parallel_loop3A_446 = arith.addi %parallel_loop3A_441, %mul3A_27 : vector<16xi32>
      tpu.vector_store_idx %arg22[%parallel_loop3A_446], %parallel_loop3A_445 {add = true} : memref<8208xf32, #tpu.memory_space<vmem>>[vector<16xi32>], vector<16xf32>,
    } {sc.loop_unroll_factor = 5 : i64, sc.parallel_access}
    %dma_wait3A_337 = tpu.memref_slice %arg3[%add3A_308] : memref<1600000xi32, #tpu.memory_space<hbm>> -> memref<2000xi32, #tpu.memory_space<hbm>>
    %dma_wait3A_338 = tpu.memref_slice %arg3[%add3A_308] : memref<1600000xi32, #tpu.memory_space<hbm>> -> memref<2000xi32, #tpu.memory_space<hbm>>
    tpu.wait_dma2 semaphore(%arg29 : memref<!tpu.dma_semaphore, #tpu.memory_space<semaphore_mem>>) src(%dma_wait3A_338 : memref<2000xi32, #tpu.memory_space<hbm>>) dst(%arg11 : memref<2000xi32, #tpu.memory_space<vmem>>)
    %dma_start3A_339 = arith.constant 0 : i32
    %dma_start3A_340 = tpu.memref_slice %arg6[%dma_start3A_339] : memref<100000xi32, #tpu.memory_space<vmem_shared>> -> memref<100000xi32, #tpu.memory_space<vmem_shared>>
    tpu.enqueue_indirect_dma source(%dma_start3A_340 : memref<100000xi32, #tpu.memory_space<vmem_shared>>) target(%arg21 : memref<2000xi32, #tpu.memory_space<vmem>>) offsets(%arg11 : memref<2000xi32, #tpu.memory_space<vmem>>) semaphore(%arg39 : memref<!tpu.dma_semaphore, #tpu.memory_space<semaphore_mem>>)
    %add3A_341 = arith.constant 42000 : i32
    %add3A_342 = arith.addi %mul3A_2, %add3A_341 : i32
    %dma_start3A_343 = tpu.memref_slice %arg3[%add3A_342] : memref<1600000xi32, #tpu.memory_space<hbm>> -> memref<2000xi32, #tpu.memory_space<hbm>>
    %dma_start3A_344 = tpu.memref_slice %arg3[%add3A_342] : memref<1600000xi32, #tpu.memory_space<hbm>> -> memref<2000xi32, #tpu.memory_space<hbm>>
    tpu.enqueue_dma source(%dma_start3A_344 : memref<2000xi32, #tpu.memory_space<hbm>>) target(%arg8 : memref<2000xi32, #tpu.memory_space<vmem>>) target_semaphore(%arg26 : memref<!tpu.dma_semaphore, #tpu.memory_space<semaphore_mem>>)
    %dma_start3A_345 = tpu.memref_slice %arg2[%add3A_342] : memref<1600000xf32, #tpu.memory_space<hbm>> -> memref<2000xf32, #tpu.memory_space<hbm>>
    %dma_start3A_346 = tpu.memref_slice %arg2[%add3A_342] : memref<1600000xf32, #tpu.memory_space<hbm>> -> memref<2000xf32, #tpu.memory_space<hbm>>
    tpu.enqueue_dma source(%dma_start3A_346 : memref<2000xf32, #tpu.memory_space<hbm>>) target(%arg13 : memref<2000xf32, #tpu.memory_space<vmem>>) target_semaphore(%arg31 : memref<!tpu.dma_semaphore, #tpu.memory_space<semaphore_mem>>)
    %dma_wait3A_347 = arith.constant 0 : i32
    %dma_wait3A_348 = tpu.memref_slice %arg6[%dma_wait3A_347] : memref<100000xi32, #tpu.memory_space<vmem_shared>> -> memref<100000xi32, #tpu.memory_space<vmem_shared>>
    tpu.wait_indirect_dma semaphore(%arg38 : memref<!tpu.dma_semaphore, #tpu.memory_space<semaphore_mem>>) src(%dma_wait3A_348 : memref<100000xi32, #tpu.memory_space<vmem_shared>>) dst(%arg20 : memref<2000xi32, #tpu.memory_space<vmem>>)
    %dma_wait3A_349 = tpu.memref_slice %arg2[%add3A_291] : memref<1600000xf32, #tpu.memory_space<hbm>> -> memref<2000xf32, #tpu.memory_space<hbm>>
    %dma_wait3A_350 = tpu.memref_slice %arg2[%add3A_291] : memref<1600000xf32, #tpu.memory_space<hbm>> -> memref<2000xf32, #tpu.memory_space<hbm>>
    tpu.wait_dma2 semaphore(%arg33 : memref<!tpu.dma_semaphore, #tpu.memory_space<semaphore_mem>>) src(%dma_wait3A_350 : memref<2000xf32, #tpu.memory_space<hbm>>) dst(%arg15 : memref<2000xf32, #tpu.memory_space<vmem>>)
    %parallel_loop3A_351 = arith.constant 0 : i32
    %parallel_loop3A_352 = arith.constant 125 : i32
    %parallel_loop3A_353 = arith.constant 1 : i32
    scf.for %parallel_loop3A_437 = %parallel_loop3A_351 to %parallel_loop3A_352 step %parallel_loop3A_353  : i32 {
      %parallel_loop3A_438 = arith.constant 16 : i32
      %parallel_loop3A_439 = arith.muli %parallel_loop3A_437, %parallel_loop3A_438 : i32
      %parallel_loop3A_440 = arith.index_cast %parallel_loop3A_439 : i32 to index
      %parallel_loop3A_441 = tpu.vector_load %arg20[%parallel_loop3A_440] {strides = array<i32>} : memref<2000xi32, #tpu.memory_space<vmem>>, vector<16xi32>,
      %parallel_loop3A_442 = arith.constant 16 : i32
      %parallel_loop3A_443 = arith.muli %parallel_loop3A_437, %parallel_loop3A_442 : i32
      %parallel_loop3A_444 = arith.index_cast %parallel_loop3A_443 : i32 to index
      %parallel_loop3A_445 = tpu.vector_load %arg15[%parallel_loop3A_444] {strides = array<i32>} : memref<2000xf32, #tpu.memory_space<vmem>>, vector<16xf32>,
      %parallel_loop3A_446 = arith.addi %parallel_loop3A_441, %mul3A_27 : vector<16xi32>
      tpu.vector_store_idx %arg22[%parallel_loop3A_446], %parallel_loop3A_445 {add = true} : memref<8208xf32, #tpu.memory_space<vmem>>[vector<16xi32>], vector<16xf32>,
    } {sc.loop_unroll_factor = 5 : i64, sc.parallel_access}
    %dma_wait3A_354 = tpu.memref_slice %arg3[%add3A_325] : memref<1600000xi32, #tpu.memory_space<hbm>> -> memref<2000xi32, #tpu.memory_space<hbm>>
    %dma_wait3A_355 = tpu.memref_slice %arg3[%add3A_325] : memref<1600000xi32, #tpu.memory_space<hbm>> -> memref<2000xi32, #tpu.memory_space<hbm>>
    tpu.wait_dma2 semaphore(%arg25 : memref<!tpu.dma_semaphore, #tpu.memory_space<semaphore_mem>>) src(%dma_wait3A_355 : memref<2000xi32, #tpu.memory_space<hbm>>) dst(%arg7 : memref<2000xi32, #tpu.memory_space<vmem>>)
    %dma_start3A_356 = arith.constant 0 : i32
    %dma_start3A_357 = tpu.memref_slice %arg6[%dma_start3A_356] : memref<100000xi32, #tpu.memory_space<vmem_shared>> -> memref<100000xi32, #tpu.memory_space<vmem_shared>>
    tpu.enqueue_indirect_dma source(%dma_start3A_357 : memref<100000xi32, #tpu.memory_space<vmem_shared>>) target(%arg17 : memref<2000xi32, #tpu.memory_space<vmem>>) offsets(%arg7 : memref<2000xi32, #tpu.memory_space<vmem>>) semaphore(%arg35 : memref<!tpu.dma_semaphore, #tpu.memory_space<semaphore_mem>>)
    %add3A_358 = arith.constant 44000 : i32
    %add3A_359 = arith.addi %mul3A_2, %add3A_358 : i32
    %dma_start3A_360 = tpu.memref_slice %arg3[%add3A_359] : memref<1600000xi32, #tpu.memory_space<hbm>> -> memref<2000xi32, #tpu.memory_space<hbm>>
    %dma_start3A_361 = tpu.memref_slice %arg3[%add3A_359] : memref<1600000xi32, #tpu.memory_space<hbm>> -> memref<2000xi32, #tpu.memory_space<hbm>>
    tpu.enqueue_dma source(%dma_start3A_361 : memref<2000xi32, #tpu.memory_space<hbm>>) target(%arg9 : memref<2000xi32, #tpu.memory_space<vmem>>) target_semaphore(%arg27 : memref<!tpu.dma_semaphore, #tpu.memory_space<semaphore_mem>>)
    %dma_start3A_362 = tpu.memref_slice %arg2[%add3A_359] : memref<1600000xf32, #tpu.memory_space<hbm>> -> memref<2000xf32, #tpu.memory_space<hbm>>
    %dma_start3A_363 = tpu.memref_slice %arg2[%add3A_359] : memref<1600000xf32, #tpu.memory_space<hbm>> -> memref<2000xf32, #tpu.memory_space<hbm>>
    tpu.enqueue_dma source(%dma_start3A_363 : memref<2000xf32, #tpu.memory_space<hbm>>) target(%arg14 : memref<2000xf32, #tpu.memory_space<vmem>>) target_semaphore(%arg32 : memref<!tpu.dma_semaphore, #tpu.memory_space<semaphore_mem>>)
    %dma_wait3A_364 = arith.constant 0 : i32
    %dma_wait3A_365 = tpu.memref_slice %arg6[%dma_wait3A_364] : memref<100000xi32, #tpu.memory_space<vmem_shared>> -> memref<100000xi32, #tpu.memory_space<vmem_shared>>
    tpu.wait_indirect_dma semaphore(%arg39 : memref<!tpu.dma_semaphore, #tpu.memory_space<semaphore_mem>>) src(%dma_wait3A_365 : memref<100000xi32, #tpu.memory_space<vmem_shared>>) dst(%arg21 : memref<2000xi32, #tpu.memory_space<vmem>>)
    %dma_wait3A_366 = tpu.memref_slice %arg2[%add3A_308] : memref<1600000xf32, #tpu.memory_space<hbm>> -> memref<2000xf32, #tpu.memory_space<hbm>>
    %dma_wait3A_367 = tpu.memref_slice %arg2[%add3A_308] : memref<1600000xf32, #tpu.memory_space<hbm>> -> memref<2000xf32, #tpu.memory_space<hbm>>
    tpu.wait_dma2 semaphore(%arg34 : memref<!tpu.dma_semaphore, #tpu.memory_space<semaphore_mem>>) src(%dma_wait3A_367 : memref<2000xf32, #tpu.memory_space<hbm>>) dst(%arg16 : memref<2000xf32, #tpu.memory_space<vmem>>)
    %parallel_loop3A_368 = arith.constant 0 : i32
    %parallel_loop3A_369 = arith.constant 125 : i32
    %parallel_loop3A_370 = arith.constant 1 : i32
    scf.for %parallel_loop3A_437 = %parallel_loop3A_368 to %parallel_loop3A_369 step %parallel_loop3A_370  : i32 {
      %parallel_loop3A_438 = arith.constant 16 : i32
      %parallel_loop3A_439 = arith.muli %parallel_loop3A_437, %parallel_loop3A_438 : i32
      %parallel_loop3A_440 = arith.index_cast %parallel_loop3A_439 : i32 to index
      %parallel_loop3A_441 = tpu.vector_load %arg21[%parallel_loop3A_440] {strides = array<i32>} : memref<2000xi32, #tpu.memory_space<vmem>>, vector<16xi32>,
      %parallel_loop3A_442 = arith.constant 16 : i32
      %parallel_loop3A_443 = arith.muli %parallel_loop3A_437, %parallel_loop3A_442 : i32
      %parallel_loop3A_444 = arith.index_cast %parallel_loop3A_443 : i32 to index
      %parallel_loop3A_445 = tpu.vector_load %arg16[%parallel_loop3A_444] {strides = array<i32>} : memref<2000xf32, #tpu.memory_space<vmem>>, vector<16xf32>,
      %parallel_loop3A_446 = arith.addi %parallel_loop3A_441, %mul3A_27 : vector<16xi32>
      tpu.vector_store_idx %arg22[%parallel_loop3A_446], %parallel_loop3A_445 {add = true} : memref<8208xf32, #tpu.memory_space<vmem>>[vector<16xi32>], vector<16xf32>,
    } {sc.loop_unroll_factor = 5 : i64, sc.parallel_access}
    %dma_wait3A_371 = tpu.memref_slice %arg3[%add3A_342] : memref<1600000xi32, #tpu.memory_space<hbm>> -> memref<2000xi32, #tpu.memory_space<hbm>>
    %dma_wait3A_372 = tpu.memref_slice %arg3[%add3A_342] : memref<1600000xi32, #tpu.memory_space<hbm>> -> memref<2000xi32, #tpu.memory_space<hbm>>
    tpu.wait_dma2 semaphore(%arg26 : memref<!tpu.dma_semaphore, #tpu.memory_space<semaphore_mem>>) src(%dma_wait3A_372 : memref<2000xi32, #tpu.memory_space<hbm>>) dst(%arg8 : memref<2000xi32, #tpu.memory_space<vmem>>)
    %dma_start3A_373 = arith.constant 0 : i32
    %dma_start3A_374 = tpu.memref_slice %arg6[%dma_start3A_373] : memref<100000xi32, #tpu.memory_space<vmem_shared>> -> memref<100000xi32, #tpu.memory_space<vmem_shared>>
    tpu.enqueue_indirect_dma source(%dma_start3A_374 : memref<100000xi32, #tpu.memory_space<vmem_shared>>) target(%arg18 : memref<2000xi32, #tpu.memory_space<vmem>>) offsets(%arg8 : memref<2000xi32, #tpu.memory_space<vmem>>) semaphore(%arg36 : memref<!tpu.dma_semaphore, #tpu.memory_space<semaphore_mem>>)
    %add3A_375 = arith.constant 46000 : i32
    %add3A_376 = arith.addi %mul3A_2, %add3A_375 : i32
    %dma_start3A_377 = tpu.memref_slice %arg3[%add3A_376] : memref<1600000xi32, #tpu.memory_space<hbm>> -> memref<2000xi32, #tpu.memory_space<hbm>>
    %dma_start3A_378 = tpu.memref_slice %arg3[%add3A_376] : memref<1600000xi32, #tpu.memory_space<hbm>> -> memref<2000xi32, #tpu.memory_space<hbm>>
    tpu.enqueue_dma source(%dma_start3A_378 : memref<2000xi32, #tpu.memory_space<hbm>>) target(%arg10 : memref<2000xi32, #tpu.memory_space<vmem>>) target_semaphore(%arg28 : memref<!tpu.dma_semaphore, #tpu.memory_space<semaphore_mem>>)
    %dma_start3A_379 = tpu.memref_slice %arg2[%add3A_376] : memref<1600000xf32, #tpu.memory_space<hbm>> -> memref<2000xf32, #tpu.memory_space<hbm>>
    %dma_start3A_380 = tpu.memref_slice %arg2[%add3A_376] : memref<1600000xf32, #tpu.memory_space<hbm>> -> memref<2000xf32, #tpu.memory_space<hbm>>
    tpu.enqueue_dma source(%dma_start3A_380 : memref<2000xf32, #tpu.memory_space<hbm>>) target(%arg15 : memref<2000xf32, #tpu.memory_space<vmem>>) target_semaphore(%arg33 : memref<!tpu.dma_semaphore, #tpu.memory_space<semaphore_mem>>)
    %dma_wait3A_381 = arith.constant 0 : i32
    %dma_wait3A_382 = tpu.memref_slice %arg6[%dma_wait3A_381] : memref<100000xi32, #tpu.memory_space<vmem_shared>> -> memref<100000xi32, #tpu.memory_space<vmem_shared>>
    tpu.wait_indirect_dma semaphore(%arg35 : memref<!tpu.dma_semaphore, #tpu.memory_space<semaphore_mem>>) src(%dma_wait3A_382 : memref<100000xi32, #tpu.memory_space<vmem_shared>>) dst(%arg17 : memref<2000xi32, #tpu.memory_space<vmem>>)
    %dma_wait3A_383 = tpu.memref_slice %arg2[%add3A_325] : memref<1600000xf32, #tpu.memory_space<hbm>> -> memref<2000xf32, #tpu.memory_space<hbm>>
    %dma_wait3A_384 = tpu.memref_slice %arg2[%add3A_325] : memref<1600000xf32, #tpu.memory_space<hbm>> -> memref<2000xf32, #tpu.memory_space<hbm>>
    tpu.wait_dma2 semaphore(%arg30 : memref<!tpu.dma_semaphore, #tpu.memory_space<semaphore_mem>>) src(%dma_wait3A_384 : memref<2000xf32, #tpu.memory_space<hbm>>) dst(%arg12 : memref<2000xf32, #tpu.memory_space<vmem>>)
    %parallel_loop3A_385 = arith.constant 0 : i32
    %parallel_loop3A_386 = arith.constant 125 : i32
    %parallel_loop3A_387 = arith.constant 1 : i32
    scf.for %parallel_loop3A_437 = %parallel_loop3A_385 to %parallel_loop3A_386 step %parallel_loop3A_387  : i32 {
      %parallel_loop3A_438 = arith.constant 16 : i32
      %parallel_loop3A_439 = arith.muli %parallel_loop3A_437, %parallel_loop3A_438 : i32
      %parallel_loop3A_440 = arith.index_cast %parallel_loop3A_439 : i32 to index
      %parallel_loop3A_441 = tpu.vector_load %arg17[%parallel_loop3A_440] {strides = array<i32>} : memref<2000xi32, #tpu.memory_space<vmem>>, vector<16xi32>,
      %parallel_loop3A_442 = arith.constant 16 : i32
      %parallel_loop3A_443 = arith.muli %parallel_loop3A_437, %parallel_loop3A_442 : i32
      %parallel_loop3A_444 = arith.index_cast %parallel_loop3A_443 : i32 to index
      %parallel_loop3A_445 = tpu.vector_load %arg12[%parallel_loop3A_444] {strides = array<i32>} : memref<2000xf32, #tpu.memory_space<vmem>>, vector<16xf32>,
      %parallel_loop3A_446 = arith.addi %parallel_loop3A_441, %mul3A_27 : vector<16xi32>
      tpu.vector_store_idx %arg22[%parallel_loop3A_446], %parallel_loop3A_445 {add = true} : memref<8208xf32, #tpu.memory_space<vmem>>[vector<16xi32>], vector<16xf32>,
    } {sc.loop_unroll_factor = 5 : i64, sc.parallel_access}
    %dma_wait3A_388 = tpu.memref_slice %arg3[%add3A_359] : memref<1600000xi32, #tpu.memory_space<hbm>> -> memref<2000xi32, #tpu.memory_space<hbm>>
    %dma_wait3A_389 = tpu.memref_slice %arg3[%add3A_359] : memref<1600000xi32, #tpu.memory_space<hbm>> -> memref<2000xi32, #tpu.memory_space<hbm>>
    tpu.wait_dma2 semaphore(%arg27 : memref<!tpu.dma_semaphore, #tpu.memory_space<semaphore_mem>>) src(%dma_wait3A_389 : memref<2000xi32, #tpu.memory_space<hbm>>) dst(%arg9 : memref<2000xi32, #tpu.memory_space<vmem>>)
    %dma_start3A_390 = arith.constant 0 : i32
    %dma_start3A_391 = tpu.memref_slice %arg6[%dma_start3A_390] : memref<100000xi32, #tpu.memory_space<vmem_shared>> -> memref<100000xi32, #tpu.memory_space<vmem_shared>>
    tpu.enqueue_indirect_dma source(%dma_start3A_391 : memref<100000xi32, #tpu.memory_space<vmem_shared>>) target(%arg19 : memref<2000xi32, #tpu.memory_space<vmem>>) offsets(%arg9 : memref<2000xi32, #tpu.memory_space<vmem>>) semaphore(%arg37 : memref<!tpu.dma_semaphore, #tpu.memory_space<semaphore_mem>>)
    %add3A_392 = arith.constant 48000 : i32
    %add3A_393 = arith.addi %mul3A_2, %add3A_392 : i32
    %dma_start3A_394 = tpu.memref_slice %arg3[%add3A_393] : memref<1600000xi32, #tpu.memory_space<hbm>> -> memref<2000xi32, #tpu.memory_space<hbm>>
    %dma_start3A_395 = tpu.memref_slice %arg3[%add3A_393] : memref<1600000xi32, #tpu.memory_space<hbm>> -> memref<2000xi32, #tpu.memory_space<hbm>>
    tpu.enqueue_dma source(%dma_start3A_395 : memref<2000xi32, #tpu.memory_space<hbm>>) target(%arg11 : memref<2000xi32, #tpu.memory_space<vmem>>) target_semaphore(%arg29 : memref<!tpu.dma_semaphore, #tpu.memory_space<semaphore_mem>>)
    %dma_start3A_396 = tpu.memref_slice %arg2[%add3A_393] : memref<1600000xf32, #tpu.memory_space<hbm>> -> memref<2000xf32, #tpu.memory_space<hbm>>
    %dma_start3A_397 = tpu.memref_slice %arg2[%add3A_393] : memref<1600000xf32, #tpu.memory_space<hbm>> -> memref<2000xf32, #tpu.memory_space<hbm>>
    tpu.enqueue_dma source(%dma_start3A_397 : memref<2000xf32, #tpu.memory_space<hbm>>) target(%arg16 : memref<2000xf32, #tpu.memory_space<vmem>>) target_semaphore(%arg34 : memref<!tpu.dma_semaphore, #tpu.memory_space<semaphore_mem>>)
    %dma_wait3A_398 = arith.constant 0 : i32
    %dma_wait3A_399 = tpu.memref_slice %arg6[%dma_wait3A_398] : memref<100000xi32, #tpu.memory_space<vmem_shared>> -> memref<100000xi32, #tpu.memory_space<vmem_shared>>
    tpu.wait_indirect_dma semaphore(%arg36 : memref<!tpu.dma_semaphore, #tpu.memory_space<semaphore_mem>>) src(%dma_wait3A_399 : memref<100000xi32, #tpu.memory_space<vmem_shared>>) dst(%arg18 : memref<2000xi32, #tpu.memory_space<vmem>>)
    %dma_wait3A_400 = tpu.memref_slice %arg2[%add3A_342] : memref<1600000xf32, #tpu.memory_space<hbm>> -> memref<2000xf32, #tpu.memory_space<hbm>>
    %dma_wait3A_401 = tpu.memref_slice %arg2[%add3A_342] : memref<1600000xf32, #tpu.memory_space<hbm>> -> memref<2000xf32, #tpu.memory_space<hbm>>
    tpu.wait_dma2 semaphore(%arg31 : memref<!tpu.dma_semaphore, #tpu.memory_space<semaphore_mem>>) src(%dma_wait3A_401 : memref<2000xf32, #tpu.memory_space<hbm>>) dst(%arg13 : memref<2000xf32, #tpu.memory_space<vmem>>)
    %parallel_loop3A_402 = arith.constant 0 : i32
    %parallel_loop3A_403 = arith.constant 125 : i32
    %parallel_loop3A_404 = arith.constant 1 : i32
    scf.for %parallel_loop3A_437 = %parallel_loop3A_402 to %parallel_loop3A_403 step %parallel_loop3A_404  : i32 {
      %parallel_loop3A_438 = arith.constant 16 : i32
      %parallel_loop3A_439 = arith.muli %parallel_loop3A_437, %parallel_loop3A_438 : i32
      %parallel_loop3A_440 = arith.index_cast %parallel_loop3A_439 : i32 to index
      %parallel_loop3A_441 = tpu.vector_load %arg18[%parallel_loop3A_440] {strides = array<i32>} : memref<2000xi32, #tpu.memory_space<vmem>>, vector<16xi32>,
      %parallel_loop3A_442 = arith.constant 16 : i32
      %parallel_loop3A_443 = arith.muli %parallel_loop3A_437, %parallel_loop3A_442 : i32
      %parallel_loop3A_444 = arith.index_cast %parallel_loop3A_443 : i32 to index
      %parallel_loop3A_445 = tpu.vector_load %arg13[%parallel_loop3A_444] {strides = array<i32>} : memref<2000xf32, #tpu.memory_space<vmem>>, vector<16xf32>,
      %parallel_loop3A_446 = arith.addi %parallel_loop3A_441, %mul3A_27 : vector<16xi32>
      tpu.vector_store_idx %arg22[%parallel_loop3A_446], %parallel_loop3A_445 {add = true} : memref<8208xf32, #tpu.memory_space<vmem>>[vector<16xi32>], vector<16xf32>,
    } {sc.loop_unroll_factor = 5 : i64, sc.parallel_access}
    %dma_wait3A_405 = tpu.memref_slice %arg3[%add3A_376] : memref<1600000xi32, #tpu.memory_space<hbm>> -> memref<2000xi32, #tpu.memory_space<hbm>>
    %dma_wait3A_406 = tpu.memref_slice %arg3[%add3A_376] : memref<1600000xi32, #tpu.memory_space<hbm>> -> memref<2000xi32, #tpu.memory_space<hbm>>
    tpu.wait_dma2 semaphore(%arg28 : memref<!tpu.dma_semaphore, #tpu.memory_space<semaphore_mem>>) src(%dma_wait3A_406 : memref<2000xi32, #tpu.memory_space<hbm>>) dst(%arg10 : memref<2000xi32, #tpu.memory_space<vmem>>)
    %dma_start3A_407 = arith.constant 0 : i32
    %dma_start3A_408 = tpu.memref_slice %arg6[%dma_start3A_407] : memref<100000xi32, #tpu.memory_space<vmem_shared>> -> memref<100000xi32, #tpu.memory_space<vmem_shared>>
    tpu.enqueue_indirect_dma source(%dma_start3A_408 : memref<100000xi32, #tpu.memory_space<vmem_shared>>) target(%arg20 : memref<2000xi32, #tpu.memory_space<vmem>>) offsets(%arg10 : memref<2000xi32, #tpu.memory_space<vmem>>) semaphore(%arg38 : memref<!tpu.dma_semaphore, #tpu.memory_space<semaphore_mem>>)
    %dma_wait3A_409 = arith.constant 0 : i32
    %dma_wait3A_410 = tpu.memref_slice %arg6[%dma_wait3A_409] : memref<100000xi32, #tpu.memory_space<vmem_shared>> -> memref<100000xi32, #tpu.memory_space<vmem_shared>>
    tpu.wait_indirect_dma semaphore(%arg37 : memref<!tpu.dma_semaphore, #tpu.memory_space<semaphore_mem>>) src(%dma_wait3A_410 : memref<100000xi32, #tpu.memory_space<vmem_shared>>) dst(%arg19 : memref<2000xi32, #tpu.memory_space<vmem>>)
    %dma_wait3A_411 = tpu.memref_slice %arg2[%add3A_359] : memref<1600000xf32, #tpu.memory_space<hbm>> -> memref<2000xf32, #tpu.memory_space<hbm>>
    %dma_wait3A_412 = tpu.memref_slice %arg2[%add3A_359] : memref<1600000xf32, #tpu.memory_space<hbm>> -> memref<2000xf32, #tpu.memory_space<hbm>>
    tpu.wait_dma2 semaphore(%arg32 : memref<!tpu.dma_semaphore, #tpu.memory_space<semaphore_mem>>) src(%dma_wait3A_412 : memref<2000xf32, #tpu.memory_space<hbm>>) dst(%arg14 : memref<2000xf32, #tpu.memory_space<vmem>>)
    %parallel_loop3A_413 = arith.constant 0 : i32
    %parallel_loop3A_414 = arith.constant 125 : i32
    %parallel_loop3A_415 = arith.constant 1 : i32
    scf.for %parallel_loop3A_437 = %parallel_loop3A_413 to %parallel_loop3A_414 step %parallel_loop3A_415  : i32 {
      %parallel_loop3A_438 = arith.constant 16 : i32
      %parallel_loop3A_439 = arith.muli %parallel_loop3A_437, %parallel_loop3A_438 : i32
      %parallel_loop3A_440 = arith.index_cast %parallel_loop3A_439 : i32 to index
      %parallel_loop3A_441 = tpu.vector_load %arg19[%parallel_loop3A_440] {strides = array<i32>} : memref<2000xi32, #tpu.memory_space<vmem>>, vector<16xi32>,
      %parallel_loop3A_442 = arith.constant 16 : i32
      %parallel_loop3A_443 = arith.muli %parallel_loop3A_437, %parallel_loop3A_442 : i32
      %parallel_loop3A_444 = arith.index_cast %parallel_loop3A_443 : i32 to index
      %parallel_loop3A_445 = tpu.vector_load %arg14[%parallel_loop3A_444] {strides = array<i32>} : memref<2000xf32, #tpu.memory_space<vmem>>, vector<16xf32>,
      %parallel_loop3A_446 = arith.addi %parallel_loop3A_441, %mul3A_27 : vector<16xi32>
      tpu.vector_store_idx %arg22[%parallel_loop3A_446], %parallel_loop3A_445 {add = true} : memref<8208xf32, #tpu.memory_space<vmem>>[vector<16xi32>], vector<16xf32>,
    } {sc.loop_unroll_factor = 5 : i64, sc.parallel_access}
    %dma_wait3A_416 = tpu.memref_slice %arg3[%add3A_393] : memref<1600000xi32, #tpu.memory_space<hbm>> -> memref<2000xi32, #tpu.memory_space<hbm>>
    %dma_wait3A_417 = tpu.memref_slice %arg3[%add3A_393] : memref<1600000xi32, #tpu.memory_space<hbm>> -> memref<2000xi32, #tpu.memory_space<hbm>>
    tpu.wait_dma2 semaphore(%arg29 : memref<!tpu.dma_semaphore, #tpu.memory_space<semaphore_mem>>) src(%dma_wait3A_417 : memref<2000xi32, #tpu.memory_space<hbm>>) dst(%arg11 : memref<2000xi32, #tpu.memory_space<vmem>>)
    %dma_start3A_418 = arith.constant 0 : i32
    %dma_start3A_419 = tpu.memref_slice %arg6[%dma_start3A_418] : memref<100000xi32, #tpu.memory_space<vmem_shared>> -> memref<100000xi32, #tpu.memory_space<vmem_shared>>
    tpu.enqueue_indirect_dma source(%dma_start3A_419 : memref<100000xi32, #tpu.memory_space<vmem_shared>>) target(%arg21 : memref<2000xi32, #tpu.memory_space<vmem>>) offsets(%arg11 : memref<2000xi32, #tpu.memory_space<vmem>>) semaphore(%arg39 : memref<!tpu.dma_semaphore, #tpu.memory_space<semaphore_mem>>)
    %dma_wait3A_420 = arith.constant 0 : i32
    %dma_wait3A_421 = tpu.memref_slice %arg6[%dma_wait3A_420] : memref<100000xi32, #tpu.memory_space<vmem_shared>> -> memref<100000xi32, #tpu.memory_space<vmem_shared>>
    tpu.wait_indirect_dma semaphore(%arg38 : memref<!tpu.dma_semaphore, #tpu.memory_space<semaphore_mem>>) src(%dma_wait3A_421 : memref<100000xi32, #tpu.memory_space<vmem_shared>>) dst(%arg20 : memref<2000xi32, #tpu.memory_space<vmem>>)
    %dma_wait3A_422 = tpu.memref_slice %arg2[%add3A_376] : memref<1600000xf32, #tpu.memory_space<hbm>> -> memref<2000xf32, #tpu.memory_space<hbm>>
    %dma_wait3A_423 = tpu.memref_slice %arg2[%add3A_376] : memref<1600000xf32, #tpu.memory_space<hbm>> -> memref<2000xf32, #tpu.memory_space<hbm>>
    tpu.wait_dma2 semaphore(%arg33 : memref<!tpu.dma_semaphore, #tpu.memory_space<semaphore_mem>>) src(%dma_wait3A_423 : memref<2000xf32, #tpu.memory_space<hbm>>) dst(%arg15 : memref<2000xf32, #tpu.memory_space<vmem>>)
    %parallel_loop3A_424 = arith.constant 0 : i32
    %parallel_loop3A_425 = arith.constant 125 : i32
    %parallel_loop3A_426 = arith.constant 1 : i32
    scf.for %parallel_loop3A_437 = %parallel_loop3A_424 to %parallel_loop3A_425 step %parallel_loop3A_426  : i32 {
      %parallel_loop3A_438 = arith.constant 16 : i32
      %parallel_loop3A_439 = arith.muli %parallel_loop3A_437, %parallel_loop3A_438 : i32
      %parallel_loop3A_440 = arith.index_cast %parallel_loop3A_439 : i32 to index
      %parallel_loop3A_441 = tpu.vector_load %arg20[%parallel_loop3A_440] {strides = array<i32>} : memref<2000xi32, #tpu.memory_space<vmem>>, vector<16xi32>,
      %parallel_loop3A_442 = arith.constant 16 : i32
      %parallel_loop3A_443 = arith.muli %parallel_loop3A_437, %parallel_loop3A_442 : i32
      %parallel_loop3A_444 = arith.index_cast %parallel_loop3A_443 : i32 to index
      %parallel_loop3A_445 = tpu.vector_load %arg15[%parallel_loop3A_444] {strides = array<i32>} : memref<2000xf32, #tpu.memory_space<vmem>>, vector<16xf32>,
      %parallel_loop3A_446 = arith.addi %parallel_loop3A_441, %mul3A_27 : vector<16xi32>
      tpu.vector_store_idx %arg22[%parallel_loop3A_446], %parallel_loop3A_445 {add = true} : memref<8208xf32, #tpu.memory_space<vmem>>[vector<16xi32>], vector<16xf32>,
    } {sc.loop_unroll_factor = 5 : i64, sc.parallel_access}
    %dma_wait3A_427 = arith.constant 0 : i32
    %dma_wait3A_428 = tpu.memref_slice %arg6[%dma_wait3A_427] : memref<100000xi32, #tpu.memory_space<vmem_shared>> -> memref<100000xi32, #tpu.memory_space<vmem_shared>>
    tpu.wait_indirect_dma semaphore(%arg39 : memref<!tpu.dma_semaphore, #tpu.memory_space<semaphore_mem>>) src(%dma_wait3A_428 : memref<100000xi32, #tpu.memory_space<vmem_shared>>) dst(%arg21 : memref<2000xi32, #tpu.memory_space<vmem>>)
    %dma_wait3A_429 = tpu.memref_slice %arg2[%add3A_393] : memref<1600000xf32, #tpu.memory_space<hbm>> -> memref<2000xf32, #tpu.memory_space<hbm>>
    %dma_wait3A_430 = tpu.memref_slice %arg2[%add3A_393] : memref<1600000xf32, #tpu.memory_space<hbm>> -> memref<2000xf32, #tpu.memory_space<hbm>>
    tpu.wait_dma2 semaphore(%arg34 : memref<!tpu.dma_semaphore, #tpu.memory_space<semaphore_mem>>) src(%dma_wait3A_430 : memref<2000xf32, #tpu.memory_space<hbm>>) dst(%arg16 : memref<2000xf32, #tpu.memory_space<vmem>>)
    %parallel_loop3A_431 = arith.constant 0 : i32
    %parallel_loop3A_432 = arith.constant 125 : i32
    %parallel_loop3A_433 = arith.constant 1 : i32
    scf.for %parallel_loop3A_437 = %parallel_loop3A_431 to %parallel_loop3A_432 step %parallel_loop3A_433  : i32 {
      %parallel_loop3A_438 = arith.constant 16 : i32
      %parallel_loop3A_439 = arith.muli %parallel_loop3A_437, %parallel_loop3A_438 : i32
      %parallel_loop3A_440 = arith.index_cast %parallel_loop3A_439 : i32 to index
      %parallel_loop3A_441 = tpu.vector_load %arg21[%parallel_loop3A_440] {strides = array<i32>} : memref<2000xi32, #tpu.memory_space<vmem>>, vector<16xi32>,
      %parallel_loop3A_442 = arith.constant 16 : i32
      %parallel_loop3A_443 = arith.muli %parallel_loop3A_437, %parallel_loop3A_442 : i32
      %parallel_loop3A_444 = arith.index_cast %parallel_loop3A_443 : i32 to index
      %parallel_loop3A_445 = tpu.vector_load %arg16[%parallel_loop3A_444] {strides = array<i32>} : memref<2000xf32, #tpu.memory_space<vmem>>, vector<16xf32>,
      %parallel_loop3A_446 = arith.addi %parallel_loop3A_441, %mul3A_27 : vector<16xi32>
      tpu.vector_store_idx %arg22[%parallel_loop3A_446], %parallel_loop3A_445 {add = true} : memref<8208xf32, #tpu.memory_space<vmem>>[vector<16xi32>], vector<16xf32>,
    } {sc.loop_unroll_factor = 5 : i64, sc.parallel_access}
    %parallel_loop3A_434 = arith.constant 0 : i32
    %parallel_loop3A_435 = arith.constant 32 : i32
    %parallel_loop3A_436 = arith.constant 1 : i32
    scf.for %parallel_loop3A_437 = %parallel_loop3A_434 to %parallel_loop3A_435 step %parallel_loop3A_436  : i32 {
      %parallel_loop3A_438 = arith.constant 0.000000e+00 : f32
      %parallel_loop3A_439 = vector.broadcast %parallel_loop3A_438 : f32 to vector<16xf32>
      %parallel_loop3A_440 = arith.constant 16 : i32
      %parallel_loop3A_441 = arith.muli %parallel_loop3A_437, %parallel_loop3A_440 : i32
      %parallel_loop3A_442 = arith.constant 0 : i32
      %parallel_loop3A_443 = arith.addi %parallel_loop3A_442, %parallel_loop3A_441 : i32
      %parallel_loop3A_444 = arith.index_cast %parallel_loop3A_443 : i32 to index
      %parallel_loop3A_445 = tpu.vector_load %arg22[%parallel_loop3A_444] {strides = array<i32>} : memref<8208xf32, #tpu.memory_space<vmem>>, vector<16xf32>,
      %parallel_loop3A_446 = arith.addf %parallel_loop3A_439, %parallel_loop3A_445 : vector<16xf32>
      %parallel_loop3A_447 = arith.constant 16 : i32
      %parallel_loop3A_448 = arith.muli %parallel_loop3A_437, %parallel_loop3A_447 : i32
      %parallel_loop3A_449 = arith.constant 513 : i32
      %parallel_loop3A_450 = arith.addi %parallel_loop3A_449, %parallel_loop3A_448 : i32
      %parallel_loop3A_451 = arith.index_cast %parallel_loop3A_450 : i32 to index
      %parallel_loop3A_452 = tpu.vector_load %arg22[%parallel_loop3A_451] {strides = array<i32>} : memref<8208xf32, #tpu.memory_space<vmem>>, vector<16xf32>,
      %parallel_loop3A_453 = arith.addf %parallel_loop3A_446, %parallel_loop3A_452 : vector<16xf32>
      %parallel_loop3A_454 = arith.constant 16 : i32
      %parallel_loop3A_455 = arith.muli %parallel_loop3A_437, %parallel_loop3A_454 : i32
      %parallel_loop3A_456 = arith.constant 1026 : i32
      %parallel_loop3A_457 = arith.addi %parallel_loop3A_456, %parallel_loop3A_455 : i32
      %parallel_loop3A_458 = arith.index_cast %parallel_loop3A_457 : i32 to index
      %parallel_loop3A_459 = tpu.vector_load %arg22[%parallel_loop3A_458] {strides = array<i32>} : memref<8208xf32, #tpu.memory_space<vmem>>, vector<16xf32>,
      %parallel_loop3A_460 = arith.addf %parallel_loop3A_453, %parallel_loop3A_459 : vector<16xf32>
      %parallel_loop3A_461 = arith.constant 16 : i32
      %parallel_loop3A_462 = arith.muli %parallel_loop3A_437, %parallel_loop3A_461 : i32
      %parallel_loop3A_463 = arith.constant 1539 : i32
      %parallel_loop3A_464 = arith.addi %parallel_loop3A_463, %parallel_loop3A_462 : i32
      %parallel_loop3A_465 = arith.index_cast %parallel_loop3A_464 : i32 to index
      %parallel_loop3A_466 = tpu.vector_load %arg22[%parallel_loop3A_465] {strides = array<i32>} : memref<8208xf32, #tpu.memory_space<vmem>>, vector<16xf32>,
      %parallel_loop3A_467 = arith.addf %parallel_loop3A_460, %parallel_loop3A_466 : vector<16xf32>
      %parallel_loop3A_468 = arith.constant 16 : i32
      %parallel_loop3A_469 = arith.muli %parallel_loop3A_437, %parallel_loop3A_468 : i32
      %parallel_loop3A_470 = arith.constant 2052 : i32
      %parallel_loop3A_471 = arith.addi %parallel_loop3A_470, %parallel_loop3A_469 : i32
      %parallel_loop3A_472 = arith.index_cast %parallel_loop3A_471 : i32 to index
      %parallel_loop3A_473 = tpu.vector_load %arg22[%parallel_loop3A_472] {strides = array<i32>} : memref<8208xf32, #tpu.memory_space<vmem>>, vector<16xf32>,
      %parallel_loop3A_474 = arith.addf %parallel_loop3A_467, %parallel_loop3A_473 : vector<16xf32>
      %parallel_loop3A_475 = arith.constant 16 : i32
      %parallel_loop3A_476 = arith.muli %parallel_loop3A_437, %parallel_loop3A_475 : i32
      %parallel_loop3A_477 = arith.constant 2565 : i32
      %parallel_loop3A_478 = arith.addi %parallel_loop3A_477, %parallel_loop3A_476 : i32
      %parallel_loop3A_479 = arith.index_cast %parallel_loop3A_478 : i32 to index
      %parallel_loop3A_480 = tpu.vector_load %arg22[%parallel_loop3A_479] {strides = array<i32>} : memref<8208xf32, #tpu.memory_space<vmem>>, vector<16xf32>,
      %parallel_loop3A_481 = arith.addf %parallel_loop3A_474, %parallel_loop3A_480 : vector<16xf32>
      %parallel_loop3A_482 = arith.constant 16 : i32
      %parallel_loop3A_483 = arith.muli %parallel_loop3A_437, %parallel_loop3A_482 : i32
      %parallel_loop3A_484 = arith.constant 3078 : i32
      %parallel_loop3A_485 = arith.addi %parallel_loop3A_484, %parallel_loop3A_483 : i32
      %parallel_loop3A_486 = arith.index_cast %parallel_loop3A_485 : i32 to index
      %parallel_loop3A_487 = tpu.vector_load %arg22[%parallel_loop3A_486] {strides = array<i32>} : memref<8208xf32, #tpu.memory_space<vmem>>, vector<16xf32>,
      %parallel_loop3A_488 = arith.addf %parallel_loop3A_481, %parallel_loop3A_487 : vector<16xf32>
      %parallel_loop3A_489 = arith.constant 16 : i32
      %parallel_loop3A_490 = arith.muli %parallel_loop3A_437, %parallel_loop3A_489 : i32
      %parallel_loop3A_491 = arith.constant 3591 : i32
      %parallel_loop3A_492 = arith.addi %parallel_loop3A_491, %parallel_loop3A_490 : i32
      %parallel_loop3A_493 = arith.index_cast %parallel_loop3A_492 : i32 to index
      %parallel_loop3A_494 = tpu.vector_load %arg22[%parallel_loop3A_493] {strides = array<i32>} : memref<8208xf32, #tpu.memory_space<vmem>>, vector<16xf32>,
      %parallel_loop3A_495 = arith.addf %parallel_loop3A_488, %parallel_loop3A_494 : vector<16xf32>
      %parallel_loop3A_496 = arith.constant 16 : i32
      %parallel_loop3A_497 = arith.muli %parallel_loop3A_437, %parallel_loop3A_496 : i32
      %parallel_loop3A_498 = arith.constant 4104 : i32
      %parallel_loop3A_499 = arith.addi %parallel_loop3A_498, %parallel_loop3A_497 : i32
      %parallel_loop3A_500 = arith.index_cast %parallel_loop3A_499 : i32 to index
      %parallel_loop3A_501 = tpu.vector_load %arg22[%parallel_loop3A_500] {strides = array<i32>} : memref<8208xf32, #tpu.memory_space<vmem>>, vector<16xf32>,
      %parallel_loop3A_502 = arith.addf %parallel_loop3A_495, %parallel_loop3A_501 : vector<16xf32>
      %parallel_loop3A_503 = arith.constant 16 : i32
      %parallel_loop3A_504 = arith.muli %parallel_loop3A_437, %parallel_loop3A_503 : i32
      %parallel_loop3A_505 = arith.constant 4617 : i32
      %parallel_loop3A_506 = arith.addi %parallel_loop3A_505, %parallel_loop3A_504 : i32
      %parallel_loop3A_507 = arith.index_cast %parallel_loop3A_506 : i32 to index
      %parallel_loop3A_508 = tpu.vector_load %arg22[%parallel_loop3A_507] {strides = array<i32>} : memref<8208xf32, #tpu.memory_space<vmem>>, vector<16xf32>,
      %parallel_loop3A_509 = arith.addf %parallel_loop3A_502, %parallel_loop3A_508 : vector<16xf32>
      %parallel_loop3A_510 = arith.constant 16 : i32
      %parallel_loop3A_511 = arith.muli %parallel_loop3A_437, %parallel_loop3A_510 : i32
      %parallel_loop3A_512 = arith.constant 5130 : i32
      %parallel_loop3A_513 = arith.addi %parallel_loop3A_512, %parallel_loop3A_511 : i32
      %parallel_loop3A_514 = arith.index_cast %parallel_loop3A_513 : i32 to index
      %parallel_loop3A_515 = tpu.vector_load %arg22[%parallel_loop3A_514] {strides = array<i32>} : memref<8208xf32, #tpu.memory_space<vmem>>, vector<16xf32>,
      %parallel_loop3A_516 = arith.addf %parallel_loop3A_509, %parallel_loop3A_515 : vector<16xf32>
      %parallel_loop3A_517 = arith.constant 16 : i32
      %parallel_loop3A_518 = arith.muli %parallel_loop3A_437, %parallel_loop3A_517 : i32
      %parallel_loop3A_519 = arith.constant 5643 : i32
      %parallel_loop3A_520 = arith.addi %parallel_loop3A_519, %parallel_loop3A_518 : i32
      %parallel_loop3A_521 = arith.index_cast %parallel_loop3A_520 : i32 to index
      %parallel_loop3A_522 = tpu.vector_load %arg22[%parallel_loop3A_521] {strides = array<i32>} : memref<8208xf32, #tpu.memory_space<vmem>>, vector<16xf32>,
      %parallel_loop3A_523 = arith.addf %parallel_loop3A_516, %parallel_loop3A_522 : vector<16xf32>
      %parallel_loop3A_524 = arith.constant 16 : i32
      %parallel_loop3A_525 = arith.muli %parallel_loop3A_437, %parallel_loop3A_524 : i32
      %parallel_loop3A_526 = arith.constant 6156 : i32
      %parallel_loop3A_527 = arith.addi %parallel_loop3A_526, %parallel_loop3A_525 : i32
      %parallel_loop3A_528 = arith.index_cast %parallel_loop3A_527 : i32 to index
      %parallel_loop3A_529 = tpu.vector_load %arg22[%parallel_loop3A_528] {strides = array<i32>} : memref<8208xf32, #tpu.memory_space<vmem>>, vector<16xf32>,
      %parallel_loop3A_530 = arith.addf %parallel_loop3A_523, %parallel_loop3A_529 : vector<16xf32>
      %parallel_loop3A_531 = arith.constant 16 : i32
      %parallel_loop3A_532 = arith.muli %parallel_loop3A_437, %parallel_loop3A_531 : i32
      %parallel_loop3A_533 = arith.constant 6669 : i32
      %parallel_loop3A_534 = arith.addi %parallel_loop3A_533, %parallel_loop3A_532 : i32
      %parallel_loop3A_535 = arith.index_cast %parallel_loop3A_534 : i32 to index
      %parallel_loop3A_536 = tpu.vector_load %arg22[%parallel_loop3A_535] {strides = array<i32>} : memref<8208xf32, #tpu.memory_space<vmem>>, vector<16xf32>,
      %parallel_loop3A_537 = arith.addf %parallel_loop3A_530, %parallel_loop3A_536 : vector<16xf32>
      %parallel_loop3A_538 = arith.constant 16 : i32
      %parallel_loop3A_539 = arith.muli %parallel_loop3A_437, %parallel_loop3A_538 : i32
      %parallel_loop3A_540 = arith.constant 7182 : i32
      %parallel_loop3A_541 = arith.addi %parallel_loop3A_540, %parallel_loop3A_539 : i32
      %parallel_loop3A_542 = arith.index_cast %parallel_loop3A_541 : i32 to index
      %parallel_loop3A_543 = tpu.vector_load %arg22[%parallel_loop3A_542] {strides = array<i32>} : memref<8208xf32, #tpu.memory_space<vmem>>, vector<16xf32>,
      %parallel_loop3A_544 = arith.addf %parallel_loop3A_537, %parallel_loop3A_543 : vector<16xf32>
      %parallel_loop3A_545 = arith.constant 16 : i32
      %parallel_loop3A_546 = arith.muli %parallel_loop3A_437, %parallel_loop3A_545 : i32
      %parallel_loop3A_547 = arith.constant 7695 : i32
      %parallel_loop3A_548 = arith.addi %parallel_loop3A_547, %parallel_loop3A_546 : i32
      %parallel_loop3A_549 = arith.index_cast %parallel_loop3A_548 : i32 to index
      %parallel_loop3A_550 = tpu.vector_load %arg22[%parallel_loop3A_549] {strides = array<i32>} : memref<8208xf32, #tpu.memory_space<vmem>>, vector<16xf32>,
      %parallel_loop3A_551 = arith.addf %parallel_loop3A_544, %parallel_loop3A_550 : vector<16xf32>
      %parallel_loop3A_552 = arith.constant 16 : i32
      %parallel_loop3A_553 = arith.muli %parallel_loop3A_437, %parallel_loop3A_552 : i32
      %parallel_loop3A_554 = arith.index_cast %parallel_loop3A_553 : i32 to index
      %parallel_loop3A_555 = tpu.vector_load %arg23[%parallel_loop3A_554] {strides = array<i32>} : memref<512xf32, #tpu.memory_space<vmem>>, vector<16xf32>,
      tpu.vector_store %arg23[%parallel_loop3A_554], %parallel_loop3A_551 {strides = array<i32>} : memref<512xf32, #tpu.memory_space<vmem>>, vector<16xf32>,
    } {sc.loop_unroll_factor = 4 : i64, sc.parallel_access}
    "tpu.region"() ({
      %run_scoped3A = tpu.sem_alloc : memref<!tpu.dma_semaphore, #tpu.memory_space<semaphore_mem>>
      %dma_start3A_437 = arith.constant 0 : i32
      %dma_start3A_438 = tpu.memref_slice %arg5[%add3A, %dma_start3A_437] : memref<32x512xf32, #tpu.memory_space<hbm>> -> memref<1x512xf32, #tpu.memory_space<hbm>>
      %dma_start3A_439 = tpu.memref_squeeze %dma_start3A_438 : memref<1x512xf32, #tpu.memory_space<hbm>> -> memref<512xf32, #tpu.memory_space<hbm>>
      %dma_start3A_440 = arith.constant 0 : i32
      %dma_start3A_441 = tpu.memref_slice %arg5[%add3A, %dma_start3A_440] : memref<32x512xf32, #tpu.memory_space<hbm>> -> memref<1x512xf32, #tpu.memory_space<hbm>>
      %dma_start3A_442 = tpu.memref_squeeze %dma_start3A_441 : memref<1x512xf32, #tpu.memory_space<hbm>> -> memref<512xf32, #tpu.memory_space<hbm>>
      tpu.enqueue_dma source(%arg23 : memref<512xf32, #tpu.memory_space<vmem>>) target(%dma_start3A_442 : memref<512xf32, #tpu.memory_space<hbm>>) target_semaphore(%run_scoped3A : memref<!tpu.dma_semaphore, #tpu.memory_space<semaphore_mem>>)
      %dma_wait3A_443 = arith.constant 0 : i32
      %dma_wait3A_444 = tpu.memref_slice %arg5[%add3A, %dma_wait3A_443] : memref<32x512xf32, #tpu.memory_space<hbm>> -> memref<1x512xf32, #tpu.memory_space<hbm>>
      %dma_wait3A_445 = tpu.memref_squeeze %dma_wait3A_444 : memref<1x512xf32, #tpu.memory_space<hbm>> -> memref<512xf32, #tpu.memory_space<hbm>>
      %dma_wait3A_446 = arith.constant 0 : i32
      %dma_wait3A_447 = tpu.memref_slice %arg5[%add3A, %dma_wait3A_446] : memref<32x512xf32, #tpu.memory_space<hbm>> -> memref<1x512xf32, #tpu.memory_space<hbm>>
      %dma_wait3A_448 = tpu.memref_squeeze %dma_wait3A_447 : memref<1x512xf32, #tpu.memory_space<hbm>> -> memref<512xf32, #tpu.memory_space<hbm>>
      tpu.wait_dma2 semaphore(%run_scoped3A : memref<!tpu.dma_semaphore, #tpu.memory_space<semaphore_mem>>) src(%arg23 : memref<512xf32, #tpu.memory_space<vmem>>) dst(%dma_wait3A_448 : memref<512xf32, #tpu.memory_space<hbm>>)
      tpu.yield
    }) : () -> ()
    return
  }
}

</mosaic_0001>

<sc_bundles>
// kernel: kernel.3.cloned.1.call-start
scs
__scs_entry_jumppad:
0x0: {  	(pc) =	sbr.rel $0x88, $3  }
0x1: {  	(tag) =	ssettag $0x0;
	lr =	simm.s32 $0x1  }
0x2: {  	[smem:$0x3F9E] =	sst lr;
	_ =	strace $0xD0000000  }
0x3: {  	_ = 	snop  }
0x4: {  	_ = 	snop  }
0x5: {  	_ = 	snop  }
0x6: {  	_ = 	snop  }
0x7: {  	_ = 	snop  }
__scs_overlays_trampoline_lowered:
0x8: {  	[smem:$0x3FAD] =	sst s0  }
0x9: {  	[smem:$0x3FAE] =	sst s1  }
0xa: {  	[smem:$0x3FAF] =	sst s2  }
0xb: {  	[smem:$0x3FB0] =	sst s3  }
0xc: {  	[smem:$0x3FB1] =	sst s4  }
0xd: {  	[smem:$0x3FB2] =	sst s5  }
0xe: {  	[smem:$0x3FB3] =	sst s6  }
0xf: {  	[smem:$0x3FB4] =	sst s7  }
0x10: {  	[smem:$0x3FB5] =	sst s8  }
0x11: {  	[smem:$0x3FB6] =	sst s9;
	s0 =	simm.s32 @!p0 $0x0  }
0x12: {  	s1 =	sld [smem:$0x3F9C];
	s0 =	simm.s32 @p0 $0x1  }
0x13: {  	[smem:$0x3FB7] =	sst s0;
	s0 =	simm.s32 @!p1 $0x0  }
0x14: {  	s2 =	sld [smem:$0x3F9B];
	s0 =	simm.s32 @p1 $0x1  }
0x15: {  	[smem:$0x3FB8] =	sst s0;
	s0 =	simm.s32 @!p2 $0x0  }
0x16: {  	s3 =	sld [smem:$0x3FDB];
	s0 =	simm.s32 @p2 $0x1  }
0x17: {  	s4 =	simm.s32 $0x1BF5;
	[smem:$0x3FBA] =	sst s0  }
0x18: {  	s0 =	sld [smem:$0x3F9D];
	_ =	swait.ge [sflag:s4], $0x0  }
0x19: {  	s7 =	sld [smem:$0x3F9E]  }
0x1a: {  	s8 =	sadd.s32 $0xFFFFE003, lr  }
0x1b: {  	s9 =	sadd.s32 $0xFFFFFEF7, lr;
	s5 =	simm.s32 $0xFFFFFFFF;
	p2 =	slt.u32 s8, $0xFFFFF086  }
0x1c: {  	p1 =	slt.u32 s9, $0xF7A;
	s5 =	simm.s32 @!p2 $0x0  }
0x1d: {  	s5 =	simm.s32 @p1 $0x1;
	p0 =	seq.s32 s7, s2  }
0x1e: {  	s7 =	smul.u32 @!p0 $0xF7A, s2;
	p2 =	seq.s32 @!p0 s5, $0x0  }
0x1f: {  	s9 =	smul.u32 $0xF7A, s1;
	s8 =	simm.s32 @!p0 $0x1BF5;
	p2 =	por !p2, p0  }
0x20: {  	[sflag:s8] =	ssyncset.s32 @!p0 $0xFFFFF086;
	s6 =	sadd.s32 @!p0 s3, s7;
	s7 =	simm.s32 @!p0 $0x108  }
0x21: {  	s3 =	sadd.s32 s3, s9;
	s6 =	sadd.s32 @!p0 $0x88, s6;
	s7 =	simm.s32 @p2 $0x1082  }
0x22: {  	[simem:s7], [sflag:s8] =	dma.local @!p0 [hbm:s6], $0xF7A  }
0x23: {  	s9 =	sor.u32 $0xD0000000, s2;
	s6 =	simm.s32 $0x108;
	_ =	swait.ge @!p0 [sflag:s8], $0x0  }
0x24: {  	s3 =	sadd.s32 $0x88, s3;
	s6 =	simm.s32 @!p1 $0x1082;
	[sflag:s4] =	ssyncset.s32 $0xFFFFF086  }
0x25: {  	[simem:s6], [sflag:s4] =	dma.local [hbm:s3], $0xF7A  }
0x26: {  	[smem:$0x3F9E] =	sst s1;
	(tag) =	ssettag s2;
	_ =	strace s9  }
0x27: {  	s1 =	sld [smem:$0x3FAE]  }
0x28: {  	s2 =	sld [smem:$0x3FAF]  }
0x29: {  	s4 =	sld [smem:$0x3FB1]  }
0x2a: {  	p0 =	seq.s32 s5, $0x0;
	s5 =	sld [smem:$0x3FB2]  }
0x2b: {  	s6 =	sld [smem:$0x3FB3]  }
0x2c: {  	s7 =	sld [smem:$0x3FB4]  }
0x2d: {  	s3 =	simm.s32 $0x108;
	s8 =	sld [smem:$0x3FB5]  }
0x2e: {  	s3 =	simm.s32 @!p0 $0x1082;
	s9 =	sld [smem:$0x3FB6]  }
0x2f: {  	lr =	sadd.s32 s0, s3;
	s0 =	sld [smem:$0x3FAD]  }
0x30: {  	s3 =	sld [smem:$0x3FB0]  }
0x31: {  	[smem:$0x3FB9] =	sst s10  }
0x32: {  	s10 =	sld [smem:$0x3FB7];
	_ =	sdelay $0x3  }
0x33: {  	p0 =	seq.s32 s10, $0x1;
	s10 =	sld [smem:$0x3FB9];
	_ =	sdelay $0x3  }
0x34: {  	[smem:$0x3FB9] =	sst s10  }
0x35: {  	s10 =	sld [smem:$0x3FB8];
	_ =	sdelay $0x3  }
0x36: {  	p1 =	seq.s32 s10, $0x1;
	s10 =	sld [smem:$0x3FB9];
	_ =	sdelay $0x3  }
0x37: {  	[smem:$0x3FB9] =	sst s10  }
0x38: {  	s10 =	sld [smem:$0x3FBA]  }
0x39: {  	_ = 	snop;
	(pc) =	sbr.ind lr, $3  }
0x3a: {  	_ = 	snop  }
0x3b: {  	_ = 	snop  }
0x3c: {  	p2 =	seq.s32 s10, $0x1;
	s10 =	sld [smem:$0x3FB9]  }
0x3d: {  	_ =	shalt  }
0x3e: {  	_ =	shalt  }
0x3f: {  	_ =	shalt  }
0x40: {  	_ =	shalt  }
0x41: {  	_ =	shalt  }
0x42: {  	_ =	shalt  }
0x43: {  	_ =	shalt  }
0x44: {  	_ =	shalt  }
0x45: {  	_ =	shalt  }
0x46: {  	_ =	shalt  }
0x47: {  	_ =	shalt  }
0x48: {  	_ =	shalt  }
0x49: {  	_ =	shalt  }
0x4a: {  	_ =	shalt  }
0x4b: {  	_ =	shalt  }
0x4c: {  	_ =	shalt  }
0x4d: {  	_ =	shalt  }
0x4e: {  	_ =	shalt  }
0x4f: {  	_ =	shalt  }
0x50: {  	_ =	shalt  }
0x51: {  	_ =	shalt  }
0x52: {  	_ =	shalt  }
0x53: {  	_ =	shalt  }
0x54: {  	_ =	shalt  }
0x55: {  	_ =	shalt  }
0x56: {  	_ =	shalt  }
0x57: {  	_ =	shalt  }
0x58: {  	_ =	shalt  }
0x59: {  	_ =	shalt  }
0x5a: {  	_ =	shalt  }
0x5b: {  	_ =	shalt  }
0x5c: {  	_ =	shalt  }
0x5d: {  	_ =	shalt  }
0x5e: {  	_ =	shalt  }
0x5f: {  	_ =	shalt  }
0x60: {  	_ =	shalt  }
0x61: {  	_ =	shalt  }
0x62: {  	_ =	shalt  }
0x63: {  	_ =	shalt  }
0x64: {  	_ =	shalt  }
0x65: {  	_ =	shalt  }
0x66: {  	_ =	shalt  }
0x67: {  	_ =	shalt  }
0x68: {  	_ =	shalt  }
0x69: {  	_ =	shalt  }
0x6a: {  	_ =	shalt  }
0x6b: {  	_ =	shalt  }
0x6c: {  	_ =	shalt  }
0x6d: {  	_ =	shalt  }
0x6e: {  	_ =	shalt  }
0x6f: {  	_ =	shalt  }
0x70: {  	_ =	shalt  }
0x71: {  	_ =	shalt  }
0x72: {  	_ =	shalt  }
0x73: {  	_ =	shalt  }
0x74: {  	_ =	shalt  }
0x75: {  	_ =	shalt  }
0x76: {  	_ =	shalt  }
0x77: {  	_ =	shalt  }
0x78: {  	_ =	shalt  }
0x79: {  	_ =	shalt  }
0x7a: {  	_ =	shalt  }
0x7b: {  	_ =	shalt  }
0x7c: {  	_ =	shalt  }
0x7d: {  	_ =	shalt  }
0x7e: {  	_ =	shalt  }
0x7f: {  	_ =	shalt  }
0x80: {  	_ =	shalt  }
0x81: {  	_ =	shalt  }
0x82: {  	_ =	shalt  }
0x83: {  	_ =	shalt  }
0x84: {  	_ =	shalt  }
0x85: {  	_ =	shalt  }
0x86: {  	_ =	shalt  }
0x87: {  	_ =	shalt  }
.Lfunc_end0:
.L_simem_size_0:
called_computation_lowered:
.L_overlay_start_0:
0x88: {  	s2 =	sld [smem:$0x3FD9]  }
0x89: {  	s3 =	sld [smem:$0x3FFE];
	_ =	sdelay $0x1  }
0x8a: {  	s1 =	srdreg.scid  }
0x8b: {  	s0 =	sand.u32 $0x1, s1  }
0x8c: {  	s17 =	sshll.u32 s0, $0xA;
	s2 =	sadd.s32 s3, s2  }
0x8d: {  	s2 =	sadd.s32 s2, s17  }
0x8e: {  	[smem:$0x3FC5] =	sst s2  }
0x8f: {  	_ = 	snop  }
0x90: {  	s2 =	sld [smem:$0x3FC9]  }
0x91: {  	s18 =	sld [smem:$0x3FC8]  }
0x92: {  	s4 =	sld [smem:$0x3FC7];
	(tm) =	ssettm $0x1  }
0x93: {  	s5 =	sld [smem:$0x3FFB];
	_ =	sdelay $0x3  }
0x94: {  	_ =	strace s5  }
0x95: {  	s5 =	sld [smem:$0x3FFC];
	_ =	sdelay $0x3  }
0x96: {  	_ =	strace s5  }
0x97: {  	s5 =	sld [smem:$0x3FFD];
	_ =	sdelay $0x3  }
0x98: {  	_ =	strace s5  }
0x99: {  	_ =	strace $0x8FFFFFFF  }
0x9a: {  	s19 =	sld [smem:$0x3FDB];
	_ =	sdelay $0x1  }
0x9b: {  	s6 =	simm.s32 $_scs_section_size  }
0x9c: {  	s7 =	simm.s32 $_size__tile_overlayer_lowered;
	s8 =	simm.s32 $_tile_overlayer_lowered  }
0x9d: {  	s22 =	simm.s32 $0x1BFF;
	s21 =	sshll.u32 s8, $0x1;
	s5 =	sadd.s32 s6, s19  }
0x9e: {  	s9 =	simm.s32 $0x0;
	s20 =	sshll.u32 s7, $0x1;
	s7 =	sadd.s32 s21, s5  }
0x9f: {  	[timem:s9], [sflag:s22] =	dma.local [hbm:s7], s20  }
0xa0: {  	_ =	swait.ge [sflag:s22], s20  }
0xa1: {  	s6 =	ssub.s32 $0x0, s20;
	[sflag:s22] =	ssyncset.done $0x0  }
0xa2: {  	[sflag:s22] =	ssyncadd.s32 s6;
	_ =	sdelay $0x1  }
0xa3: {  	s23 =	simm.s32 $0x1B8B  }
0xa4: {  	_ =	swait.ge [sflag:s23], $0x1  }
0xa5: {  	[sflag:s23] =	ssyncset.done $0x0  }
0xa6: {  	s25 =	simm.s32 $0x1B8E;
	s24 =	sld [smem:$0x3FFE];
	[sflag:s23] =	ssyncadd.s32 $0xFFFFFFFF  }
0xa7: {  	s26 =	simm.s32 $execute0_lowered;
	[smem:$0x3FD2] =	sst s25  }
0xa8: {  	s7 =	sshll.u32 s26, $0x1;
	_ =	strace $0x80000046;
	[dreg:$0x1] =	wrdreg $0xFFFFFFFF  }
0xa9: {  	s28 =	simm.s32 $_size_execute0_lowered;
	s5 =	sadd.s32 s5, s7;
	[dreg:$0x0] =	wrdreg $0x0  }
0xaa: {  	s7 =	sshll.u32 s28, $0x1;
	[dreg:$0x2] =	wrdreg s5  }
0xab: {  	[dreg:$0x3] =	wrdreg s7  }
0xac: {  	[dreg:$0x4] =	wrdreg $0xC0  }
0xad: {  	_ =	task [dreg:s9], $0x5FFFF  }
0xae: {  	[dreg:$0x1] =	wrdreg $0xFFFFFFFF  }
0xaf: {  	[dreg:$0x0] =	wrdreg $0x60  }
0xb0: {  	[dreg:$0x2] =	wrdreg s2  }
0xb1: {  	[dreg:$0x3] =	wrdreg s18  }
0xb2: {  	[dreg:$0x4] =	wrdreg s4  }
0xb3: {  	[dreg:$0x5] =	wrdreg s24  }
0xb4: {  	[dreg:$0x6] =	wrdreg $0x0  }
0xb5: {  	[dreg:$0x7] =	wrdreg $0x9  }
0xb6: {  	_ =	task.clear_ibuf [dreg:s9], $0x8FFFF;
	_ =	strace $0x90000046  }
0xb7: {  	s29 =	simm.s32 $0x9;
	_ =	strace $0x80000048  }
0xb8: {  	_ =	swait.ge [sflag:s29], $0x1  }
0xb9: {  	[sflag:s29] =	ssyncadd.s32 $0xFFFFFFFF  }
0xba: {  	_ =	strace $0x90000048  }
0xbb: {  	_ =	sfence  }
0xbc: {  	s30 =	sld [smem:$0x0];
	_ =	sdelay $0x2  }
0xbd: {  	s31 =	sshll.u32 s1, $0xD;
	s1 =	sshrl.u32 s1, $0x2  }
0xbe: {  	s3 =	sand.u32 $0x4000, s31;
	s1 =	sadd.s32 s1, s30  }
0xbf: {  	s0 =	sor.u32 s3, s0;
	s1 =	sshll.u32 s1, $0x11  }
0xc0: {  	s0 =	sor.u32 s1, s0  }
0xc1: {  	s0 =	sadd.s32 $0x8F2B, s0  }
0xc2: {  	[sflag:s0] =	ssyncadd.remote.s32 $0x1  }
0xc3: {  	_ =	sfence.sel $0xFFFF  }
0xc4: {  	[dreg:$0x0] =	wrdreg $0xFFFFFFFF;
	(pc) =	sbr.abs _section_cstart, $3  }
0xc5: {  	[dreg:$0x1] =	wrdreg $0xFFFFFFFF  }
0xc6: {  	_ =	task.clear_ibuf [dreg:s9], $0x2FFFF;
	_ =	strace $0x9FFFFFFF  }
0xc7: {  	(tm) =	ssettm $0x7FFFFFFF  }
tec
execute0_lowered:
.L_overlay_start_1:
0x0: {  	(tag) =	ssettag $0x1  }
0x1: {  	s0 =	srdreg.scid;
	s1 =	stileid.u32  }
0x2: {  	s0 =	sand.u32 $0x1, s0;
	s2 =	sshll.u32 s1, $0x1  }
0x3: {  	s3 =	sor.u32 s0, s2  }
0x4: {  	s2 =	smul.u32 $0xC350, s3  }
0x5: {  	s4 =	rddreg [dreg:$0x0]  }
0x6: {  	s5 =	rddreg [dreg:$0x1];
	s7 =	ssub.s32 $0x2, s0;
	s6 =	sshrl.u32 s2, $0x3  }
0x7: {  	s0 =	simm.s32 $0x0;
	s8 =	sshrl.u32 s7, $0x1;
	s12 =	sadd.s32 $0xFA, s6  }
0x8: {  	[smem:$0x7FF] =	sst s0;
	s2 =	ssub.s32 s7, s8;
	s13 =	sadd.s32 s5, s12  }
0x9: {  	s14 =	sadd.s32 $0x1F4, s6;
	s7 =	sadd.s32 s4, s12;
	[dreg:$0x6] =	wrdreg s13  }
0xa: {  	s16 =	sadd.s32 $0x2EE, s6;
	s15 =	sadd.s32 s5, s14;
	[dreg:$0x7] =	wrdreg s7  }
0xb: {  	s18 =	sadd.s32 $0x3E8, s6;
	s17 =	sadd.s32 s5, s16;
	[dreg:$0x8] =	wrdreg s15  }
0xc: {  	s20 =	sadd.s32 $0x4E2, s6;
	s19 =	sadd.s32 s5, s18;
	[dreg:$0xa] =	wrdreg s17  }
0xd: {  	s22 =	sadd.s32 $0x5DC, s6;
	s21 =	sadd.s32 s5, s20;
	[dreg:$0xc] =	wrdreg s19  }
0xe: {  	s24 =	sadd.s32 $0x6D6, s6;
	s23 =	sadd.s32 s5, s22;
	[dreg:$0xe] =	wrdreg s21  }
0xf: {  	s26 =	sadd.s32 $0x7D0, s6;
	s25 =	sadd.s32 s5, s24;
	[dreg:$0x10] =	wrdreg s23  }
0x10: {  	s10 =	sadd.s32 $0x8CA, s6;
	s9 =	sadd.s32 s5, s26;
	[dreg:$0x12] =	wrdreg s25  }
0x11: {  	s11 =	sadd.s32 s5, s10;
	[dreg:$0x14] =	wrdreg s9  }
0x12: {  	s12 =	sadd.s32 $0x9C4, s6;
	s7 =	sadd.s32 s4, s14;
	[dreg:$0x16] =	wrdreg s11  }
0x13: {  	s13 =	sadd.s32 s5, s12;
	[dreg:$0x9] =	wrdreg s7  }
0x14: {  	s14 =	sadd.s32 $0xABE, s6;
	s7 =	sadd.s32 s4, s16;
	[dreg:$0x18] =	wrdreg s13  }
0x15: {  	s15 =	sadd.s32 s5, s14;
	[dreg:$0xb] =	wrdreg s7  }
0x16: {  	s16 =	sadd.s32 $0xBB8, s6;
	s7 =	sadd.s32 s4, s18;
	[dreg:$0x1a] =	wrdreg s15  }
0x17: {  	s17 =	sadd.s32 s5, s16;
	[dreg:$0xd] =	wrdreg s7  }
0x18: {  	s18 =	sadd.s32 $0xCB2, s6;
	s7 =	sadd.s32 s4, s20;
	[dreg:$0x1c] =	wrdreg s17  }
0x19: {  	s19 =	sadd.s32 s5, s18;
	[dreg:$0xf] =	wrdreg s7  }
0x1a: {  	s20 =	sadd.s32 $0xDAC, s6;
	s7 =	sadd.s32 s4, s22;
	[dreg:$0x1e] =	wrdreg s19  }
0x1b: {  	s21 =	sadd.s32 s5, s20;
	[dreg:$0x11] =	wrdreg s7  }
0x1c: {  	s22 =	sadd.s32 $0xEA6, s6;
	s7 =	sadd.s32 s4, s24;
	[smem:$0x7E4] =	sst s21  }
0x1d: {  	s23 =	sadd.s32 s5, s22;
	[dreg:$0x13] =	wrdreg s7  }
0x1e: {  	s29 =	simm.s32 $0x2870;
	s21 =	sadd.s32 s4, s6;
	[smem:$0x7E6] =	sst s23  }
0x1f: {  	s31 =	simm.s32 $0x2;
	s28 =	simm.s32 $0x10;
	[smem:$0x7F7] =	sst s21  }
0x20: {  	s24 =	sadd.s32 $0xFA0, s6;
	s7 =	sadd.s32 s4, s26;
	s21 =	rddreg [dreg:$0x4]  }
0x21: {  	s30 =	simm.s32 $0xB;
	s25 =	sadd.s32 s5, s24;
	[dreg:$0x15] =	wrdreg s7  }
0x22: {  	p0 =	sne.s32 s1, $0x0;
	s3 =	sshll.u32 s3, $0x4;
	[smem:$0x7E8] =	sst s25  }
0x23: {  	s26 =	sadd.s32 $0x109A, s6;
	s7 =	sadd.s32 s4, s10;
	s25 =	rddreg [dreg:$0x3]  }
0x24: {  	s3 =	sand.u32 $0x70, s3;
	s9 =	sadd.s32 s5, s26;
	[dreg:$0x17] =	wrdreg s7  }
0x25: {  	s10 =	sadd.s32 $0x1194, s6;
	s7 =	sadd.s32 s4, s12;
	[smem:$0x7EA] =	sst s9  }
0x26: {  	s8 =	simm.s32 $0x7;
	s11 =	sadd.s32 s5, s10;
	[dreg:$0x19] =	wrdreg s7  }
0x27: {  	s12 =	sadd.s32 $0x128E, s6;
	s7 =	sadd.s32 s4, s14;
	[smem:$0x7EC] =	sst s11  }
0x28: {  	s9 =	simm.s32 $0x9070;
	s13 =	sadd.s32 s5, s12;
	[dreg:$0x1b] =	wrdreg s7  }
0x29: {  	s14 =	sadd.s32 $0x1388, s6;
	s7 =	sadd.s32 s4, s16;
	[smem:$0x7EE] =	sst s13  }
0x2a: {  	s15 =	sadd.s32 s5, s14;
	s16 =	sadd.s32 $0x1482, s6;
	[dreg:$0x1d] =	wrdreg s7  }
0x2b: {  	s13 =	simm.s32 $0x4870;
	s7 =	sadd.s32 s4, s18;
	[smem:$0x7F0] =	sst s15  }
0x2c: {  	s17 =	sadd.s32 s5, s16;
	s18 =	sadd.s32 $0x157C, s6;
	[dreg:$0x1f] =	wrdreg s7  }
0x2d: {  	s15 =	simm.s32 $0x8;
	s7 =	sadd.s32 s4, s20;
	[smem:$0x7F2] =	sst s17  }
0x2e: {  	s19 =	sadd.s32 s5, s18;
	s20 =	sadd.s32 s5, s6;
	[smem:$0x7E5] =	sst s7  }
0x2f: {  	s17 =	simm.s32 $0x4070;
	s7 =	sadd.s32 s4, s22;
	[smem:$0x7F4] =	sst s19  }
0x30: {  	[smem:$0x7F6] =	sst s20;
	s22 =	sadd.s32 $0x1676, s6;
	s6 =	sadd.s32 $0x1770, s6  }
0x31: {  	s19 =	simm.s32 $0x9;
	[smem:$0x7E7] =	sst s7;
	s7 =	sadd.s32 s4, s24  }
0x32: {  	s20 =	simm.s32 $0x6;
	s23 =	sadd.s32 s5, s22;
	[smem:$0x7E9] =	sst s7  }
0x33: {  	s5 =	sadd.s32 s5, s6;
	s24 =	sshll.u32 s1, $0x7;
	[smem:$0x7F8] =	sst s23  }
0x34: {  	s1 =	simm.s32 $0x7D0;
	s7 =	sadd.s32 s4, s26;
	[smem:$0x7FA] =	sst s5  }
0x35: {  	s26 =	smax.u32 s2, $0x1;
	s5 =	simm.s32 $0x3070;
	s23 =	simm.s32 $0xF  }
0x36: {  	s2 =	simm.s32 $0x0;
	[smem:$0x7EB] =	sst s7;
	s7 =	sadd.s32 s4, s10  }
0x37: {  	s10 =	simm.s32 $0x4;
	[smem:$0x7ED] =	sst s7;
	s7 =	sadd.s32 s4, s12  }
0x38: {  	s12 =	simm.s32 $0x3870;
	[smem:$0x7EF] =	sst s7;
	s7 =	sadd.s32 s4, s14  }
0x39: {  	s14 =	simm.s32 $0xD;
	[smem:$0x7F1] =	sst s7;
	s7 =	sadd.s32 s4, s16  }
0x3a: {  	s16 =	simm.s32 $0x5;
	[smem:$0x7F3] =	sst s7;
	s7 =	sadd.s32 s4, s18  }
0x3b: {  	[smem:$0x7F5] =	sst s7;
	s7 =	sadd.s32 s4, s22;
	s4 =	sadd.s32 s4, s6  }
0x3c: {  	s18 =	simm.s32 $0xE;
	[smem:$0x7FB] =	sst s4;
	s4 =	sand.u32 $0x600, s24  }
0x3d: {  	s22 =	simm.s32 $0x8870;
	[smem:$0x7F9] =	sst s7;
	s4 =	sadd.s32 s25, s4  }
0x3e: {  	s24 =	simm.s32 $0x1870;
	s7 =	simm.s32 $0xC;
	s3 =	sadd.s32 s3, s4  }
0x3f: {  	v1 =	vlaneseq.u32;
	s25 =	simm.s32 $0xA;
	[smem:$0x7FC] =	sst s3;
	s3 =	simm.s32 $0x3  }
0x40: {  	v0 =	vimm.f32 $0.0e+00;
	v1 =	vmul.u32 $0x201, v1;
	_ =	strace $0x80000047;
	[smem:$0x7FD] =	sst s26;
	s26 =	simm.s32 $0x2070  }
.LBB2_1:
0x41: {  	s4 =	sshrl.u32 @!p0 s21, $0x3;
	s6 =	simm.s32 @!p0 $0x1C01;
	s11 =	rddreg [dreg:$0x2]  }
0x42: {  	[spmem:s4], [sflag:s6] =	dma.local @!p0 [hbm:s11], $0x30E0  }
0x43: {  	s4 =	simm.s32 @!p0 $0x1  }
0x44: {  	_ =	swait.ge @!p0 [sflag:s4], $0x30E0  }
0x45: {  	s6 =	sld [smem:$0x7F6]  }
0x46: {  	[sflag:s4] =	ssyncset.done @!p0 $0x0  }
0x47: {  	s11 =	sld [smem:$0x7F7];
	[sflag:s4] =	ssyncadd.s32 @!p0 $0xFFFFCF20  }
0x48: {  	[tilespmem:s24], [sflag:$0x2] =	stream.linear.gather [hbm4b:s6+s0], $0x7D0, $0x38;
	[tilespmem:$0xB2F0] =	vst v63  }
0x49: {  	_ = 	snop  }
0x4a: {  	[tilespmem:s17], [sflag:$0x7] =	stream.linear.gather [hbm4b:s11+s0], $0x7D0, $0x38;
	[tilespmem:$0xB2F0] =	vst v63  }
0x4b: {  	s6 =	rddreg [dreg:$0x6]  }
0x4c: {  	[tilespmem:s26], [sflag:$0x3] =	stream.linear.gather [hbm4b:s6+s0], $0x7D0, $0x38;
	[tilespmem:$0xB2F0] =	vst v63  }
0x4d: {  	s11 =	rddreg [dreg:$0x7]  }
0x4e: {  	[tilespmem:s13], [sflag:$0x8] =	stream.linear.gather [hbm4b:s11+s0], $0x7D0, $0x38;
	[tilespmem:$0xB2F0] =	vst v63  }
0x4f: {  	s6 =	rddreg [dreg:$0x8]  }
0x50: {  	[tilespmem:s29], [sflag:$0x4] =	stream.linear.gather [hbm4b:s6+s0], $0x7D0, $0x38;
	[tilespmem:$0xB2F0] =	vst v63  }
0x51: {  	s11 =	rddreg [dreg:$0x9];
	s13 =	simm.s32 $0x5070  }
0x52: {  	[tilespmem:s13], [sflag:$0x9] =	stream.linear.gather [hbm4b:s11+s0], $0x7D0, $0x38;
	[tilespmem:$0xB2F0] =	vst v63  }
0x53: {  	s11 =	simm.s32 $0x90B0  }
0x54: {  	[tilespmem:s11+$0xFFFFFFD0] =	vst v0  }
0x55: {  	[tilespmem:s11+$0xFFFFFFE0] =	vst v0  }
0x56: {  	[tilespmem:s11+$0xFFFFFFF0] =	vst v0  }
0x57: {  	[tilespmem:s11+$0x0] =	vst v0  }
0x58: {  	[tilespmem:s11+$0x10] =	vst v0  }
0x59: {  	[tilespmem:s11+$0x20] =	vst v0  }
0x5a: {  	[tilespmem:s11+$0x30] =	vst v0  }
0x5b: {  	s13 =	sand.u32 $0x3FF0, s0;
	[tilespmem:s11+$0xFFFFFFC0] =	vst v0  }
0x5c: {  	s4 =	simm.s32 $0x0;
	s6 =	simm.s32 $0x9140;
	[tilespmem:s13+$0x90F0] =	vst v0;
	s11 =	simm.s32 $0x0  }
.LBB2_2:
0x5d: {  	[tilespmem:s6+$0xFFFFFFD0] =	vst v0  }
0x5e: {  	[tilespmem:s6+$0xFFFFFFE0] =	vst v0  }
0x5f: {  	s4 =	sadd.s32 $0x9, s4;
	[tilespmem:s6+$0xFFFFFFF0] =	vst v0  }
0x60: {  	p1 =	slt.u32 s4, $0x1F8;
	[tilespmem:s6+$0x0] =	vst v0  }
.Ltmp0:
0x61: {  	[tilespmem:s6+$0x10] =	vst v0;
	(pc) =	sbr.rel @p1 .LBB2_2-.Ltmp0, $4  }
0x62: {  	[tilespmem:s6+$0x20] =	vst v0  }
0x63: {  	s11 =	sadd.s32 $0x90, s11;
	[tilespmem:s6+$0x30] =	vst v0  }
0x64: {  	s13 =	sand.u32 $0x3FF0, s11;
	[tilespmem:s6+$0xFFFFFFC0] =	vst v0  }
0x65: {  	s6 =	sadd.s32 $0x90, s6;
	[tilespmem:s13+$0x90F0] =	vst v0  }
0x66: {  	[bflag:$0x0] =	sbarrier.arrive $0xFFFF  }
0x67: {  	_ =	swait.ge [sflag:s31], $0x7D0  }
0x68: {  	[sflag:s31] =	ssyncset.done $0x0  }
0x69: {  	s4 =	simm.s32 $0x6870;
	[sflag:s31] =	ssyncadd.s32 $0xFFFFF830  }
0x6a: {  	[tilespmem:s4], [sflag:$0xC] =	stream.indirect.gather [spmem:s21], $0x1, s24, s1, $0xb8;
	[tilespmem:$0xB2F0] =	vst v63  }
0x6b: {  	_ =	swait.ge [sflag:s3], $0x7D0  }
0x6c: {  	[sflag:s3] =	ssyncset.done $0x0  }
0x6d: {  	s13 =	simm.s32 $0x7070;
	[sflag:s3] =	ssyncadd.s32 $0xFFFFF830  }
0x6e: {  	[tilespmem:s13], [sflag:$0xD] =	stream.indirect.gather [spmem:s21], $0x1, s26, s1, $0xb8;
	[tilespmem:$0xB2F0] =	vst v63  }
0x6f: {  	s6 =	rddreg [dreg:$0xa]  }
0x70: {  	[tilespmem:s5], [sflag:$0x5] =	stream.linear.gather [hbm4b:s6+s0], $0x7D0, $0x38;
	[tilespmem:$0xB2F0] =	vst v63  }
0x71: {  	s11 =	rddreg [dreg:$0xb];
	s6 =	simm.s32 $0x5870  }
0x72: {  	[tilespmem:s6], [sflag:$0xA] =	stream.linear.gather [hbm4b:s11+s0], $0x7D0, $0x38;
	[tilespmem:$0xB2F0] =	vst v63  }
0x73: {  	_ =	swait.ge [sflag:s7], $0x7D0  }
0x74: {  	[sflag:s7] =	ssyncset.done $0x0  }
0x75: {  	[sflag:s7] =	ssyncadd.s32 $0xFFFFF830  }
0x76: {  	_ =	swait.ge [sflag:s8], $0x7D0  }
0x77: {  	[sflag:s8] =	ssyncset.done $0x0  }
0x78: {  	s13 =	simm.s32 $0x6890;
	[sflag:s8] =	ssyncadd.s32 $0xFFFFF830  }
0x79: {  	v2 =	vld [tilespmem:s13+$0x20]  }
0x7a: {  	v3 =	vld [tilespmem:s13+$0xFFFFFFF0]  }
0x7b: {  	v4 =	vld [tilespmem:s13+$0x0]  }
0x7c: {  	v5 =	vld [tilespmem:s13+$0xFFFFFFE0]  }
0x7d: {  	s4 =	simm.s32 $0x4090;
	v6 =	vld [tilespmem:s13+$0x10]  }
0x7e: {  	v7 =	vld [tilespmem:s4+$0x20];
	v2 =	vadd.s32 v1, v2  }
0x7f: {  	v9 =	vld [tilespmem:s4+$0xFFFFFFF0];
	v8 =	vadd.s32 v1, v3  }
0x80: {  	v10 =	vld [tilespmem:s4+$0x0];
	v4 =	vadd.s32 v1, v4  }
0x81: {  	v11 =	vld [tilespmem:s4+$0xFFFFFFE0];
	v5 =	vadd.s32 v1, v5  }
0x82: {  	v3 =	vld [tilespmem:s4+$0x10]  }
0x83: {  	[tilespmem:v2+s9+$0x0] =	vst.idx.add.f32.msk $0xffff, v7  }
0x84: {  	[tilespmem:v8+s9+$0x0] =	vst.idx.add.f32.msk $0xffff, v9  }
0x85: {  	[tilespmem:v4+s9+$0x0] =	vst.idx.add.f32.msk $0xffff, v10  }
0x86: {  	s6 =	simm.s32 $0x0;
	s11 =	simm.s32 $0x68E0;
	v2 =	vadd.s32 v1, v6;
	[tilespmem:v5+s9+$0x0] =	vst.idx.add.f32.msk $0xffff, v11  }
.LBB2_4:
0x87: {  	v4 =	vld [tilespmem:s11+$0x20];
	s6 =	sadd.s32 $0x5, s6  }
0x88: {  	v5 =	vld [tilespmem:s11+$0xFFFFFFF0];
	p1 =	slt.u32 s6, $0x78  }
0x89: {  	v6 =	vld [tilespmem:s11+$0x0]  }
0x8a: {  	v7 =	vld [tilespmem:s11+$0x10]  }
0x8b: {  	s4 =	sadd.s32 $0x50, s4;
	v8 =	vld [tilespmem:s11+$0xFFFFFFE0]  }
0x8c: {  	v9 =	vld [tilespmem:s4+$0x20];
	v4 =	vadd.s32 v1, v4  }
0x8d: {  	v10 =	vld [tilespmem:s4+$0xFFFFFFE0];
	v5 =	vadd.s32 v1, v5  }
0x8e: {  	v11 =	vld [tilespmem:s4+$0xFFFFFFF0];
	v6 =	vadd.s32 v1, v6  }
0x8f: {  	v12 =	vld [tilespmem:s4+$0x0];
	v7 =	vadd.s32 v1, v7  }
0x90: {  	v8 =	vadd.s32 v1, v8;
	v13 =	vld [tilespmem:s4+$0x10]  }
.Ltmp1:
0x91: {  	[tilespmem:v4+s9+$0x0] =	vst.idx.add.f32.msk $0xffff, v9;
	(pc) =	sbr.rel @p1 .LBB2_4-.Ltmp1, $4  }
0x92: {  	[tilespmem:v2+s9+$0x0] =	vst.idx.add.f32.msk $0xffff, v3;
	v2 =	vmov v7  }
0x93: {  	[tilespmem:v5+s9+$0x0] =	vst.idx.add.f32.msk $0xffff, v11  }
0x94: {  	[tilespmem:v6+s9+$0x0] =	vst.idx.add.f32.msk $0xffff, v12  }
0x95: {  	s11 =	sadd.s32 $0x50, s11;
	[tilespmem:v8+s9+$0x0] =	vst.idx.add.f32.msk $0xffff, v10;
	v3 =	vmov v13  }
0x96: {  	_ =	sdelay $0x3  }
0x97: {  	[tilespmem:v2+s9+$0x0] =	vst.idx.add.f32.msk $0xffff, v3  }
0x98: {  	_ =	swait.ge [sflag:s10], $0x7D0  }
0x99: {  	[sflag:s10] =	ssyncset.done $0x0  }
0x9a: {  	s4 =	simm.s32 $0x7870;
	[sflag:s10] =	ssyncadd.s32 $0xFFFFF830  }
0x9b: {  	[tilespmem:s4], [sflag:$0xE] =	stream.indirect.gather [spmem:s21], $0x1, s29, s1, $0xb8;
	[tilespmem:$0xB2F0] =	vst v63  }
0x9c: {  	s6 =	rddreg [dreg:$0xc]  }
0x9d: {  	[tilespmem:s12], [sflag:$0x6] =	stream.linear.gather [hbm4b:s6+s0], $0x7D0, $0x38;
	[tilespmem:$0xB2F0] =	vst v63  }
0x9e: {  	s11 =	rddreg [dreg:$0xd];
	s6 =	simm.s32 $0x6070  }
0x9f: {  	[tilespmem:s6], [sflag:$0xB] =	stream.linear.gather [hbm4b:s11+s0], $0x7D0, $0x38;
	[tilespmem:$0xB2F0] =	vst v63  }
0xa0: {  	_ =	swait.ge [sflag:s14], $0x7D0  }
0xa1: {  	[sflag:s14] =	ssyncset.done $0x0  }
0xa2: {  	[sflag:s14] =	ssyncadd.s32 $0xFFFFF830  }
0xa3: {  	_ =	swait.ge [sflag:s15], $0x7D0  }
0xa4: {  	[sflag:s15] =	ssyncset.done $0x0  }
0xa5: {  	s13 =	simm.s32 $0x7090;
	[sflag:s15] =	ssyncadd.s32 $0xFFFFF830  }
0xa6: {  	v2 =	vld [tilespmem:s13+$0x20]  }
0xa7: {  	v3 =	vld [tilespmem:s13+$0xFFFFFFF0]  }
0xa8: {  	v4 =	vld [tilespmem:s13+$0x0]  }
0xa9: {  	v5 =	vld [tilespmem:s13+$0xFFFFFFE0]  }
0xaa: {  	s4 =	simm.s32 $0x4890;
	v6 =	vld [tilespmem:s13+$0x10]  }
0xab: {  	v7 =	vld [tilespmem:s4+$0x20];
	v2 =	vadd.s32 v1, v2  }
0xac: {  	v9 =	vld [tilespmem:s4+$0xFFFFFFF0];
	v8 =	vadd.s32 v1, v3  }
0xad: {  	v10 =	vld [tilespmem:s4+$0x0];
	v4 =	vadd.s32 v1, v4  }
0xae: {  	v11 =	vld [tilespmem:s4+$0xFFFFFFE0];
	v5 =	vadd.s32 v1, v5  }
0xaf: {  	v3 =	vld [tilespmem:s4+$0x10]  }
0xb0: {  	[tilespmem:v2+s9+$0x0] =	vst.idx.add.f32.msk $0xffff, v7  }
0xb1: {  	[tilespmem:v8+s9+$0x0] =	vst.idx.add.f32.msk $0xffff, v9  }
0xb2: {  	[tilespmem:v4+s9+$0x0] =	vst.idx.add.f32.msk $0xffff, v10  }
0xb3: {  	s6 =	simm.s32 $0x0;
	s11 =	simm.s32 $0x70E0;
	v2 =	vadd.s32 v1, v6;
	[tilespmem:v5+s9+$0x0] =	vst.idx.add.f32.msk $0xffff, v11  }
.LBB2_6:
0xb4: {  	v4 =	vld [tilespmem:s11+$0x20];
	s6 =	sadd.s32 $0x5, s6  }
0xb5: {  	v5 =	vld [tilespmem:s11+$0xFFFFFFF0];
	p1 =	slt.u32 s6, $0x78  }
0xb6: {  	v6 =	vld [tilespmem:s11+$0x0]  }
0xb7: {  	v7 =	vld [tilespmem:s11+$0x10]  }
0xb8: {  	s4 =	sadd.s32 $0x50, s4;
	v8 =	vld [tilespmem:s11+$0xFFFFFFE0]  }
0xb9: {  	v9 =	vld [tilespmem:s4+$0x20];
	v4 =	vadd.s32 v1, v4  }
0xba: {  	v10 =	vld [tilespmem:s4+$0xFFFFFFE0];
	v5 =	vadd.s32 v1, v5  }
0xbb: {  	v11 =	vld [tilespmem:s4+$0xFFFFFFF0];
	v6 =	vadd.s32 v1, v6  }
0xbc: {  	v12 =	vld [tilespmem:s4+$0x0];
	v7 =	vadd.s32 v1, v7  }
0xbd: {  	v8 =	vadd.s32 v1, v8;
	v13 =	vld [tilespmem:s4+$0x10]  }
.Ltmp2:
0xbe: {  	[tilespmem:v4+s9+$0x0] =	vst.idx.add.f32.msk $0xffff, v9;
	(pc) =	sbr.rel @p1 .LBB2_6-.Ltmp2, $4  }
0xbf: {  	[tilespmem:v2+s9+$0x0] =	vst.idx.add.f32.msk $0xffff, v3;
	v2 =	vmov v7  }
0xc0: {  	[tilespmem:v5+s9+$0x0] =	vst.idx.add.f32.msk $0xffff, v11  }
0xc1: {  	[tilespmem:v6+s9+$0x0] =	vst.idx.add.f32.msk $0xffff, v12  }
0xc2: {  	s11 =	sadd.s32 $0x50, s11;
	[tilespmem:v8+s9+$0x0] =	vst.idx.add.f32.msk $0xffff, v10;
	v3 =	vmov v13  }
0xc3: {  	_ =	sdelay $0x3  }
0xc4: {  	[tilespmem:v2+s9+$0x0] =	vst.idx.add.f32.msk $0xffff, v3  }
0xc5: {  	_ =	swait.ge [sflag:s16], $0x7D0  }
0xc6: {  	[sflag:s16] =	ssyncset.done $0x0  }
0xc7: {  	s4 =	simm.s32 $0x8070;
	[sflag:s16] =	ssyncadd.s32 $0xFFFFF830  }
0xc8: {  	[tilespmem:s4], [sflag:$0xF] =	stream.indirect.gather [spmem:s21], $0x1, s5, s1, $0xb8;
	[tilespmem:$0xB2F0] =	vst v63  }
0xc9: {  	s11 =	rddreg [dreg:$0xe]  }
0xca: {  	[tilespmem:s24], [sflag:$0x2] =	stream.linear.gather [hbm4b:s11+s0], $0x7D0, $0x38;
	[tilespmem:$0xB2F0] =	vst v63  }
0xcb: {  	s13 =	rddreg [dreg:$0xf]  }
0xcc: {  	[tilespmem:s17], [sflag:$0x7] =	stream.linear.gather [hbm4b:s13+s0], $0x7D0, $0x38;
	[tilespmem:$0xB2F0] =	vst v63  }
0xcd: {  	_ =	swait.ge [sflag:s18], $0x7D0  }
0xce: {  	[sflag:s18] =	ssyncset.done $0x0  }
0xcf: {  	[sflag:s18] =	ssyncadd.s32 $0xFFFFF830  }
0xd0: {  	_ =	swait.ge [sflag:s19], $0x7D0  }
0xd1: {  	[sflag:s19] =	ssyncset.done $0x0  }
0xd2: {  	s6 =	simm.s32 $0x7890;
	[sflag:s19] =	ssyncadd.s32 $0xFFFFF830  }
0xd3: {  	v2 =	vld [tilespmem:s6+$0x20]  }
0xd4: {  	v3 =	vld [tilespmem:s6+$0xFFFFFFF0]  }
0xd5: {  	v4 =	vld [tilespmem:s6+$0x0]  }
0xd6: {  	v5 =	vld [tilespmem:s6+$0xFFFFFFE0]  }
0xd7: {  	s4 =	simm.s32 $0x5090;
	v6 =	vld [tilespmem:s6+$0x10]  }
0xd8: {  	v7 =	vld [tilespmem:s4+$0x20];
	v2 =	vadd.s32 v1, v2  }
0xd9: {  	v9 =	vld [tilespmem:s4+$0xFFFFFFF0];
	v8 =	vadd.s32 v1, v3  }
0xda: {  	v10 =	vld [tilespmem:s4+$0x0];
	v4 =	vadd.s32 v1, v4  }
0xdb: {  	v11 =	vld [tilespmem:s4+$0xFFFFFFE0];
	v5 =	vadd.s32 v1, v5  }
0xdc: {  	v3 =	vld [tilespmem:s4+$0x10]  }
0xdd: {  	[tilespmem:v2+s9+$0x0] =	vst.idx.add.f32.msk $0xffff, v7  }
0xde: {  	[tilespmem:v8+s9+$0x0] =	vst.idx.add.f32.msk $0xffff, v9  }
0xdf: {  	[tilespmem:v4+s9+$0x0] =	vst.idx.add.f32.msk $0xffff, v10  }
0xe0: {  	s11 =	simm.s32 $0x78E0;
	s13 =	simm.s32 $0x4870;
	s6 =	simm.s32 $0x0;
	v2 =	vadd.s32 v1, v6;
	[tilespmem:v5+s9+$0x0] =	vst.idx.add.f32.msk $0xffff, v11  }
.LBB2_8:
0xe1: {  	v4 =	vld [tilespmem:s11+$0x20];
	s6 =	sadd.s32 $0x5, s6  }
0xe2: {  	v5 =	vld [tilespmem:s11+$0xFFFFFFF0];
	p1 =	slt.u32 s6, $0x78  }
0xe3: {  	v6 =	vld [tilespmem:s11+$0x0]  }
0xe4: {  	v7 =	vld [tilespmem:s11+$0x10]  }
0xe5: {  	s4 =	sadd.s32 $0x50, s4;
	v8 =	vld [tilespmem:s11+$0xFFFFFFE0]  }
0xe6: {  	v9 =	vld [tilespmem:s4+$0x20];
	v4 =	vadd.s32 v1, v4  }
0xe7: {  	v10 =	vld [tilespmem:s4+$0xFFFFFFE0];
	v5 =	vadd.s32 v1, v5  }
0xe8: {  	v11 =	vld [tilespmem:s4+$0xFFFFFFF0];
	v6 =	vadd.s32 v1, v6  }
0xe9: {  	v12 =	vld [tilespmem:s4+$0x0];
	v7 =	vadd.s32 v1, v7  }
0xea: {  	v8 =	vadd.s32 v1, v8;
	v13 =	vld [tilespmem:s4+$0x10]  }
.Ltmp3:
0xeb: {  	[tilespmem:v4+s9+$0x0] =	vst.idx.add.f32.msk $0xffff, v9;
	(pc) =	sbr.rel @p1 .LBB2_8-.Ltmp3, $4  }
0xec: {  	[tilespmem:v2+s9+$0x0] =	vst.idx.add.f32.msk $0xffff, v3;
	v2 =	vmov v7  }
0xed: {  	[tilespmem:v5+s9+$0x0] =	vst.idx.add.f32.msk $0xffff, v11  }
0xee: {  	[tilespmem:v6+s9+$0x0] =	vst.idx.add.f32.msk $0xffff, v12  }
0xef: {  	s11 =	sadd.s32 $0x50, s11;
	[tilespmem:v8+s9+$0x0] =	vst.idx.add.f32.msk $0xffff, v10;
	v3 =	vmov v13  }
0xf0: {  	_ =	sdelay $0x3  }
0xf1: {  	[tilespmem:v2+s9+$0x0] =	vst.idx.add.f32.msk $0xffff, v3  }
0xf2: {  	_ =	swait.ge [sflag:s20], $0x7D0  }
0xf3: {  	[sflag:s20] =	ssyncset.done $0x0  }
0xf4: {  	[sflag:s20] =	ssyncadd.s32 $0xFFFFF830  }
0xf5: {  	[tilespmem:s22], [sflag:$0x10] =	stream.indirect.gather [spmem:s21], $0x1, s12, s1, $0xb8;
	[tilespmem:$0xB2F0] =	vst v63  }
0xf6: {  	s4 =	rddreg [dreg:$0x10]  }
0xf7: {  	[tilespmem:s26], [sflag:$0x3] =	stream.linear.gather [hbm4b:s4+s0], $0x7D0, $0x38;
	[tilespmem:$0xB2F0] =	vst v63  }
0xf8: {  	s11 =	rddreg [dreg:$0x11]  }
0xf9: {  	[tilespmem:s13], [sflag:$0x8] =	stream.linear.gather [hbm4b:s11+s0], $0x7D0, $0x38;
	[tilespmem:$0xB2F0] =	vst v63  }
0xfa: {  	_ =	swait.ge [sflag:s23], $0x7D0  }
0xfb: {  	[sflag:s23] =	ssyncset.done $0x0  }
0xfc: {  	[sflag:s23] =	ssyncadd.s32 $0xFFFFF830  }
0xfd: {  	_ =	swait.ge [sflag:s25], $0x7D0  }
0xfe: {  	[sflag:s25] =	ssyncset.done $0x0  }
0xff: {  	s6 =	simm.s32 $0x8090;
	[sflag:s25] =	ssyncadd.s32 $0xFFFFF830  }
0x100: {  	v2 =	vld [tilespmem:s6+$0x20]  }
0x101: {  	v3 =	vld [tilespmem:s6+$0xFFFFFFF0]  }
0x102: {  	v4 =	vld [tilespmem:s6+$0x0]  }
0x103: {  	v5 =	vld [tilespmem:s6+$0xFFFFFFE0]  }
0x104: {  	s4 =	simm.s32 $0x5890;
	v6 =	vld [tilespmem:s6+$0x10]  }
0x105: {  	v7 =	vld [tilespmem:s4+$0x20];
	v2 =	vadd.s32 v1, v2  }
0x106: {  	v9 =	vld [tilespmem:s4+$0xFFFFFFF0];
	v8 =	vadd.s32 v1, v3  }
0x107: {  	v10 =	vld [tilespmem:s4+$0x0];
	v4 =	vadd.s32 v1, v4  }
0x108: {  	v11 =	vld [tilespmem:s4+$0xFFFFFFE0];
	v5 =	vadd.s32 v1, v5  }
0x109: {  	v3 =	vld [tilespmem:s4+$0x10]  }
0x10a: {  	[tilespmem:v2+s9+$0x0] =	vst.idx.add.f32.msk $0xffff, v7  }
0x10b: {  	[tilespmem:v8+s9+$0x0] =	vst.idx.add.f32.msk $0xffff, v9  }
0x10c: {  	[tilespmem:v4+s9+$0x0] =	vst.idx.add.f32.msk $0xffff, v10  }
0x10d: {  	s11 =	simm.s32 $0x80E0;
	s6 =	simm.s32 $0x0;
	v2 =	vadd.s32 v1, v6;
	[tilespmem:v5+s9+$0x0] =	vst.idx.add.f32.msk $0xffff, v11  }
.LBB2_10:
0x10e: {  	v4 =	vld [tilespmem:s11+$0x20];
	s6 =	sadd.s32 $0x5, s6  }
0x10f: {  	v5 =	vld [tilespmem:s11+$0xFFFFFFF0];
	p1 =	slt.u32 s6, $0x78  }
0x110: {  	v6 =	vld [tilespmem:s11+$0x0]  }
0x111: {  	v7 =	vld [tilespmem:s11+$0x10]  }
0x112: {  	s4 =	sadd.s32 $0x50, s4;
	v8 =	vld [tilespmem:s11+$0xFFFFFFE0]  }
0x113: {  	v9 =	vld [tilespmem:s4+$0x20];
	v4 =	vadd.s32 v1, v4  }
0x114: {  	v10 =	vld [tilespmem:s4+$0xFFFFFFE0];
	v5 =	vadd.s32 v1, v5  }
0x115: {  	v11 =	vld [tilespmem:s4+$0xFFFFFFF0];
	v6 =	vadd.s32 v1, v6  }
0x116: {  	v12 =	vld [tilespmem:s4+$0x0];
	v7 =	vadd.s32 v1, v7  }
0x117: {  	v8 =	vadd.s32 v1, v8;
	v13 =	vld [tilespmem:s4+$0x10]  }
.Ltmp4:
0x118: {  	[tilespmem:v4+s9+$0x0] =	vst.idx.add.f32.msk $0xffff, v9;
	(pc) =	sbr.rel @p1 .LBB2_10-.Ltmp4, $4  }
0x119: {  	[tilespmem:v2+s9+$0x0] =	vst.idx.add.f32.msk $0xffff, v3;
	v2 =	vmov v7  }
0x11a: {  	[tilespmem:v5+s9+$0x0] =	vst.idx.add.f32.msk $0xffff, v11  }
0x11b: {  	[tilespmem:v6+s9+$0x0] =	vst.idx.add.f32.msk $0xffff, v12  }
0x11c: {  	s11 =	sadd.s32 $0x50, s11;
	[tilespmem:v8+s9+$0x0] =	vst.idx.add.f32.msk $0xffff, v10;
	v3 =	vmov v13  }
0x11d: {  	_ =	sdelay $0x3  }
0x11e: {  	[tilespmem:v2+s9+$0x0] =	vst.idx.add.f32.msk $0xffff, v3  }
0x11f: {  	_ =	swait.ge [sflag:s31], $0x7D0  }
0x120: {  	[sflag:s31] =	ssyncset.done $0x0  }
0x121: {  	s4 =	simm.s32 $0x6870;
	[sflag:s31] =	ssyncadd.s32 $0xFFFFF830  }
0x122: {  	[tilespmem:s4], [sflag:$0xC] =	stream.indirect.gather [spmem:s21], $0x1, s24, s1, $0xb8;
	[tilespmem:$0xB2F0] =	vst v63  }
0x123: {  	s6 =	rddreg [dreg:$0x12]  }
0x124: {  	[tilespmem:s29], [sflag:$0x4] =	stream.linear.gather [hbm4b:s6+s0], $0x7D0, $0x38;
	[tilespmem:$0xB2F0] =	vst v63  }
0x125: {  	s11 =	rddreg [dreg:$0x13];
	s6 =	simm.s32 $0x5070  }
0x126: {  	[tilespmem:s6], [sflag:$0x9] =	stream.linear.gather [hbm4b:s11+s0], $0x7D0, $0x38;
	[tilespmem:$0xB2F0] =	vst v63  }
0x127: {  	_ =	swait.ge [sflag:s28], $0x7D0  }
0x128: {  	[sflag:s28] =	ssyncset.done $0x0  }
0x129: {  	[sflag:s28] =	ssyncadd.s32 $0xFFFFF830  }
0x12a: {  	_ =	swait.ge [sflag:s30], $0x7D0  }
0x12b: {  	[sflag:s30] =	ssyncset.done $0x0  }
0x12c: {  	s11 =	simm.s32 $0x8890;
	[sflag:s30] =	ssyncadd.s32 $0xFFFFF830  }
0x12d: {  	v2 =	vld [tilespmem:s11+$0x20]  }
0x12e: {  	v3 =	vld [tilespmem:s11+$0xFFFFFFF0]  }
0x12f: {  	v4 =	vld [tilespmem:s11+$0x0]  }
0x130: {  	v5 =	vld [tilespmem:s11+$0xFFFFFFE0]  }
0x131: {  	s4 =	simm.s32 $0x6090;
	v6 =	vld [tilespmem:s11+$0x10]  }
0x132: {  	v7 =	vld [tilespmem:s4+$0x20];
	v2 =	vadd.s32 v1, v2  }
0x133: {  	v9 =	vld [tilespmem:s4+$0xFFFFFFF0];
	v8 =	vadd.s32 v1, v3  }
0x134: {  	v10 =	vld [tilespmem:s4+$0x0];
	v4 =	vadd.s32 v1, v4  }
0x135: {  	v11 =	vld [tilespmem:s4+$0xFFFFFFE0];
	v5 =	vadd.s32 v1, v5  }
0x136: {  	v3 =	vld [tilespmem:s4+$0x10]  }
0x137: {  	[tilespmem:v2+s9+$0x0] =	vst.idx.add.f32.msk $0xffff, v7  }
0x138: {  	[tilespmem:v8+s9+$0x0] =	vst.idx.add.f32.msk $0xffff, v9  }
0x139: {  	[tilespmem:v4+s9+$0x0] =	vst.idx.add.f32.msk $0xffff, v10  }
0x13a: {  	s6 =	simm.s32 $0x0;
	s11 =	simm.s32 $0x88E0;
	v2 =	vadd.s32 v1, v6;
	[tilespmem:v5+s9+$0x0] =	vst.idx.add.f32.msk $0xffff, v11  }
.LBB2_12:
0x13b: {  	v4 =	vld [tilespmem:s11+$0x20];
	s6 =	sadd.s32 $0x5, s6  }
0x13c: {  	v5 =	vld [tilespmem:s11+$0xFFFFFFF0];
	p1 =	slt.u32 s6, $0x78  }
0x13d: {  	v6 =	vld [tilespmem:s11+$0x0]  }
0x13e: {  	v7 =	vld [tilespmem:s11+$0x10]  }
0x13f: {  	s4 =	sadd.s32 $0x50, s4;
	v8 =	vld [tilespmem:s11+$0xFFFFFFE0]  }
0x140: {  	v9 =	vld [tilespmem:s4+$0x20];
	v4 =	vadd.s32 v1, v4  }
0x141: {  	v10 =	vld [tilespmem:s4+$0xFFFFFFE0];
	v5 =	vadd.s32 v1, v5  }
0x142: {  	v11 =	vld [tilespmem:s4+$0xFFFFFFF0];
	v6 =	vadd.s32 v1, v6  }
0x143: {  	v12 =	vld [tilespmem:s4+$0x0];
	v7 =	vadd.s32 v1, v7  }
0x144: {  	v8 =	vadd.s32 v1, v8;
	v13 =	vld [tilespmem:s4+$0x10]  }
.Ltmp5:
0x145: {  	[tilespmem:v4+s9+$0x0] =	vst.idx.add.f32.msk $0xffff, v9;
	(pc) =	sbr.rel @p1 .LBB2_12-.Ltmp5, $4  }
0x146: {  	[tilespmem:v2+s9+$0x0] =	vst.idx.add.f32.msk $0xffff, v3;
	v2 =	vmov v7  }
0x147: {  	[tilespmem:v5+s9+$0x0] =	vst.idx.add.f32.msk $0xffff, v11  }
0x148: {  	[tilespmem:v6+s9+$0x0] =	vst.idx.add.f32.msk $0xffff, v12  }
0x149: {  	s11 =	sadd.s32 $0x50, s11;
	[tilespmem:v8+s9+$0x0] =	vst.idx.add.f32.msk $0xffff, v10;
	v3 =	vmov v13  }
0x14a: {  	_ =	sdelay $0x3  }
0x14b: {  	[tilespmem:v2+s9+$0x0] =	vst.idx.add.f32.msk $0xffff, v3  }
0x14c: {  	_ =	swait.ge [sflag:s3], $0x7D0  }
0x14d: {  	[sflag:s3] =	ssyncset.done $0x0  }
0x14e: {  	s4 =	simm.s32 $0x7070;
	[sflag:s3] =	ssyncadd.s32 $0xFFFFF830  }
0x14f: {  	[tilespmem:s4], [sflag:$0xD] =	stream.indirect.gather [spmem:s21], $0x1, s26, s1, $0xb8;
	[tilespmem:$0xB2F0] =	vst v63  }
0x150: {  	s6 =	rddreg [dreg:$0x14]  }
0x151: {  	[tilespmem:s5], [sflag:$0x5] =	stream.linear.gather [hbm4b:s6+s0], $0x7D0, $0x38;
	[tilespmem:$0xB2F0] =	vst v63  }
0x152: {  	s11 =	rddreg [dreg:$0x15];
	s6 =	simm.s32 $0x5870  }
0x153: {  	[tilespmem:s6], [sflag:$0xA] =	stream.linear.gather [hbm4b:s11+s0], $0x7D0, $0x38;
	[tilespmem:$0xB2F0] =	vst v63  }
0x154: {  	_ =	swait.ge [sflag:s7], $0x7D0  }
0x155: {  	[sflag:s7] =	ssyncset.done $0x0  }
0x156: {  	[sflag:s7] =	ssyncadd.s32 $0xFFFFF830  }
0x157: {  	_ =	swait.ge [sflag:s8], $0x7D0  }
0x158: {  	[sflag:s8] =	ssyncset.done $0x0  }
0x159: {  	s11 =	simm.s32 $0x6890;
	[sflag:s8] =	ssyncadd.s32 $0xFFFFF830  }
0x15a: {  	v2 =	vld [tilespmem:s11+$0x20]  }
0x15b: {  	v3 =	vld [tilespmem:s11+$0xFFFFFFF0]  }
0x15c: {  	v4 =	vld [tilespmem:s11+$0x0]  }
0x15d: {  	v5 =	vld [tilespmem:s11+$0xFFFFFFE0]  }
0x15e: {  	s4 =	simm.s32 $0x4090;
	v6 =	vld [tilespmem:s11+$0x10]  }
0x15f: {  	v7 =	vld [tilespmem:s4+$0x20];
	v2 =	vadd.s32 v1, v2  }
0x160: {  	v9 =	vld [tilespmem:s4+$0xFFFFFFF0];
	v8 =	vadd.s32 v1, v3  }
0x161: {  	v10 =	vld [tilespmem:s4+$0x0];
	v4 =	vadd.s32 v1, v4  }
0x162: {  	v11 =	vld [tilespmem:s4+$0xFFFFFFE0];
	v5 =	vadd.s32 v1, v5  }
0x163: {  	v3 =	vld [tilespmem:s4+$0x10]  }
0x164: {  	[tilespmem:v2+s9+$0x0] =	vst.idx.add.f32.msk $0xffff, v7  }
0x165: {  	[tilespmem:v8+s9+$0x0] =	vst.idx.add.f32.msk $0xffff, v9  }
0x166: {  	[tilespmem:v4+s9+$0x0] =	vst.idx.add.f32.msk $0xffff, v10  }
0x167: {  	s6 =	simm.s32 $0x0;
	s11 =	simm.s32 $0x68E0;
	v2 =	vadd.s32 v1, v6;
	[tilespmem:v5+s9+$0x0] =	vst.idx.add.f32.msk $0xffff, v11  }
.LBB2_14:
0x168: {  	v4 =	vld [tilespmem:s11+$0x20];
	s6 =	sadd.s32 $0x5, s6  }
0x169: {  	v5 =	vld [tilespmem:s11+$0xFFFFFFF0];
	p1 =	slt.u32 s6, $0x78  }
0x16a: {  	v6 =	vld [tilespmem:s11+$0x0]  }
0x16b: {  	v7 =	vld [tilespmem:s11+$0x10]  }
0x16c: {  	s4 =	sadd.s32 $0x50, s4;
	v8 =	vld [tilespmem:s11+$0xFFFFFFE0]  }
0x16d: {  	v9 =	vld [tilespmem:s4+$0x20];
	v4 =	vadd.s32 v1, v4  }
0x16e: {  	v10 =	vld [tilespmem:s4+$0xFFFFFFE0];
	v5 =	vadd.s32 v1, v5  }
0x16f: {  	v11 =	vld [tilespmem:s4+$0xFFFFFFF0];
	v6 =	vadd.s32 v1, v6  }
0x170: {  	v12 =	vld [tilespmem:s4+$0x0];
	v7 =	vadd.s32 v1, v7  }
0x171: {  	v8 =	vadd.s32 v1, v8;
	v13 =	vld [tilespmem:s4+$0x10]  }
.Ltmp6:
0x172: {  	[tilespmem:v4+s9+$0x0] =	vst.idx.add.f32.msk $0xffff, v9;
	(pc) =	sbr.rel @p1 .LBB2_14-.Ltmp6, $4  }
0x173: {  	[tilespmem:v2+s9+$0x0] =	vst.idx.add.f32.msk $0xffff, v3;
	v2 =	vmov v7  }
0x174: {  	[tilespmem:v5+s9+$0x0] =	vst.idx.add.f32.msk $0xffff, v11  }
0x175: {  	[tilespmem:v6+s9+$0x0] =	vst.idx.add.f32.msk $0xffff, v12  }
0x176: {  	s11 =	sadd.s32 $0x50, s11;
	[tilespmem:v8+s9+$0x0] =	vst.idx.add.f32.msk $0xffff, v10;
	v3 =	vmov v13  }
0x177: {  	_ =	sdelay $0x3  }
0x178: {  	[tilespmem:v2+s9+$0x0] =	vst.idx.add.f32.msk $0xffff, v3  }
0x179: {  	_ =	swait.ge [sflag:s10], $0x7D0  }
0x17a: {  	[sflag:s10] =	ssyncset.done $0x0  }
0x17b: {  	s4 =	simm.s32 $0x7870;
	[sflag:s10] =	ssyncadd.s32 $0xFFFFF830  }
0x17c: {  	[tilespmem:s4], [sflag:$0xE] =	stream.indirect.gather [spmem:s21], $0x1, s29, s1, $0xb8;
	[tilespmem:$0xB2F0] =	vst v63  }
0x17d: {  	s6 =	rddreg [dreg:$0x16]  }
0x17e: {  	[tilespmem:s12], [sflag:$0x6] =	stream.linear.gather [hbm4b:s6+s0], $0x7D0, $0x38;
	[tilespmem:$0xB2F0] =	vst v63  }
0x17f: {  	s11 =	rddreg [dreg:$0x17];
	s6 =	simm.s32 $0x6070  }
0x180: {  	[tilespmem:s6], [sflag:$0xB] =	stream.linear.gather [hbm4b:s11+s0], $0x7D0, $0x38;
	[tilespmem:$0xB2F0] =	vst v63  }
0x181: {  	_ =	swait.ge [sflag:s14], $0x7D0  }
0x182: {  	[sflag:s14] =	ssyncset.done $0x0  }
0x183: {  	[sflag:s14] =	ssyncadd.s32 $0xFFFFF830  }
0x184: {  	_ =	swait.ge [sflag:s15], $0x7D0  }
0x185: {  	[sflag:s15] =	ssyncset.done $0x0  }
0x186: {  	s11 =	simm.s32 $0x7090;
	[sflag:s15] =	ssyncadd.s32 $0xFFFFF830  }
0x187: {  	v2 =	vld [tilespmem:s11+$0x20]  }
0x188: {  	v3 =	vld [tilespmem:s11+$0xFFFFFFF0]  }
0x189: {  	v4 =	vld [tilespmem:s11+$0x0]  }
0x18a: {  	v5 =	vld [tilespmem:s11+$0xFFFFFFE0]  }
0x18b: {  	s4 =	simm.s32 $0x4890;
	v6 =	vld [tilespmem:s11+$0x10]  }
0x18c: {  	v7 =	vld [tilespmem:s4+$0x20];
	v2 =	vadd.s32 v1, v2  }
0x18d: {  	v9 =	vld [tilespmem:s4+$0xFFFFFFF0];
	v8 =	vadd.s32 v1, v3  }
0x18e: {  	v10 =	vld [tilespmem:s4+$0x0];
	v4 =	vadd.s32 v1, v4  }
0x18f: {  	v11 =	vld [tilespmem:s4+$0xFFFFFFE0];
	v5 =	vadd.s32 v1, v5  }
0x190: {  	v3 =	vld [tilespmem:s4+$0x10]  }
0x191: {  	[tilespmem:v2+s9+$0x0] =	vst.idx.add.f32.msk $0xffff, v7  }
0x192: {  	[tilespmem:v8+s9+$0x0] =	vst.idx.add.f32.msk $0xffff, v9  }
0x193: {  	[tilespmem:v4+s9+$0x0] =	vst.idx.add.f32.msk $0xffff, v10  }
0x194: {  	s6 =	simm.s32 $0x0;
	s11 =	simm.s32 $0x70E0;
	v2 =	vadd.s32 v1, v6;
	[tilespmem:v5+s9+$0x0] =	vst.idx.add.f32.msk $0xffff, v11  }
.LBB2_16:
0x195: {  	v4 =	vld [tilespmem:s11+$0x20];
	s6 =	sadd.s32 $0x5, s6  }
0x196: {  	v5 =	vld [tilespmem:s11+$0xFFFFFFF0];
	p1 =	slt.u32 s6, $0x78  }
0x197: {  	v6 =	vld [tilespmem:s11+$0x0]  }
0x198: {  	v7 =	vld [tilespmem:s11+$0x10]  }
0x199: {  	s4 =	sadd.s32 $0x50, s4;
	v8 =	vld [tilespmem:s11+$0xFFFFFFE0]  }
0x19a: {  	v9 =	vld [tilespmem:s4+$0x20];
	v4 =	vadd.s32 v1, v4  }
0x19b: {  	v10 =	vld [tilespmem:s4+$0xFFFFFFE0];
	v5 =	vadd.s32 v1, v5  }
0x19c: {  	v11 =	vld [tilespmem:s4+$0xFFFFFFF0];
	v6 =	vadd.s32 v1, v6  }
0x19d: {  	v12 =	vld [tilespmem:s4+$0x0];
	v7 =	vadd.s32 v1, v7  }
0x19e: {  	v8 =	vadd.s32 v1, v8;
	v13 =	vld [tilespmem:s4+$0x10]  }
.Ltmp7:
0x19f: {  	[tilespmem:v4+s9+$0x0] =	vst.idx.add.f32.msk $0xffff, v9;
	(pc) =	sbr.rel @p1 .LBB2_16-.Ltmp7, $4  }
0x1a0: {  	[tilespmem:v2+s9+$0x0] =	vst.idx.add.f32.msk $0xffff, v3;
	v2 =	vmov v7  }
0x1a1: {  	[tilespmem:v5+s9+$0x0] =	vst.idx.add.f32.msk $0xffff, v11  }
0x1a2: {  	[tilespmem:v6+s9+$0x0] =	vst.idx.add.f32.msk $0xffff, v12  }
0x1a3: {  	s11 =	sadd.s32 $0x50, s11;
	[tilespmem:v8+s9+$0x0] =	vst.idx.add.f32.msk $0xffff, v10;
	v3 =	vmov v13  }
0x1a4: {  	_ =	sdelay $0x3  }
0x1a5: {  	[tilespmem:v2+s9+$0x0] =	vst.idx.add.f32.msk $0xffff, v3  }
0x1a6: {  	_ =	swait.ge [sflag:s16], $0x7D0  }
0x1a7: {  	[sflag:s16] =	ssyncset.done $0x0  }
0x1a8: {  	s4 =	simm.s32 $0x8070;
	[sflag:s16] =	ssyncadd.s32 $0xFFFFF830  }
0x1a9: {  	[tilespmem:s4], [sflag:$0xF] =	stream.indirect.gather [spmem:s21], $0x1, s5, s1, $0xb8;
	[tilespmem:$0xB2F0] =	vst v63  }
0x1aa: {  	s6 =	rddreg [dreg:$0x18]  }
0x1ab: {  	[tilespmem:s24], [sflag:$0x2] =	stream.linear.gather [hbm4b:s6+s0], $0x7D0, $0x38;
	[tilespmem:$0xB2F0] =	vst v63  }
0x1ac: {  	s11 =	rddreg [dreg:$0x19]  }
0x1ad: {  	[tilespmem:s17], [sflag:$0x7] =	stream.linear.gather [hbm4b:s11+s0], $0x7D0, $0x38;
	[tilespmem:$0xB2F0] =	vst v63  }
0x1ae: {  	_ =	swait.ge [sflag:s18], $0x7D0  }
0x1af: {  	[sflag:s18] =	ssyncset.done $0x0  }
0x1b0: {  	[sflag:s18] =	ssyncadd.s32 $0xFFFFF830  }
0x1b1: {  	_ =	swait.ge [sflag:s19], $0x7D0  }
0x1b2: {  	[sflag:s19] =	ssyncset.done $0x0  }
0x1b3: {  	s6 =	simm.s32 $0x7890;
	[sflag:s19] =	ssyncadd.s32 $0xFFFFF830  }
0x1b4: {  	v2 =	vld [tilespmem:s6+$0x20]  }
0x1b5: {  	v3 =	vld [tilespmem:s6+$0xFFFFFFF0]  }
0x1b6: {  	v4 =	vld [tilespmem:s6+$0x0]  }
0x1b7: {  	v5 =	vld [tilespmem:s6+$0xFFFFFFE0]  }
0x1b8: {  	s4 =	simm.s32 $0x5090;
	v6 =	vld [tilespmem:s6+$0x10]  }
0x1b9: {  	v7 =	vld [tilespmem:s4+$0x20];
	v2 =	vadd.s32 v1, v2  }
0x1ba: {  	v9 =	vld [tilespmem:s4+$0xFFFFFFF0];
	v8 =	vadd.s32 v1, v3  }
0x1bb: {  	v10 =	vld [tilespmem:s4+$0x0];
	v4 =	vadd.s32 v1, v4  }
0x1bc: {  	v11 =	vld [tilespmem:s4+$0xFFFFFFE0];
	v5 =	vadd.s32 v1, v5  }
0x1bd: {  	v3 =	vld [tilespmem:s4+$0x10]  }
0x1be: {  	[tilespmem:v2+s9+$0x0] =	vst.idx.add.f32.msk $0xffff, v7  }
0x1bf: {  	[tilespmem:v8+s9+$0x0] =	vst.idx.add.f32.msk $0xffff, v9  }
0x1c0: {  	[tilespmem:v4+s9+$0x0] =	vst.idx.add.f32.msk $0xffff, v10  }
0x1c1: {  	s11 =	simm.s32 $0x78E0;
	s6 =	simm.s32 $0x0;
	v2 =	vadd.s32 v1, v6;
	[tilespmem:v5+s9+$0x0] =	vst.idx.add.f32.msk $0xffff, v11  }
.LBB2_18:
0x1c2: {  	v4 =	vld [tilespmem:s11+$0x20];
	s6 =	sadd.s32 $0x5, s6  }
0x1c3: {  	v5 =	vld [tilespmem:s11+$0xFFFFFFF0];
	p1 =	slt.u32 s6, $0x78  }
0x1c4: {  	v6 =	vld [tilespmem:s11+$0x0]  }
0x1c5: {  	v7 =	vld [tilespmem:s11+$0x10]  }
0x1c6: {  	s4 =	sadd.s32 $0x50, s4;
	v8 =	vld [tilespmem:s11+$0xFFFFFFE0]  }
0x1c7: {  	v9 =	vld [tilespmem:s4+$0x20];
	v4 =	vadd.s32 v1, v4  }
0x1c8: {  	v10 =	vld [tilespmem:s4+$0xFFFFFFE0];
	v5 =	vadd.s32 v1, v5  }
0x1c9: {  	v11 =	vld [tilespmem:s4+$0xFFFFFFF0];
	v6 =	vadd.s32 v1, v6  }
0x1ca: {  	v12 =	vld [tilespmem:s4+$0x0];
	v7 =	vadd.s32 v1, v7  }
0x1cb: {  	v8 =	vadd.s32 v1, v8;
	v13 =	vld [tilespmem:s4+$0x10]  }
.Ltmp8:
0x1cc: {  	[tilespmem:v4+s9+$0x0] =	vst.idx.add.f32.msk $0xffff, v9;
	(pc) =	sbr.rel @p1 .LBB2_18-.Ltmp8, $4  }
0x1cd: {  	[tilespmem:v2+s9+$0x0] =	vst.idx.add.f32.msk $0xffff, v3;
	v2 =	vmov v7  }
0x1ce: {  	[tilespmem:v5+s9+$0x0] =	vst.idx.add.f32.msk $0xffff, v11  }
0x1cf: {  	[tilespmem:v6+s9+$0x0] =	vst.idx.add.f32.msk $0xffff, v12  }
0x1d0: {  	s11 =	sadd.s32 $0x50, s11;
	[tilespmem:v8+s9+$0x0] =	vst.idx.add.f32.msk $0xffff, v10;
	v3 =	vmov v13  }
0x1d1: {  	_ =	sdelay $0x3  }
0x1d2: {  	[tilespmem:v2+s9+$0x0] =	vst.idx.add.f32.msk $0xffff, v3  }
0x1d3: {  	_ =	swait.ge [sflag:s20], $0x7D0  }
0x1d4: {  	[sflag:s20] =	ssyncset.done $0x0  }
0x1d5: {  	[sflag:s20] =	ssyncadd.s32 $0xFFFFF830  }
0x1d6: {  	[tilespmem:s22], [sflag:$0x10] =	stream.indirect.gather [spmem:s21], $0x1, s12, s1, $0xb8;
	[tilespmem:$0xB2F0] =	vst v63  }
0x1d7: {  	s4 =	rddreg [dreg:$0x1a]  }
0x1d8: {  	[tilespmem:s26], [sflag:$0x3] =	stream.linear.gather [hbm4b:s4+s0], $0x7D0, $0x38;
	[tilespmem:$0xB2F0] =	vst v63  }
0x1d9: {  	s11 =	rddreg [dreg:$0x1b]  }
0x1da: {  	[tilespmem:s13], [sflag:$0x8] =	stream.linear.gather [hbm4b:s11+s0], $0x7D0, $0x38;
	[tilespmem:$0xB2F0] =	vst v63  }
0x1db: {  	_ =	swait.ge [sflag:s23], $0x7D0  }
0x1dc: {  	[sflag:s23] =	ssyncset.done $0x0  }
0x1dd: {  	[sflag:s23] =	ssyncadd.s32 $0xFFFFF830  }
0x1de: {  	_ =	swait.ge [sflag:s25], $0x7D0  }
0x1df: {  	[sflag:s25] =	ssyncset.done $0x0  }
0x1e0: {  	s6 =	simm.s32 $0x8090;
	[sflag:s25] =	ssyncadd.s32 $0xFFFFF830  }
0x1e1: {  	v2 =	vld [tilespmem:s6+$0x20]  }
0x1e2: {  	v3 =	vld [tilespmem:s6+$0xFFFFFFF0]  }
0x1e3: {  	v4 =	vld [tilespmem:s6+$0x0]  }
0x1e4: {  	v5 =	vld [tilespmem:s6+$0xFFFFFFE0]  }
0x1e5: {  	s4 =	simm.s32 $0x5890;
	v6 =	vld [tilespmem:s6+$0x10]  }
0x1e6: {  	v7 =	vld [tilespmem:s4+$0x20];
	v2 =	vadd.s32 v1, v2  }
0x1e7: {  	v9 =	vld [tilespmem:s4+$0xFFFFFFF0];
	v8 =	vadd.s32 v1, v3  }
0x1e8: {  	v10 =	vld [tilespmem:s4+$0x0];
	v4 =	vadd.s32 v1, v4  }
0x1e9: {  	v11 =	vld [tilespmem:s4+$0xFFFFFFE0];
	v5 =	vadd.s32 v1, v5  }
0x1ea: {  	v3 =	vld [tilespmem:s4+$0x10]  }
0x1eb: {  	[tilespmem:v2+s9+$0x0] =	vst.idx.add.f32.msk $0xffff, v7  }
0x1ec: {  	[tilespmem:v8+s9+$0x0] =	vst.idx.add.f32.msk $0xffff, v9  }
0x1ed: {  	[tilespmem:v4+s9+$0x0] =	vst.idx.add.f32.msk $0xffff, v10  }
0x1ee: {  	s11 =	simm.s32 $0x80E0;
	s6 =	simm.s32 $0x0;
	v2 =	vadd.s32 v1, v6;
	[tilespmem:v5+s9+$0x0] =	vst.idx.add.f32.msk $0xffff, v11  }
.LBB2_20:
0x1ef: {  	v4 =	vld [tilespmem:s11+$0x20];
	s6 =	sadd.s32 $0x5, s6  }
0x1f0: {  	v5 =	vld [tilespmem:s11+$0xFFFFFFF0];
	p1 =	slt.u32 s6, $0x78  }
0x1f1: {  	v6 =	vld [tilespmem:s11+$0x0]  }
0x1f2: {  	v7 =	vld [tilespmem:s11+$0x10]  }
0x1f3: {  	s4 =	sadd.s32 $0x50, s4;
	v8 =	vld [tilespmem:s11+$0xFFFFFFE0]  }
0x1f4: {  	v9 =	vld [tilespmem:s4+$0x20];
	v4 =	vadd.s32 v1, v4  }
0x1f5: {  	v10 =	vld [tilespmem:s4+$0xFFFFFFE0];
	v5 =	vadd.s32 v1, v5  }
0x1f6: {  	v11 =	vld [tilespmem:s4+$0xFFFFFFF0];
	v6 =	vadd.s32 v1, v6  }
0x1f7: {  	v12 =	vld [tilespmem:s4+$0x0];
	v7 =	vadd.s32 v1, v7  }
0x1f8: {  	v8 =	vadd.s32 v1, v8;
	v13 =	vld [tilespmem:s4+$0x10]  }
.Ltmp9:
0x1f9: {  	[tilespmem:v4+s9+$0x0] =	vst.idx.add.f32.msk $0xffff, v9;
	(pc) =	sbr.rel @p1 .LBB2_20-.Ltmp9, $4  }
0x1fa: {  	[tilespmem:v2+s9+$0x0] =	vst.idx.add.f32.msk $0xffff, v3;
	v2 =	vmov v7  }
0x1fb: {  	[tilespmem:v5+s9+$0x0] =	vst.idx.add.f32.msk $0xffff, v11  }
0x1fc: {  	[tilespmem:v6+s9+$0x0] =	vst.idx.add.f32.msk $0xffff, v12  }
0x1fd: {  	s11 =	sadd.s32 $0x50, s11;
	[tilespmem:v8+s9+$0x0] =	vst.idx.add.f32.msk $0xffff, v10;
	v3 =	vmov v13  }
0x1fe: {  	_ =	sdelay $0x3  }
0x1ff: {  	[tilespmem:v2+s9+$0x0] =	vst.idx.add.f32.msk $0xffff, v3  }
0x200: {  	_ =	swait.ge [sflag:s31], $0x7D0  }
0x201: {  	[sflag:s31] =	ssyncset.done $0x0  }
0x202: {  	s4 =	simm.s32 $0x6870;
	[sflag:s31] =	ssyncadd.s32 $0xFFFFF830  }
0x203: {  	[tilespmem:s4], [sflag:$0xC] =	stream.indirect.gather [spmem:s21], $0x1, s24, s1, $0xb8;
	[tilespmem:$0xB2F0] =	vst v63  }
0x204: {  	s6 =	rddreg [dreg:$0x1c]  }
0x205: {  	[tilespmem:s29], [sflag:$0x4] =	stream.linear.gather [hbm4b:s6+s0], $0x7D0, $0x38;
	[tilespmem:$0xB2F0] =	vst v63  }
0x206: {  	s11 =	rddreg [dreg:$0x1d];
	s6 =	simm.s32 $0x5070  }
0x207: {  	[tilespmem:s6], [sflag:$0x9] =	stream.linear.gather [hbm4b:s11+s0], $0x7D0, $0x38;
	[tilespmem:$0xB2F0] =	vst v63  }
0x208: {  	_ =	swait.ge [sflag:s28], $0x7D0  }
0x209: {  	[sflag:s28] =	ssyncset.done $0x0  }
0x20a: {  	[sflag:s28] =	ssyncadd.s32 $0xFFFFF830  }
0x20b: {  	_ =	swait.ge [sflag:s30], $0x7D0  }
0x20c: {  	[sflag:s30] =	ssyncset.done $0x0  }
0x20d: {  	s11 =	simm.s32 $0x8890;
	[sflag:s30] =	ssyncadd.s32 $0xFFFFF830  }
0x20e: {  	v2 =	vld [tilespmem:s11+$0x20]  }
0x20f: {  	v3 =	vld [tilespmem:s11+$0xFFFFFFF0]  }
0x210: {  	v4 =	vld [tilespmem:s11+$0x0]  }
0x211: {  	v5 =	vld [tilespmem:s11+$0xFFFFFFE0]  }
0x212: {  	s4 =	simm.s32 $0x6090;
	v6 =	vld [tilespmem:s11+$0x10]  }
0x213: {  	v7 =	vld [tilespmem:s4+$0x20];
	v2 =	vadd.s32 v1, v2  }
0x214: {  	v9 =	vld [tilespmem:s4+$0xFFFFFFF0];
	v8 =	vadd.s32 v1, v3  }
0x215: {  	v10 =	vld [tilespmem:s4+$0x0];
	v4 =	vadd.s32 v1, v4  }
0x216: {  	v11 =	vld [tilespmem:s4+$0xFFFFFFE0];
	v5 =	vadd.s32 v1, v5  }
0x217: {  	v3 =	vld [tilespmem:s4+$0x10]  }
0x218: {  	[tilespmem:v2+s9+$0x0] =	vst.idx.add.f32.msk $0xffff, v7  }
0x219: {  	[tilespmem:v8+s9+$0x0] =	vst.idx.add.f32.msk $0xffff, v9  }
0x21a: {  	[tilespmem:v4+s9+$0x0] =	vst.idx.add.f32.msk $0xffff, v10  }
0x21b: {  	s6 =	simm.s32 $0x0;
	s11 =	simm.s32 $0x88E0;
	v2 =	vadd.s32 v1, v6;
	[tilespmem:v5+s9+$0x0] =	vst.idx.add.f32.msk $0xffff, v11  }
.LBB2_22:
0x21c: {  	v4 =	vld [tilespmem:s11+$0x20];
	s6 =	sadd.s32 $0x5, s6  }
0x21d: {  	v5 =	vld [tilespmem:s11+$0xFFFFFFF0];
	p1 =	slt.u32 s6, $0x78  }
0x21e: {  	v6 =	vld [tilespmem:s11+$0x0]  }
0x21f: {  	v7 =	vld [tilespmem:s11+$0x10]  }
0x220: {  	s4 =	sadd.s32 $0x50, s4;
	v8 =	vld [tilespmem:s11+$0xFFFFFFE0]  }
0x221: {  	v9 =	vld [tilespmem:s4+$0x20];
	v4 =	vadd.s32 v1, v4  }
0x222: {  	v10 =	vld [tilespmem:s4+$0xFFFFFFE0];
	v5 =	vadd.s32 v1, v5  }
0x223: {  	v11 =	vld [tilespmem:s4+$0xFFFFFFF0];
	v6 =	vadd.s32 v1, v6  }
0x224: {  	v12 =	vld [tilespmem:s4+$0x0];
	v7 =	vadd.s32 v1, v7  }
0x225: {  	v8 =	vadd.s32 v1, v8;
	v13 =	vld [tilespmem:s4+$0x10]  }
.Ltmp10:
0x226: {  	[tilespmem:v4+s9+$0x0] =	vst.idx.add.f32.msk $0xffff, v9;
	(pc) =	sbr.rel @p1 .LBB2_22-.Ltmp10, $4  }
0x227: {  	[tilespmem:v2+s9+$0x0] =	vst.idx.add.f32.msk $0xffff, v3;
	v2 =	vmov v7  }
0x228: {  	[tilespmem:v5+s9+$0x0] =	vst.idx.add.f32.msk $0xffff, v11  }
0x229: {  	[tilespmem:v6+s9+$0x0] =	vst.idx.add.f32.msk $0xffff, v12  }
0x22a: {  	s11 =	sadd.s32 $0x50, s11;
	[tilespmem:v8+s9+$0x0] =	vst.idx.add.f32.msk $0xffff, v10;
	v3 =	vmov v13  }
0x22b: {  	_ =	sdelay $0x3  }
0x22c: {  	[tilespmem:v2+s9+$0x0] =	vst.idx.add.f32.msk $0xffff, v3  }
0x22d: {  	_ =	swait.ge [sflag:s3], $0x7D0  }
0x22e: {  	[sflag:s3] =	ssyncset.done $0x0  }
0x22f: {  	s4 =	simm.s32 $0x7070;
	[sflag:s3] =	ssyncadd.s32 $0xFFFFF830  }
0x230: {  	[tilespmem:s4], [sflag:$0xD] =	stream.indirect.gather [spmem:s21], $0x1, s26, s1, $0xb8;
	[tilespmem:$0xB2F0] =	vst v63  }
0x231: {  	s6 =	rddreg [dreg:$0x1e]  }
0x232: {  	[tilespmem:s5], [sflag:$0x5] =	stream.linear.gather [hbm4b:s6+s0], $0x7D0, $0x38;
	[tilespmem:$0xB2F0] =	vst v63  }
0x233: {  	s11 =	rddreg [dreg:$0x1f];
	s6 =	simm.s32 $0x5870  }
0x234: {  	[tilespmem:s6], [sflag:$0xA] =	stream.linear.gather [hbm4b:s11+s0], $0x7D0, $0x38;
	[tilespmem:$0xB2F0] =	vst v63  }
0x235: {  	_ =	swait.ge [sflag:s7], $0x7D0  }
0x236: {  	[sflag:s7] =	ssyncset.done $0x0  }
0x237: {  	[sflag:s7] =	ssyncadd.s32 $0xFFFFF830  }
0x238: {  	_ =	swait.ge [sflag:s8], $0x7D0  }
0x239: {  	[sflag:s8] =	ssyncset.done $0x0  }
0x23a: {  	s11 =	simm.s32 $0x6890;
	[sflag:s8] =	ssyncadd.s32 $0xFFFFF830  }
0x23b: {  	v2 =	vld [tilespmem:s11+$0x20]  }
0x23c: {  	v3 =	vld [tilespmem:s11+$0xFFFFFFF0]  }
0x23d: {  	v4 =	vld [tilespmem:s11+$0x0]  }
0x23e: {  	v5 =	vld [tilespmem:s11+$0xFFFFFFE0]  }
0x23f: {  	s4 =	simm.s32 $0x4090;
	v6 =	vld [tilespmem:s11+$0x10]  }
0x240: {  	v7 =	vld [tilespmem:s4+$0x20];
	v2 =	vadd.s32 v1, v2  }
0x241: {  	v9 =	vld [tilespmem:s4+$0xFFFFFFF0];
	v8 =	vadd.s32 v1, v3  }
0x242: {  	v10 =	vld [tilespmem:s4+$0x0];
	v4 =	vadd.s32 v1, v4  }
0x243: {  	v11 =	vld [tilespmem:s4+$0xFFFFFFE0];
	v5 =	vadd.s32 v1, v5  }
0x244: {  	v3 =	vld [tilespmem:s4+$0x10]  }
0x245: {  	[tilespmem:v2+s9+$0x0] =	vst.idx.add.f32.msk $0xffff, v7  }
0x246: {  	[tilespmem:v8+s9+$0x0] =	vst.idx.add.f32.msk $0xffff, v9  }
0x247: {  	[tilespmem:v4+s9+$0x0] =	vst.idx.add.f32.msk $0xffff, v10  }
0x248: {  	s6 =	simm.s32 $0x0;
	s11 =	simm.s32 $0x68E0;
	v2 =	vadd.s32 v1, v6;
	[tilespmem:v5+s9+$0x0] =	vst.idx.add.f32.msk $0xffff, v11  }
.LBB2_24:
0x249: {  	v4 =	vld [tilespmem:s11+$0x20];
	s6 =	sadd.s32 $0x5, s6  }
0x24a: {  	v5 =	vld [tilespmem:s11+$0xFFFFFFF0];
	p1 =	slt.u32 s6, $0x78  }
0x24b: {  	v6 =	vld [tilespmem:s11+$0x0]  }
0x24c: {  	v7 =	vld [tilespmem:s11+$0x10]  }
0x24d: {  	s4 =	sadd.s32 $0x50, s4;
	v8 =	vld [tilespmem:s11+$0xFFFFFFE0]  }
0x24e: {  	v9 =	vld [tilespmem:s4+$0x20];
	v4 =	vadd.s32 v1, v4  }
0x24f: {  	v10 =	vld [tilespmem:s4+$0xFFFFFFE0];
	v5 =	vadd.s32 v1, v5  }
0x250: {  	v11 =	vld [tilespmem:s4+$0xFFFFFFF0];
	v6 =	vadd.s32 v1, v6  }
0x251: {  	v12 =	vld [tilespmem:s4+$0x0];
	v7 =	vadd.s32 v1, v7  }
0x252: {  	v8 =	vadd.s32 v1, v8;
	v13 =	vld [tilespmem:s4+$0x10]  }
.Ltmp11:
0x253: {  	[tilespmem:v4+s9+$0x0] =	vst.idx.add.f32.msk $0xffff, v9;
	(pc) =	sbr.rel @p1 .LBB2_24-.Ltmp11, $4  }
0x254: {  	[tilespmem:v2+s9+$0x0] =	vst.idx.add.f32.msk $0xffff, v3;
	v2 =	vmov v7  }
0x255: {  	[tilespmem:v5+s9+$0x0] =	vst.idx.add.f32.msk $0xffff, v11  }
0x256: {  	[tilespmem:v6+s9+$0x0] =	vst.idx.add.f32.msk $0xffff, v12  }
0x257: {  	s11 =	sadd.s32 $0x50, s11;
	[tilespmem:v8+s9+$0x0] =	vst.idx.add.f32.msk $0xffff, v10;
	v3 =	vmov v13  }
0x258: {  	_ =	sdelay $0x3  }
0x259: {  	[tilespmem:v2+s9+$0x0] =	vst.idx.add.f32.msk $0xffff, v3  }
0x25a: {  	_ =	swait.ge [sflag:s10], $0x7D0  }
0x25b: {  	[sflag:s10] =	ssyncset.done $0x0  }
0x25c: {  	s4 =	simm.s32 $0x7870;
	s6 =	sld [smem:$0x7E4];
	[sflag:s10] =	ssyncadd.s32 $0xFFFFF830  }
0x25d: {  	[tilespmem:s4], [sflag:$0xE] =	stream.indirect.gather [spmem:s21], $0x1, s29, s1, $0xb8;
	[tilespmem:$0xB2F0] =	vst v63  }
0x25e: {  	s11 =	sld [smem:$0x7E5]  }
0x25f: {  	[tilespmem:s12], [sflag:$0x6] =	stream.linear.gather [hbm4b:s6+s0], $0x7D0, $0x38;
	[tilespmem:$0xB2F0] =	vst v63  }
0x260: {  	s6 =	simm.s32 $0x6070  }
0x261: {  	[tilespmem:s6], [sflag:$0xB] =	stream.linear.gather [hbm4b:s11+s0], $0x7D0, $0x38;
	[tilespmem:$0xB2F0] =	vst v63  }
0x262: {  	_ =	swait.ge [sflag:s14], $0x7D0  }
0x263: {  	[sflag:s14] =	ssyncset.done $0x0  }
0x264: {  	[sflag:s14] =	ssyncadd.s32 $0xFFFFF830  }
0x265: {  	_ =	swait.ge [sflag:s15], $0x7D0  }
0x266: {  	[sflag:s15] =	ssyncset.done $0x0  }
0x267: {  	s11 =	simm.s32 $0x7090;
	[sflag:s15] =	ssyncadd.s32 $0xFFFFF830  }
0x268: {  	v2 =	vld [tilespmem:s11+$0x20]  }
0x269: {  	v3 =	vld [tilespmem:s11+$0xFFFFFFF0]  }
0x26a: {  	v4 =	vld [tilespmem:s11+$0x0]  }
0x26b: {  	v5 =	vld [tilespmem:s11+$0xFFFFFFE0]  }
0x26c: {  	s4 =	simm.s32 $0x4890;
	v6 =	vld [tilespmem:s11+$0x10]  }
0x26d: {  	v7 =	vld [tilespmem:s4+$0x20];
	v2 =	vadd.s32 v1, v2  }
0x26e: {  	v9 =	vld [tilespmem:s4+$0xFFFFFFF0];
	v8 =	vadd.s32 v1, v3  }
0x26f: {  	v10 =	vld [tilespmem:s4+$0x0];
	v4 =	vadd.s32 v1, v4  }
0x270: {  	v11 =	vld [tilespmem:s4+$0xFFFFFFE0];
	v5 =	vadd.s32 v1, v5  }
0x271: {  	v3 =	vld [tilespmem:s4+$0x10]  }
0x272: {  	[tilespmem:v2+s9+$0x0] =	vst.idx.add.f32.msk $0xffff, v7  }
0x273: {  	[tilespmem:v8+s9+$0x0] =	vst.idx.add.f32.msk $0xffff, v9  }
0x274: {  	[tilespmem:v4+s9+$0x0] =	vst.idx.add.f32.msk $0xffff, v10  }
0x275: {  	s6 =	simm.s32 $0x0;
	s11 =	simm.s32 $0x70E0;
	v2 =	vadd.s32 v1, v6;
	[tilespmem:v5+s9+$0x0] =	vst.idx.add.f32.msk $0xffff, v11  }
.LBB2_26:
0x276: {  	v4 =	vld [tilespmem:s11+$0x20];
	s6 =	sadd.s32 $0x5, s6  }
0x277: {  	v5 =	vld [tilespmem:s11+$0xFFFFFFF0];
	p1 =	slt.u32 s6, $0x78  }
0x278: {  	v6 =	vld [tilespmem:s11+$0x0]  }
0x279: {  	v7 =	vld [tilespmem:s11+$0x10]  }
0x27a: {  	s4 =	sadd.s32 $0x50, s4;
	v8 =	vld [tilespmem:s11+$0xFFFFFFE0]  }
0x27b: {  	v9 =	vld [tilespmem:s4+$0x20];
	v4 =	vadd.s32 v1, v4  }
0x27c: {  	v10 =	vld [tilespmem:s4+$0xFFFFFFE0];
	v5 =	vadd.s32 v1, v5  }
0x27d: {  	v11 =	vld [tilespmem:s4+$0xFFFFFFF0];
	v6 =	vadd.s32 v1, v6  }
0x27e: {  	v12 =	vld [tilespmem:s4+$0x0];
	v7 =	vadd.s32 v1, v7  }
0x27f: {  	v8 =	vadd.s32 v1, v8;
	v13 =	vld [tilespmem:s4+$0x10]  }
.Ltmp12:
0x280: {  	[tilespmem:v4+s9+$0x0] =	vst.idx.add.f32.msk $0xffff, v9;
	(pc) =	sbr.rel @p1 .LBB2_26-.Ltmp12, $4  }
0x281: {  	[tilespmem:v2+s9+$0x0] =	vst.idx.add.f32.msk $0xffff, v3;
	v2 =	vmov v7  }
0x282: {  	[tilespmem:v5+s9+$0x0] =	vst.idx.add.f32.msk $0xffff, v11  }
0x283: {  	[tilespmem:v6+s9+$0x0] =	vst.idx.add.f32.msk $0xffff, v12  }
0x284: {  	s11 =	sadd.s32 $0x50, s11;
	[tilespmem:v8+s9+$0x0] =	vst.idx.add.f32.msk $0xffff, v10;
	v3 =	vmov v13  }
0x285: {  	_ =	sdelay $0x3  }
0x286: {  	[tilespmem:v2+s9+$0x0] =	vst.idx.add.f32.msk $0xffff, v3  }
0x287: {  	_ =	swait.ge [sflag:s16], $0x7D0  }
0x288: {  	[sflag:s16] =	ssyncset.done $0x0  }
0x289: {  	s4 =	simm.s32 $0x8070;
	s6 =	sld [smem:$0x7E6];
	[sflag:s16] =	ssyncadd.s32 $0xFFFFF830  }
0x28a: {  	[tilespmem:s4], [sflag:$0xF] =	stream.indirect.gather [spmem:s21], $0x1, s5, s1, $0xb8;
	[tilespmem:$0xB2F0] =	vst v63  }
0x28b: {  	s11 =	sld [smem:$0x7E7]  }
0x28c: {  	[tilespmem:s24], [sflag:$0x2] =	stream.linear.gather [hbm4b:s6+s0], $0x7D0, $0x38;
	[tilespmem:$0xB2F0] =	vst v63  }
0x28d: {  	_ = 	snop  }
0x28e: {  	[tilespmem:s17], [sflag:$0x7] =	stream.linear.gather [hbm4b:s11+s0], $0x7D0, $0x38;
	[tilespmem:$0xB2F0] =	vst v63  }
0x28f: {  	_ =	swait.ge [sflag:s18], $0x7D0  }
0x290: {  	[sflag:s18] =	ssyncset.done $0x0  }
0x291: {  	[sflag:s18] =	ssyncadd.s32 $0xFFFFF830  }
0x292: {  	_ =	swait.ge [sflag:s19], $0x7D0  }
0x293: {  	[sflag:s19] =	ssyncset.done $0x0  }
0x294: {  	s6 =	simm.s32 $0x7890;
	[sflag:s19] =	ssyncadd.s32 $0xFFFFF830  }
0x295: {  	v2 =	vld [tilespmem:s6+$0x20]  }
0x296: {  	v3 =	vld [tilespmem:s6+$0xFFFFFFF0]  }
0x297: {  	v4 =	vld [tilespmem:s6+$0x0]  }
0x298: {  	v5 =	vld [tilespmem:s6+$0xFFFFFFE0]  }
0x299: {  	s4 =	simm.s32 $0x5090;
	v6 =	vld [tilespmem:s6+$0x10]  }
0x29a: {  	v7 =	vld [tilespmem:s4+$0x20];
	v2 =	vadd.s32 v1, v2  }
0x29b: {  	v9 =	vld [tilespmem:s4+$0xFFFFFFF0];
	v8 =	vadd.s32 v1, v3  }
0x29c: {  	v10 =	vld [tilespmem:s4+$0x0];
	v4 =	vadd.s32 v1, v4  }
0x29d: {  	v11 =	vld [tilespmem:s4+$0xFFFFFFE0];
	v5 =	vadd.s32 v1, v5  }
0x29e: {  	v3 =	vld [tilespmem:s4+$0x10]  }
0x29f: {  	[tilespmem:v2+s9+$0x0] =	vst.idx.add.f32.msk $0xffff, v7  }
0x2a0: {  	[tilespmem:v8+s9+$0x0] =	vst.idx.add.f32.msk $0xffff, v9  }
0x2a1: {  	[tilespmem:v4+s9+$0x0] =	vst.idx.add.f32.msk $0xffff, v10  }
0x2a2: {  	s11 =	simm.s32 $0x78E0;
	s6 =	simm.s32 $0x0;
	v2 =	vadd.s32 v1, v6;
	[tilespmem:v5+s9+$0x0] =	vst.idx.add.f32.msk $0xffff, v11  }
.LBB2_28:
0x2a3: {  	v4 =	vld [tilespmem:s11+$0x20];
	s6 =	sadd.s32 $0x5, s6  }
0x2a4: {  	v5 =	vld [tilespmem:s11+$0xFFFFFFF0];
	p1 =	slt.u32 s6, $0x78  }
0x2a5: {  	v6 =	vld [tilespmem:s11+$0x0]  }
0x2a6: {  	v7 =	vld [tilespmem:s11+$0x10]  }
0x2a7: {  	s4 =	sadd.s32 $0x50, s4;
	v8 =	vld [tilespmem:s11+$0xFFFFFFE0]  }
0x2a8: {  	v9 =	vld [tilespmem:s4+$0x20];
	v4 =	vadd.s32 v1, v4  }
0x2a9: {  	v10 =	vld [tilespmem:s4+$0xFFFFFFE0];
	v5 =	vadd.s32 v1, v5  }
0x2aa: {  	v11 =	vld [tilespmem:s4+$0xFFFFFFF0];
	v6 =	vadd.s32 v1, v6  }
0x2ab: {  	v12 =	vld [tilespmem:s4+$0x0];
	v7 =	vadd.s32 v1, v7  }
0x2ac: {  	v8 =	vadd.s32 v1, v8;
	v13 =	vld [tilespmem:s4+$0x10]  }
.Ltmp13:
0x2ad: {  	[tilespmem:v4+s9+$0x0] =	vst.idx.add.f32.msk $0xffff, v9;
	(pc) =	sbr.rel @p1 .LBB2_28-.Ltmp13, $4  }
0x2ae: {  	[tilespmem:v2+s9+$0x0] =	vst.idx.add.f32.msk $0xffff, v3;
	v2 =	vmov v7  }
0x2af: {  	[tilespmem:v5+s9+$0x0] =	vst.idx.add.f32.msk $0xffff, v11  }
0x2b0: {  	[tilespmem:v6+s9+$0x0] =	vst.idx.add.f32.msk $0xffff, v12  }
0x2b1: {  	s11 =	sadd.s32 $0x50, s11;
	[tilespmem:v8+s9+$0x0] =	vst.idx.add.f32.msk $0xffff, v10;
	v3 =	vmov v13  }
0x2b2: {  	_ =	sdelay $0x3  }
0x2b3: {  	[tilespmem:v2+s9+$0x0] =	vst.idx.add.f32.msk $0xffff, v3  }
0x2b4: {  	_ =	swait.ge [sflag:s20], $0x7D0  }
0x2b5: {  	[sflag:s20] =	ssyncset.done $0x0  }
0x2b6: {  	s4 =	sld [smem:$0x7E8];
	[sflag:s20] =	ssyncadd.s32 $0xFFFFF830  }
0x2b7: {  	[tilespmem:s22], [sflag:$0x10] =	stream.indirect.gather [spmem:s21], $0x1, s12, s1, $0xb8;
	[tilespmem:$0xB2F0] =	vst v63  }
0x2b8: {  	s11 =	sld [smem:$0x7E9]  }
0x2b9: {  	[tilespmem:s26], [sflag:$0x3] =	stream.linear.gather [hbm4b:s4+s0], $0x7D0, $0x38;
	[tilespmem:$0xB2F0] =	vst v63  }
0x2ba: {  	_ = 	snop  }
0x2bb: {  	[tilespmem:s13], [sflag:$0x8] =	stream.linear.gather [hbm4b:s11+s0], $0x7D0, $0x38;
	[tilespmem:$0xB2F0] =	vst v63  }
0x2bc: {  	_ =	swait.ge [sflag:s23], $0x7D0  }
0x2bd: {  	[sflag:s23] =	ssyncset.done $0x0  }
0x2be: {  	[sflag:s23] =	ssyncadd.s32 $0xFFFFF830  }
0x2bf: {  	_ =	swait.ge [sflag:s25], $0x7D0  }
0x2c0: {  	[sflag:s25] =	ssyncset.done $0x0  }
0x2c1: {  	s6 =	simm.s32 $0x8090;
	[sflag:s25] =	ssyncadd.s32 $0xFFFFF830  }
0x2c2: {  	v2 =	vld [tilespmem:s6+$0x20]  }
0x2c3: {  	v3 =	vld [tilespmem:s6+$0xFFFFFFF0]  }
0x2c4: {  	v4 =	vld [tilespmem:s6+$0x0]  }
0x2c5: {  	v5 =	vld [tilespmem:s6+$0xFFFFFFE0]  }
0x2c6: {  	s4 =	simm.s32 $0x5890;
	v6 =	vld [tilespmem:s6+$0x10]  }
0x2c7: {  	v7 =	vld [tilespmem:s4+$0x20];
	v2 =	vadd.s32 v1, v2  }
0x2c8: {  	v9 =	vld [tilespmem:s4+$0xFFFFFFF0];
	v8 =	vadd.s32 v1, v3  }
0x2c9: {  	v10 =	vld [tilespmem:s4+$0x0];
	v4 =	vadd.s32 v1, v4  }
0x2ca: {  	v11 =	vld [tilespmem:s4+$0xFFFFFFE0];
	v5 =	vadd.s32 v1, v5  }
0x2cb: {  	v3 =	vld [tilespmem:s4+$0x10]  }
0x2cc: {  	[tilespmem:v2+s9+$0x0] =	vst.idx.add.f32.msk $0xffff, v7  }
0x2cd: {  	[tilespmem:v8+s9+$0x0] =	vst.idx.add.f32.msk $0xffff, v9  }
0x2ce: {  	[tilespmem:v4+s9+$0x0] =	vst.idx.add.f32.msk $0xffff, v10  }
0x2cf: {  	s11 =	simm.s32 $0x80E0;
	s6 =	simm.s32 $0x0;
	v2 =	vadd.s32 v1, v6;
	[tilespmem:v5+s9+$0x0] =	vst.idx.add.f32.msk $0xffff, v11  }
.LBB2_30:
0x2d0: {  	v4 =	vld [tilespmem:s11+$0x20];
	s6 =	sadd.s32 $0x5, s6  }
0x2d1: {  	v5 =	vld [tilespmem:s11+$0xFFFFFFF0];
	p1 =	slt.u32 s6, $0x78  }
0x2d2: {  	v6 =	vld [tilespmem:s11+$0x0]  }
0x2d3: {  	v7 =	vld [tilespmem:s11+$0x10]  }
0x2d4: {  	s4 =	sadd.s32 $0x50, s4;
	v8 =	vld [tilespmem:s11+$0xFFFFFFE0]  }
0x2d5: {  	v9 =	vld [tilespmem:s4+$0x20];
	v4 =	vadd.s32 v1, v4  }
0x2d6: {  	v10 =	vld [tilespmem:s4+$0xFFFFFFE0];
	v5 =	vadd.s32 v1, v5  }
0x2d7: {  	v11 =	vld [tilespmem:s4+$0xFFFFFFF0];
	v6 =	vadd.s32 v1, v6  }
0x2d8: {  	v12 =	vld [tilespmem:s4+$0x0];
	v7 =	vadd.s32 v1, v7  }
0x2d9: {  	v8 =	vadd.s32 v1, v8;
	v13 =	vld [tilespmem:s4+$0x10]  }
.Ltmp14:
0x2da: {  	[tilespmem:v4+s9+$0x0] =	vst.idx.add.f32.msk $0xffff, v9;
	(pc) =	sbr.rel @p1 .LBB2_30-.Ltmp14, $4  }
0x2db: {  	[tilespmem:v2+s9+$0x0] =	vst.idx.add.f32.msk $0xffff, v3;
	v2 =	vmov v7  }
0x2dc: {  	[tilespmem:v5+s9+$0x0] =	vst.idx.add.f32.msk $0xffff, v11  }
0x2dd: {  	[tilespmem:v6+s9+$0x0] =	vst.idx.add.f32.msk $0xffff, v12  }
0x2de: {  	s11 =	sadd.s32 $0x50, s11;
	[tilespmem:v8+s9+$0x0] =	vst.idx.add.f32.msk $0xffff, v10;
	v3 =	vmov v13  }
0x2df: {  	_ =	sdelay $0x3  }
0x2e0: {  	[tilespmem:v2+s9+$0x0] =	vst.idx.add.f32.msk $0xffff, v3  }
0x2e1: {  	_ =	swait.ge [sflag:s31], $0x7D0  }
0x2e2: {  	[sflag:s31] =	ssyncset.done $0x0  }
0x2e3: {  	s4 =	simm.s32 $0x6870;
	s6 =	sld [smem:$0x7EA];
	[sflag:s31] =	ssyncadd.s32 $0xFFFFF830  }
0x2e4: {  	[tilespmem:s4], [sflag:$0xC] =	stream.indirect.gather [spmem:s21], $0x1, s24, s1, $0xb8;
	[tilespmem:$0xB2F0] =	vst v63  }
0x2e5: {  	s11 =	sld [smem:$0x7EB]  }
0x2e6: {  	[tilespmem:s29], [sflag:$0x4] =	stream.linear.gather [hbm4b:s6+s0], $0x7D0, $0x38;
	[tilespmem:$0xB2F0] =	vst v63  }
0x2e7: {  	s6 =	simm.s32 $0x5070  }
0x2e8: {  	[tilespmem:s6], [sflag:$0x9] =	stream.linear.gather [hbm4b:s11+s0], $0x7D0, $0x38;
	[tilespmem:$0xB2F0] =	vst v63  }
0x2e9: {  	_ =	swait.ge [sflag:s28], $0x7D0  }
0x2ea: {  	[sflag:s28] =	ssyncset.done $0x0  }
0x2eb: {  	[sflag:s28] =	ssyncadd.s32 $0xFFFFF830  }
0x2ec: {  	_ =	swait.ge [sflag:s30], $0x7D0  }
0x2ed: {  	[sflag:s30] =	ssyncset.done $0x0  }
0x2ee: {  	s11 =	simm.s32 $0x8890;
	[sflag:s30] =	ssyncadd.s32 $0xFFFFF830  }
0x2ef: {  	v2 =	vld [tilespmem:s11+$0x20]  }
0x2f0: {  	v3 =	vld [tilespmem:s11+$0xFFFFFFF0]  }
0x2f1: {  	v4 =	vld [tilespmem:s11+$0x0]  }
0x2f2: {  	v5 =	vld [tilespmem:s11+$0xFFFFFFE0]  }
0x2f3: {  	s4 =	simm.s32 $0x6090;
	v6 =	vld [tilespmem:s11+$0x10]  }
0x2f4: {  	v7 =	vld [tilespmem:s4+$0x20];
	v2 =	vadd.s32 v1, v2  }
0x2f5: {  	v9 =	vld [tilespmem:s4+$0xFFFFFFF0];
	v8 =	vadd.s32 v1, v3  }
0x2f6: {  	v10 =	vld [tilespmem:s4+$0x0];
	v4 =	vadd.s32 v1, v4  }
0x2f7: {  	v11 =	vld [tilespmem:s4+$0xFFFFFFE0];
	v5 =	vadd.s32 v1, v5  }
0x2f8: {  	v3 =	vld [tilespmem:s4+$0x10]  }
0x2f9: {  	[tilespmem:v2+s9+$0x0] =	vst.idx.add.f32.msk $0xffff, v7  }
0x2fa: {  	[tilespmem:v8+s9+$0x0] =	vst.idx.add.f32.msk $0xffff, v9  }
0x2fb: {  	[tilespmem:v4+s9+$0x0] =	vst.idx.add.f32.msk $0xffff, v10  }
0x2fc: {  	s6 =	simm.s32 $0x0;
	s11 =	simm.s32 $0x88E0;
	v2 =	vadd.s32 v1, v6;
	[tilespmem:v5+s9+$0x0] =	vst.idx.add.f32.msk $0xffff, v11  }
.LBB2_32:
0x2fd: {  	v4 =	vld [tilespmem:s11+$0x20];
	s6 =	sadd.s32 $0x5, s6  }
0x2fe: {  	v5 =	vld [tilespmem:s11+$0xFFFFFFF0];
	p1 =	slt.u32 s6, $0x78  }
0x2ff: {  	v6 =	vld [tilespmem:s11+$0x0]  }
0x300: {  	v7 =	vld [tilespmem:s11+$0x10]  }
0x301: {  	s4 =	sadd.s32 $0x50, s4;
	v8 =	vld [tilespmem:s11+$0xFFFFFFE0]  }
0x302: {  	v9 =	vld [tilespmem:s4+$0x20];
	v4 =	vadd.s32 v1, v4  }
0x303: {  	v10 =	vld [tilespmem:s4+$0xFFFFFFE0];
	v5 =	vadd.s32 v1, v5  }
0x304: {  	v11 =	vld [tilespmem:s4+$0xFFFFFFF0];
	v6 =	vadd.s32 v1, v6  }
0x305: {  	v12 =	vld [tilespmem:s4+$0x0];
	v7 =	vadd.s32 v1, v7  }
0x306: {  	v8 =	vadd.s32 v1, v8;
	v13 =	vld [tilespmem:s4+$0x10]  }
.Ltmp15:
0x307: {  	[tilespmem:v4+s9+$0x0] =	vst.idx.add.f32.msk $0xffff, v9;
	(pc) =	sbr.rel @p1 .LBB2_32-.Ltmp15, $4  }
0x308: {  	[tilespmem:v2+s9+$0x0] =	vst.idx.add.f32.msk $0xffff, v3;
	v2 =	vmov v7  }
0x309: {  	[tilespmem:v5+s9+$0x0] =	vst.idx.add.f32.msk $0xffff, v11  }
0x30a: {  	[tilespmem:v6+s9+$0x0] =	vst.idx.add.f32.msk $0xffff, v12  }
0x30b: {  	s11 =	sadd.s32 $0x50, s11;
	[tilespmem:v8+s9+$0x0] =	vst.idx.add.f32.msk $0xffff, v10;
	v3 =	vmov v13  }
0x30c: {  	_ =	sdelay $0x3  }
0x30d: {  	[tilespmem:v2+s9+$0x0] =	vst.idx.add.f32.msk $0xffff, v3  }
0x30e: {  	_ =	swait.ge [sflag:s3], $0x7D0  }
0x30f: {  	[sflag:s3] =	ssyncset.done $0x0  }
0x310: {  	s4 =	simm.s32 $0x7070;
	s6 =	sld [smem:$0x7EC];
	[sflag:s3] =	ssyncadd.s32 $0xFFFFF830  }
0x311: {  	[tilespmem:s4], [sflag:$0xD] =	stream.indirect.gather [spmem:s21], $0x1, s26, s1, $0xb8;
	[tilespmem:$0xB2F0] =	vst v63  }
0x312: {  	s11 =	sld [smem:$0x7ED]  }
0x313: {  	[tilespmem:s5], [sflag:$0x5] =	stream.linear.gather [hbm4b:s6+s0], $0x7D0, $0x38;
	[tilespmem:$0xB2F0] =	vst v63  }
0x314: {  	s6 =	simm.s32 $0x5870  }
0x315: {  	[tilespmem:s6], [sflag:$0xA] =	stream.linear.gather [hbm4b:s11+s0], $0x7D0, $0x38;
	[tilespmem:$0xB2F0] =	vst v63  }
0x316: {  	_ =	swait.ge [sflag:s7], $0x7D0  }
0x317: {  	[sflag:s7] =	ssyncset.done $0x0  }
0x318: {  	[sflag:s7] =	ssyncadd.s32 $0xFFFFF830  }
0x319: {  	_ =	swait.ge [sflag:s8], $0x7D0  }
0x31a: {  	[sflag:s8] =	ssyncset.done $0x0  }
0x31b: {  	s11 =	simm.s32 $0x6890;
	[sflag:s8] =	ssyncadd.s32 $0xFFFFF830  }
0x31c: {  	v2 =	vld [tilespmem:s11+$0x20]  }
0x31d: {  	v3 =	vld [tilespmem:s11+$0xFFFFFFF0]  }
0x31e: {  	v4 =	vld [tilespmem:s11+$0x0]  }
0x31f: {  	v5 =	vld [tilespmem:s11+$0xFFFFFFE0]  }
0x320: {  	s4 =	simm.s32 $0x4090;
	v6 =	vld [tilespmem:s11+$0x10]  }
0x321: {  	v7 =	vld [tilespmem:s4+$0x20];
	v2 =	vadd.s32 v1, v2  }
0x322: {  	v9 =	vld [tilespmem:s4+$0xFFFFFFF0];
	v8 =	vadd.s32 v1, v3  }
0x323: {  	v10 =	vld [tilespmem:s4+$0x0];
	v4 =	vadd.s32 v1, v4  }
0x324: {  	v11 =	vld [tilespmem:s4+$0xFFFFFFE0];
	v5 =	vadd.s32 v1, v5  }
0x325: {  	v3 =	vld [tilespmem:s4+$0x10]  }
0x326: {  	[tilespmem:v2+s9+$0x0] =	vst.idx.add.f32.msk $0xffff, v7  }
0x327: {  	[tilespmem:v8+s9+$0x0] =	vst.idx.add.f32.msk $0xffff, v9  }
0x328: {  	[tilespmem:v4+s9+$0x0] =	vst.idx.add.f32.msk $0xffff, v10  }
0x329: {  	s6 =	simm.s32 $0x0;
	s11 =	simm.s32 $0x68E0;
	v2 =	vadd.s32 v1, v6;
	[tilespmem:v5+s9+$0x0] =	vst.idx.add.f32.msk $0xffff, v11  }
.LBB2_34:
0x32a: {  	v4 =	vld [tilespmem:s11+$0x20];
	s6 =	sadd.s32 $0x5, s6  }
0x32b: {  	v5 =	vld [tilespmem:s11+$0xFFFFFFF0];
	p1 =	slt.u32 s6, $0x78  }
0x32c: {  	v6 =	vld [tilespmem:s11+$0x0]  }
0x32d: {  	v7 =	vld [tilespmem:s11+$0x10]  }
0x32e: {  	s4 =	sadd.s32 $0x50, s4;
	v8 =	vld [tilespmem:s11+$0xFFFFFFE0]  }
0x32f: {  	v9 =	vld [tilespmem:s4+$0x20];
	v4 =	vadd.s32 v1, v4  }
0x330: {  	v10 =	vld [tilespmem:s4+$0xFFFFFFE0];
	v5 =	vadd.s32 v1, v5  }
0x331: {  	v11 =	vld [tilespmem:s4+$0xFFFFFFF0];
	v6 =	vadd.s32 v1, v6  }
0x332: {  	v12 =	vld [tilespmem:s4+$0x0];
	v7 =	vadd.s32 v1, v7  }
0x333: {  	v8 =	vadd.s32 v1, v8;
	v13 =	vld [tilespmem:s4+$0x10]  }
.Ltmp16:
0x334: {  	[tilespmem:v4+s9+$0x0] =	vst.idx.add.f32.msk $0xffff, v9;
	(pc) =	sbr.rel @p1 .LBB2_34-.Ltmp16, $4  }
0x335: {  	[tilespmem:v2+s9+$0x0] =	vst.idx.add.f32.msk $0xffff, v3;
	v2 =	vmov v7  }
0x336: {  	[tilespmem:v5+s9+$0x0] =	vst.idx.add.f32.msk $0xffff, v11  }
0x337: {  	[tilespmem:v6+s9+$0x0] =	vst.idx.add.f32.msk $0xffff, v12  }
0x338: {  	s11 =	sadd.s32 $0x50, s11;
	[tilespmem:v8+s9+$0x0] =	vst.idx.add.f32.msk $0xffff, v10;
	v3 =	vmov v13  }
0x339: {  	_ =	sdelay $0x3  }
0x33a: {  	[tilespmem:v2+s9+$0x0] =	vst.idx.add.f32.msk $0xffff, v3  }
0x33b: {  	_ =	swait.ge [sflag:s10], $0x7D0  }
0x33c: {  	[sflag:s10] =	ssyncset.done $0x0  }
0x33d: {  	s4 =	simm.s32 $0x7870;
	s6 =	sld [smem:$0x7EE];
	[sflag:s10] =	ssyncadd.s32 $0xFFFFF830  }
0x33e: {  	[tilespmem:s4], [sflag:$0xE] =	stream.indirect.gather [spmem:s21], $0x1, s29, s1, $0xb8;
	[tilespmem:$0xB2F0] =	vst v63  }
0x33f: {  	s11 =	sld [smem:$0x7EF]  }
0x340: {  	[tilespmem:s12], [sflag:$0x6] =	stream.linear.gather [hbm4b:s6+s0], $0x7D0, $0x38;
	[tilespmem:$0xB2F0] =	vst v63  }
0x341: {  	s6 =	simm.s32 $0x6070  }
0x342: {  	[tilespmem:s6], [sflag:$0xB] =	stream.linear.gather [hbm4b:s11+s0], $0x7D0, $0x38;
	[tilespmem:$0xB2F0] =	vst v63  }
0x343: {  	_ =	swait.ge [sflag:s14], $0x7D0  }
0x344: {  	[sflag:s14] =	ssyncset.done $0x0  }
0x345: {  	[sflag:s14] =	ssyncadd.s32 $0xFFFFF830  }
0x346: {  	_ =	swait.ge [sflag:s15], $0x7D0  }
0x347: {  	[sflag:s15] =	ssyncset.done $0x0  }
0x348: {  	s11 =	simm.s32 $0x7090;
	[sflag:s15] =	ssyncadd.s32 $0xFFFFF830  }
0x349: {  	v2 =	vld [tilespmem:s11+$0x20]  }
0x34a: {  	v3 =	vld [tilespmem:s11+$0xFFFFFFF0]  }
0x34b: {  	v4 =	vld [tilespmem:s11+$0x0]  }
0x34c: {  	v5 =	vld [tilespmem:s11+$0xFFFFFFE0]  }
0x34d: {  	s4 =	simm.s32 $0x4890;
	v6 =	vld [tilespmem:s11+$0x10]  }
0x34e: {  	v7 =	vld [tilespmem:s4+$0x20];
	v2 =	vadd.s32 v1, v2  }
0x34f: {  	v9 =	vld [tilespmem:s4+$0xFFFFFFF0];
	v8 =	vadd.s32 v1, v3  }
0x350: {  	v10 =	vld [tilespmem:s4+$0x0];
	v4 =	vadd.s32 v1, v4  }
0x351: {  	v11 =	vld [tilespmem:s4+$0xFFFFFFE0];
	v5 =	vadd.s32 v1, v5  }
0x352: {  	v3 =	vld [tilespmem:s4+$0x10]  }
0x353: {  	[tilespmem:v2+s9+$0x0] =	vst.idx.add.f32.msk $0xffff, v7  }
0x354: {  	[tilespmem:v8+s9+$0x0] =	vst.idx.add.f32.msk $0xffff, v9  }
0x355: {  	[tilespmem:v4+s9+$0x0] =	vst.idx.add.f32.msk $0xffff, v10  }
0x356: {  	s6 =	simm.s32 $0x0;
	s11 =	simm.s32 $0x70E0;
	v2 =	vadd.s32 v1, v6;
	[tilespmem:v5+s9+$0x0] =	vst.idx.add.f32.msk $0xffff, v11  }
.LBB2_36:
0x357: {  	v4 =	vld [tilespmem:s11+$0x20];
	s6 =	sadd.s32 $0x5, s6  }
0x358: {  	v5 =	vld [tilespmem:s11+$0xFFFFFFF0];
	p1 =	slt.u32 s6, $0x78  }
0x359: {  	v6 =	vld [tilespmem:s11+$0x0]  }
0x35a: {  	v7 =	vld [tilespmem:s11+$0x10]  }
0x35b: {  	s4 =	sadd.s32 $0x50, s4;
	v8 =	vld [tilespmem:s11+$0xFFFFFFE0]  }
0x35c: {  	v9 =	vld [tilespmem:s4+$0x20];
	v4 =	vadd.s32 v1, v4  }
0x35d: {  	v10 =	vld [tilespmem:s4+$0xFFFFFFE0];
	v5 =	vadd.s32 v1, v5  }
0x35e: {  	v11 =	vld [tilespmem:s4+$0xFFFFFFF0];
	v6 =	vadd.s32 v1, v6  }
0x35f: {  	v12 =	vld [tilespmem:s4+$0x0];
	v7 =	vadd.s32 v1, v7  }
0x360: {  	v8 =	vadd.s32 v1, v8;
	v13 =	vld [tilespmem:s4+$0x10]  }
.Ltmp17:
0x361: {  	[tilespmem:v4+s9+$0x0] =	vst.idx.add.f32.msk $0xffff, v9;
	(pc) =	sbr.rel @p1 .LBB2_36-.Ltmp17, $4  }
0x362: {  	[tilespmem:v2+s9+$0x0] =	vst.idx.add.f32.msk $0xffff, v3;
	v2 =	vmov v7  }
0x363: {  	[tilespmem:v5+s9+$0x0] =	vst.idx.add.f32.msk $0xffff, v11  }
0x364: {  	[tilespmem:v6+s9+$0x0] =	vst.idx.add.f32.msk $0xffff, v12  }
0x365: {  	s11 =	sadd.s32 $0x50, s11;
	[tilespmem:v8+s9+$0x0] =	vst.idx.add.f32.msk $0xffff, v10;
	v3 =	vmov v13  }
0x366: {  	_ =	sdelay $0x3  }
0x367: {  	[tilespmem:v2+s9+$0x0] =	vst.idx.add.f32.msk $0xffff, v3  }
0x368: {  	_ =	swait.ge [sflag:s16], $0x7D0  }
0x369: {  	[sflag:s16] =	ssyncset.done $0x0  }
0x36a: {  	s4 =	simm.s32 $0x8070;
	s6 =	sld [smem:$0x7F0];
	[sflag:s16] =	ssyncadd.s32 $0xFFFFF830  }
0x36b: {  	[tilespmem:s4], [sflag:$0xF] =	stream.indirect.gather [spmem:s21], $0x1, s5, s1, $0xb8;
	[tilespmem:$0xB2F0] =	vst v63  }
0x36c: {  	s11 =	sld [smem:$0x7F1]  }
0x36d: {  	[tilespmem:s24], [sflag:$0x2] =	stream.linear.gather [hbm4b:s6+s0], $0x7D0, $0x38;
	[tilespmem:$0xB2F0] =	vst v63  }
0x36e: {  	_ = 	snop  }
0x36f: {  	[tilespmem:s17], [sflag:$0x7] =	stream.linear.gather [hbm4b:s11+s0], $0x7D0, $0x38;
	[tilespmem:$0xB2F0] =	vst v63  }
0x370: {  	_ =	swait.ge [sflag:s18], $0x7D0  }
0x371: {  	[sflag:s18] =	ssyncset.done $0x0  }
0x372: {  	[sflag:s18] =	ssyncadd.s32 $0xFFFFF830  }
0x373: {  	_ =	swait.ge [sflag:s19], $0x7D0  }
0x374: {  	[sflag:s19] =	ssyncset.done $0x0  }
0x375: {  	s6 =	simm.s32 $0x7890;
	[sflag:s19] =	ssyncadd.s32 $0xFFFFF830  }
0x376: {  	v2 =	vld [tilespmem:s6+$0x20]  }
0x377: {  	v3 =	vld [tilespmem:s6+$0xFFFFFFF0]  }
0x378: {  	v4 =	vld [tilespmem:s6+$0x0]  }
0x379: {  	v5 =	vld [tilespmem:s6+$0xFFFFFFE0]  }
0x37a: {  	s4 =	simm.s32 $0x5090;
	v6 =	vld [tilespmem:s6+$0x10]  }
0x37b: {  	v7 =	vld [tilespmem:s4+$0x20];
	v2 =	vadd.s32 v1, v2  }
0x37c: {  	v9 =	vld [tilespmem:s4+$0xFFFFFFF0];
	v8 =	vadd.s32 v1, v3  }
0x37d: {  	v10 =	vld [tilespmem:s4+$0x0];
	v4 =	vadd.s32 v1, v4  }
0x37e: {  	v11 =	vld [tilespmem:s4+$0xFFFFFFE0];
	v5 =	vadd.s32 v1, v5  }
0x37f: {  	v3 =	vld [tilespmem:s4+$0x10]  }
0x380: {  	[tilespmem:v2+s9+$0x0] =	vst.idx.add.f32.msk $0xffff, v7  }
0x381: {  	[tilespmem:v8+s9+$0x0] =	vst.idx.add.f32.msk $0xffff, v9  }
0x382: {  	[tilespmem:v4+s9+$0x0] =	vst.idx.add.f32.msk $0xffff, v10  }
0x383: {  	s11 =	simm.s32 $0x78E0;
	s6 =	simm.s32 $0x0;
	v2 =	vadd.s32 v1, v6;
	[tilespmem:v5+s9+$0x0] =	vst.idx.add.f32.msk $0xffff, v11  }
.LBB2_38:
0x384: {  	v4 =	vld [tilespmem:s11+$0x20];
	s6 =	sadd.s32 $0x5, s6  }
0x385: {  	v5 =	vld [tilespmem:s11+$0xFFFFFFF0];
	p1 =	slt.u32 s6, $0x78  }
0x386: {  	v6 =	vld [tilespmem:s11+$0x0]  }
0x387: {  	v7 =	vld [tilespmem:s11+$0x10]  }
0x388: {  	s4 =	sadd.s32 $0x50, s4;
	v8 =	vld [tilespmem:s11+$0xFFFFFFE0]  }
0x389: {  	v9 =	vld [tilespmem:s4+$0x20];
	v4 =	vadd.s32 v1, v4  }
0x38a: {  	v10 =	vld [tilespmem:s4+$0xFFFFFFE0];
	v5 =	vadd.s32 v1, v5  }
0x38b: {  	v11 =	vld [tilespmem:s4+$0xFFFFFFF0];
	v6 =	vadd.s32 v1, v6  }
0x38c: {  	v12 =	vld [tilespmem:s4+$0x0];
	v7 =	vadd.s32 v1, v7  }
0x38d: {  	v8 =	vadd.s32 v1, v8;
	v13 =	vld [tilespmem:s4+$0x10]  }
.Ltmp18:
0x38e: {  	[tilespmem:v4+s9+$0x0] =	vst.idx.add.f32.msk $0xffff, v9;
	(pc) =	sbr.rel @p1 .LBB2_38-.Ltmp18, $4  }
0x38f: {  	[tilespmem:v2+s9+$0x0] =	vst.idx.add.f32.msk $0xffff, v3;
	v2 =	vmov v7  }
0x390: {  	[tilespmem:v5+s9+$0x0] =	vst.idx.add.f32.msk $0xffff, v11  }
0x391: {  	[tilespmem:v6+s9+$0x0] =	vst.idx.add.f32.msk $0xffff, v12  }
0x392: {  	s11 =	sadd.s32 $0x50, s11;
	[tilespmem:v8+s9+$0x0] =	vst.idx.add.f32.msk $0xffff, v10;
	v3 =	vmov v13  }
0x393: {  	_ =	sdelay $0x3  }
0x394: {  	[tilespmem:v2+s9+$0x0] =	vst.idx.add.f32.msk $0xffff, v3  }
0x395: {  	_ =	swait.ge [sflag:s20], $0x7D0  }
0x396: {  	[sflag:s20] =	ssyncset.done $0x0  }
0x397: {  	s4 =	sld [smem:$0x7F2];
	[sflag:s20] =	ssyncadd.s32 $0xFFFFF830  }
0x398: {  	[tilespmem:s22], [sflag:$0x10] =	stream.indirect.gather [spmem:s21], $0x1, s12, s1, $0xb8;
	[tilespmem:$0xB2F0] =	vst v63  }
0x399: {  	s17 =	sld [smem:$0x7F3]  }
0x39a: {  	[tilespmem:s26], [sflag:$0x3] =	stream.linear.gather [hbm4b:s4+s0], $0x7D0, $0x38;
	[tilespmem:$0xB2F0] =	vst v63  }
0x39b: {  	_ = 	snop  }
0x39c: {  	[tilespmem:s13], [sflag:$0x8] =	stream.linear.gather [hbm4b:s17+s0], $0x7D0, $0x38;
	[tilespmem:$0xB2F0] =	vst v63  }
0x39d: {  	_ =	swait.ge [sflag:s23], $0x7D0  }
0x39e: {  	[sflag:s23] =	ssyncset.done $0x0  }
0x39f: {  	[sflag:s23] =	ssyncadd.s32 $0xFFFFF830  }
0x3a0: {  	_ =	swait.ge [sflag:s25], $0x7D0  }
0x3a1: {  	[sflag:s25] =	ssyncset.done $0x0  }
0x3a2: {  	s6 =	simm.s32 $0x8090;
	[sflag:s25] =	ssyncadd.s32 $0xFFFFF830  }
0x3a3: {  	v2 =	vld [tilespmem:s6+$0x20]  }
0x3a4: {  	v3 =	vld [tilespmem:s6+$0xFFFFFFF0]  }
0x3a5: {  	v4 =	vld [tilespmem:s6+$0x0]  }
0x3a6: {  	v5 =	vld [tilespmem:s6+$0xFFFFFFE0]  }
0x3a7: {  	s4 =	simm.s32 $0x5890;
	v6 =	vld [tilespmem:s6+$0x10]  }
0x3a8: {  	v7 =	vld [tilespmem:s4+$0x20];
	v2 =	vadd.s32 v1, v2  }
0x3a9: {  	v9 =	vld [tilespmem:s4+$0xFFFFFFF0];
	v8 =	vadd.s32 v1, v3  }
0x3aa: {  	v10 =	vld [tilespmem:s4+$0x0];
	v4 =	vadd.s32 v1, v4  }
0x3ab: {  	v11 =	vld [tilespmem:s4+$0xFFFFFFE0];
	v5 =	vadd.s32 v1, v5  }
0x3ac: {  	v3 =	vld [tilespmem:s4+$0x10]  }
0x3ad: {  	[tilespmem:v2+s9+$0x0] =	vst.idx.add.f32.msk $0xffff, v7  }
0x3ae: {  	[tilespmem:v8+s9+$0x0] =	vst.idx.add.f32.msk $0xffff, v9  }
0x3af: {  	[tilespmem:v4+s9+$0x0] =	vst.idx.add.f32.msk $0xffff, v10  }
0x3b0: {  	s11 =	simm.s32 $0x80E0;
	s6 =	simm.s32 $0x0;
	v2 =	vadd.s32 v1, v6;
	[tilespmem:v5+s9+$0x0] =	vst.idx.add.f32.msk $0xffff, v11  }
.LBB2_40:
0x3b1: {  	v4 =	vld [tilespmem:s11+$0x20];
	s6 =	sadd.s32 $0x5, s6  }
0x3b2: {  	v5 =	vld [tilespmem:s11+$0xFFFFFFF0];
	p1 =	slt.u32 s6, $0x78  }
0x3b3: {  	v6 =	vld [tilespmem:s11+$0x0]  }
0x3b4: {  	v7 =	vld [tilespmem:s11+$0x10]  }
0x3b5: {  	s4 =	sadd.s32 $0x50, s4;
	v8 =	vld [tilespmem:s11+$0xFFFFFFE0]  }
0x3b6: {  	v9 =	vld [tilespmem:s4+$0x20];
	v4 =	vadd.s32 v1, v4  }
0x3b7: {  	v10 =	vld [tilespmem:s4+$0xFFFFFFE0];
	v5 =	vadd.s32 v1, v5  }
0x3b8: {  	v11 =	vld [tilespmem:s4+$0xFFFFFFF0];
	v6 =	vadd.s32 v1, v6  }
0x3b9: {  	v12 =	vld [tilespmem:s4+$0x0];
	v7 =	vadd.s32 v1, v7  }
0x3ba: {  	v8 =	vadd.s32 v1, v8;
	v13 =	vld [tilespmem:s4+$0x10]  }
.Ltmp19:
0x3bb: {  	[tilespmem:v4+s9+$0x0] =	vst.idx.add.f32.msk $0xffff, v9;
	(pc) =	sbr.rel @p1 .LBB2_40-.Ltmp19, $4  }
0x3bc: {  	[tilespmem:v2+s9+$0x0] =	vst.idx.add.f32.msk $0xffff, v3;
	v2 =	vmov v7  }
0x3bd: {  	[tilespmem:v5+s9+$0x0] =	vst.idx.add.f32.msk $0xffff, v11  }
0x3be: {  	[tilespmem:v6+s9+$0x0] =	vst.idx.add.f32.msk $0xffff, v12  }
0x3bf: {  	s11 =	sadd.s32 $0x50, s11;
	[tilespmem:v8+s9+$0x0] =	vst.idx.add.f32.msk $0xffff, v10;
	v3 =	vmov v13  }
0x3c0: {  	_ =	sdelay $0x3  }
0x3c1: {  	[tilespmem:v2+s9+$0x0] =	vst.idx.add.f32.msk $0xffff, v3  }
0x3c2: {  	_ =	swait.ge [sflag:s31], $0x7D0  }
0x3c3: {  	[sflag:s31] =	ssyncset.done $0x0  }
0x3c4: {  	s4 =	simm.s32 $0x6870;
	s11 =	sld [smem:$0x7F4];
	[sflag:s31] =	ssyncadd.s32 $0xFFFFF830  }
0x3c5: {  	[tilespmem:s4], [sflag:$0xC] =	stream.indirect.gather [spmem:s21], $0x1, s24, s1, $0xb8;
	[tilespmem:$0xB2F0] =	vst v63  }
0x3c6: {  	s13 =	sld [smem:$0x7F5]  }
0x3c7: {  	[tilespmem:s29], [sflag:$0x4] =	stream.linear.gather [hbm4b:s11+s0], $0x7D0, $0x38;
	[tilespmem:$0xB2F0] =	vst v63  }
0x3c8: {  	s6 =	simm.s32 $0x5070  }
0x3c9: {  	[tilespmem:s6], [sflag:$0x9] =	stream.linear.gather [hbm4b:s13+s0], $0x7D0, $0x38;
	[tilespmem:$0xB2F0] =	vst v63  }
0x3ca: {  	_ =	swait.ge [sflag:s28], $0x7D0  }
0x3cb: {  	[sflag:s28] =	ssyncset.done $0x0  }
0x3cc: {  	[sflag:s28] =	ssyncadd.s32 $0xFFFFF830  }
0x3cd: {  	_ =	swait.ge [sflag:s30], $0x7D0  }
0x3ce: {  	[sflag:s30] =	ssyncset.done $0x0  }
0x3cf: {  	s17 =	simm.s32 $0x8890;
	[sflag:s30] =	ssyncadd.s32 $0xFFFFF830  }
0x3d0: {  	v2 =	vld [tilespmem:s17+$0x20]  }
0x3d1: {  	v3 =	vld [tilespmem:s17+$0xFFFFFFF0]  }
0x3d2: {  	v4 =	vld [tilespmem:s17+$0x0]  }
0x3d3: {  	v5 =	vld [tilespmem:s17+$0xFFFFFFE0]  }
0x3d4: {  	s4 =	simm.s32 $0x6090;
	v6 =	vld [tilespmem:s17+$0x10]  }
0x3d5: {  	v7 =	vld [tilespmem:s4+$0x20];
	v2 =	vadd.s32 v1, v2  }
0x3d6: {  	v9 =	vld [tilespmem:s4+$0xFFFFFFF0];
	v8 =	vadd.s32 v1, v3  }
0x3d7: {  	v10 =	vld [tilespmem:s4+$0x0];
	v4 =	vadd.s32 v1, v4  }
0x3d8: {  	v11 =	vld [tilespmem:s4+$0xFFFFFFE0];
	v5 =	vadd.s32 v1, v5  }
0x3d9: {  	v3 =	vld [tilespmem:s4+$0x10]  }
0x3da: {  	[tilespmem:v2+s9+$0x0] =	vst.idx.add.f32.msk $0xffff, v7  }
0x3db: {  	[tilespmem:v8+s9+$0x0] =	vst.idx.add.f32.msk $0xffff, v9  }
0x3dc: {  	[tilespmem:v4+s9+$0x0] =	vst.idx.add.f32.msk $0xffff, v10  }
0x3dd: {  	s11 =	simm.s32 $0x88E0;
	s6 =	simm.s32 $0x0;
	v2 =	vadd.s32 v1, v6;
	[tilespmem:v5+s9+$0x0] =	vst.idx.add.f32.msk $0xffff, v11  }
.LBB2_42:
0x3de: {  	v4 =	vld [tilespmem:s11+$0x20];
	s6 =	sadd.s32 $0x5, s6  }
0x3df: {  	v5 =	vld [tilespmem:s11+$0xFFFFFFF0];
	p1 =	slt.u32 s6, $0x78  }
0x3e0: {  	v6 =	vld [tilespmem:s11+$0x0]  }
0x3e1: {  	v7 =	vld [tilespmem:s11+$0x10]  }
0x3e2: {  	s4 =	sadd.s32 $0x50, s4;
	v8 =	vld [tilespmem:s11+$0xFFFFFFE0]  }
0x3e3: {  	v9 =	vld [tilespmem:s4+$0x20];
	v4 =	vadd.s32 v1, v4  }
0x3e4: {  	v10 =	vld [tilespmem:s4+$0xFFFFFFE0];
	v5 =	vadd.s32 v1, v5  }
0x3e5: {  	v11 =	vld [tilespmem:s4+$0xFFFFFFF0];
	v6 =	vadd.s32 v1, v6  }
0x3e6: {  	v12 =	vld [tilespmem:s4+$0x0];
	v7 =	vadd.s32 v1, v7  }
0x3e7: {  	v8 =	vadd.s32 v1, v8;
	v13 =	vld [tilespmem:s4+$0x10]  }
.Ltmp20:
0x3e8: {  	[tilespmem:v4+s9+$0x0] =	vst.idx.add.f32.msk $0xffff, v9;
	(pc) =	sbr.rel @p1 .LBB2_42-.Ltmp20, $4  }
0x3e9: {  	[tilespmem:v2+s9+$0x0] =	vst.idx.add.f32.msk $0xffff, v3;
	v2 =	vmov v7  }
0x3ea: {  	[tilespmem:v5+s9+$0x0] =	vst.idx.add.f32.msk $0xffff, v11  }
0x3eb: {  	[tilespmem:v6+s9+$0x0] =	vst.idx.add.f32.msk $0xffff, v12  }
0x3ec: {  	s11 =	sadd.s32 $0x50, s11;
	[tilespmem:v8+s9+$0x0] =	vst.idx.add.f32.msk $0xffff, v10;
	v3 =	vmov v13  }
0x3ed: {  	_ =	sdelay $0x3  }
0x3ee: {  	[tilespmem:v2+s9+$0x0] =	vst.idx.add.f32.msk $0xffff, v3  }
0x3ef: {  	_ =	swait.ge [sflag:s3], $0x7D0  }
0x3f0: {  	[sflag:s3] =	ssyncset.done $0x0  }
0x3f1: {  	s4 =	simm.s32 $0x7070;
	s11 =	sld [smem:$0x7F8];
	[sflag:s3] =	ssyncadd.s32 $0xFFFFF830  }
0x3f2: {  	[tilespmem:s4], [sflag:$0xD] =	stream.indirect.gather [spmem:s21], $0x1, s26, s1, $0xb8;
	[tilespmem:$0xB2F0] =	vst v63  }
0x3f3: {  	s13 =	sld [smem:$0x7F9]  }
0x3f4: {  	[tilespmem:s5], [sflag:$0x5] =	stream.linear.gather [hbm4b:s11+s0], $0x7D0, $0x38;
	[tilespmem:$0xB2F0] =	vst v63  }
0x3f5: {  	s6 =	simm.s32 $0x5870  }
0x3f6: {  	[tilespmem:s6], [sflag:$0xA] =	stream.linear.gather [hbm4b:s13+s0], $0x7D0, $0x38;
	[tilespmem:$0xB2F0] =	vst v63  }
0x3f7: {  	_ =	swait.ge [sflag:s7], $0x7D0  }
0x3f8: {  	[sflag:s7] =	ssyncset.done $0x0  }
0x3f9: {  	[sflag:s7] =	ssyncadd.s32 $0xFFFFF830  }
0x3fa: {  	_ =	swait.ge [sflag:s8], $0x7D0  }
0x3fb: {  	[sflag:s8] =	ssyncset.done $0x0  }
0x3fc: {  	s17 =	simm.s32 $0x6890;
	[sflag:s8] =	ssyncadd.s32 $0xFFFFF830  }
0x3fd: {  	v2 =	vld [tilespmem:s17+$0x20]  }
0x3fe: {  	v3 =	vld [tilespmem:s17+$0xFFFFFFF0]  }
0x3ff: {  	v4 =	vld [tilespmem:s17+$0x0]  }
0x400: {  	v5 =	vld [tilespmem:s17+$0xFFFFFFE0]  }
0x401: {  	s4 =	simm.s32 $0x4090;
	v6 =	vld [tilespmem:s17+$0x10]  }
0x402: {  	v7 =	vld [tilespmem:s4+$0x20];
	v2 =	vadd.s32 v1, v2  }
0x403: {  	v9 =	vld [tilespmem:s4+$0xFFFFFFF0];
	v8 =	vadd.s32 v1, v3  }
0x404: {  	v10 =	vld [tilespmem:s4+$0x0];
	v4 =	vadd.s32 v1, v4  }
0x405: {  	v11 =	vld [tilespmem:s4+$0xFFFFFFE0];
	v5 =	vadd.s32 v1, v5  }
0x406: {  	v3 =	vld [tilespmem:s4+$0x10]  }
0x407: {  	[tilespmem:v2+s9+$0x0] =	vst.idx.add.f32.msk $0xffff, v7  }
0x408: {  	[tilespmem:v8+s9+$0x0] =	vst.idx.add.f32.msk $0xffff, v9  }
0x409: {  	[tilespmem:v4+s9+$0x0] =	vst.idx.add.f32.msk $0xffff, v10  }
0x40a: {  	s11 =	simm.s32 $0x68E0;
	s6 =	simm.s32 $0x0;
	v2 =	vadd.s32 v1, v6;
	[tilespmem:v5+s9+$0x0] =	vst.idx.add.f32.msk $0xffff, v11  }
.LBB2_44:
0x40b: {  	v4 =	vld [tilespmem:s11+$0x20];
	s6 =	sadd.s32 $0x5, s6  }
0x40c: {  	v5 =	vld [tilespmem:s11+$0xFFFFFFF0];
	p1 =	slt.u32 s6, $0x78  }
0x40d: {  	v6 =	vld [tilespmem:s11+$0x0]  }
0x40e: {  	v7 =	vld [tilespmem:s11+$0x10]  }
0x40f: {  	s4 =	sadd.s32 $0x50, s4;
	v8 =	vld [tilespmem:s11+$0xFFFFFFE0]  }
0x410: {  	v9 =	vld [tilespmem:s4+$0x20];
	v4 =	vadd.s32 v1, v4  }
0x411: {  	v10 =	vld [tilespmem:s4+$0xFFFFFFE0];
	v5 =	vadd.s32 v1, v5  }
0x412: {  	v11 =	vld [tilespmem:s4+$0xFFFFFFF0];
	v6 =	vadd.s32 v1, v6  }
0x413: {  	v12 =	vld [tilespmem:s4+$0x0];
	v7 =	vadd.s32 v1, v7  }
0x414: {  	v8 =	vadd.s32 v1, v8;
	v13 =	vld [tilespmem:s4+$0x10]  }
.Ltmp21:
0x415: {  	[tilespmem:v4+s9+$0x0] =	vst.idx.add.f32.msk $0xffff, v9;
	(pc) =	sbr.rel @p1 .LBB2_44-.Ltmp21, $4  }
0x416: {  	[tilespmem:v2+s9+$0x0] =	vst.idx.add.f32.msk $0xffff, v3;
	v2 =	vmov v7  }
0x417: {  	[tilespmem:v5+s9+$0x0] =	vst.idx.add.f32.msk $0xffff, v11  }
0x418: {  	[tilespmem:v6+s9+$0x0] =	vst.idx.add.f32.msk $0xffff, v12  }
0x419: {  	s11 =	sadd.s32 $0x50, s11;
	[tilespmem:v8+s9+$0x0] =	vst.idx.add.f32.msk $0xffff, v10;
	v3 =	vmov v13  }
0x41a: {  	_ =	sdelay $0x3  }
0x41b: {  	[tilespmem:v2+s9+$0x0] =	vst.idx.add.f32.msk $0xffff, v3  }
0x41c: {  	_ =	swait.ge [sflag:s10], $0x7D0  }
0x41d: {  	[sflag:s10] =	ssyncset.done $0x0  }
0x41e: {  	s4 =	simm.s32 $0x7870;
	s11 =	sld [smem:$0x7FA];
	[sflag:s10] =	ssyncadd.s32 $0xFFFFF830  }
0x41f: {  	[tilespmem:s4], [sflag:$0xE] =	stream.indirect.gather [spmem:s21], $0x1, s29, s1, $0xb8;
	[tilespmem:$0xB2F0] =	vst v63  }
0x420: {  	s13 =	sld [smem:$0x7FB]  }
0x421: {  	[tilespmem:s12], [sflag:$0x6] =	stream.linear.gather [hbm4b:s11+s0], $0x7D0, $0x38;
	[tilespmem:$0xB2F0] =	vst v63  }
0x422: {  	s6 =	simm.s32 $0x6070  }
0x423: {  	[tilespmem:s6], [sflag:$0xB] =	stream.linear.gather [hbm4b:s13+s0], $0x7D0, $0x38;
	[tilespmem:$0xB2F0] =	vst v63  }
0x424: {  	_ =	swait.ge [sflag:s14], $0x7D0  }
0x425: {  	[sflag:s14] =	ssyncset.done $0x0  }
0x426: {  	[sflag:s14] =	ssyncadd.s32 $0xFFFFF830  }
0x427: {  	_ =	swait.ge [sflag:s15], $0x7D0  }
0x428: {  	[sflag:s15] =	ssyncset.done $0x0  }
0x429: {  	s17 =	simm.s32 $0x7090;
	[sflag:s15] =	ssyncadd.s32 $0xFFFFF830  }
0x42a: {  	v2 =	vld [tilespmem:s17+$0x20]  }
0x42b: {  	v3 =	vld [tilespmem:s17+$0xFFFFFFF0]  }
0x42c: {  	v4 =	vld [tilespmem:s17+$0x0]  }
0x42d: {  	v5 =	vld [tilespmem:s17+$0xFFFFFFE0]  }
0x42e: {  	s4 =	simm.s32 $0x4890;
	v6 =	vld [tilespmem:s17+$0x10]  }
0x42f: {  	v7 =	vld [tilespmem:s4+$0x20];
	v2 =	vadd.s32 v1, v2  }
0x430: {  	v9 =	vld [tilespmem:s4+$0xFFFFFFF0];
	v8 =	vadd.s32 v1, v3  }
0x431: {  	v10 =	vld [tilespmem:s4+$0x0];
	v4 =	vadd.s32 v1, v4  }
0x432: {  	v11 =	vld [tilespmem:s4+$0xFFFFFFE0];
	v5 =	vadd.s32 v1, v5  }
0x433: {  	v3 =	vld [tilespmem:s4+$0x10]  }
0x434: {  	[tilespmem:v2+s9+$0x0] =	vst.idx.add.f32.msk $0xffff, v7  }
0x435: {  	[tilespmem:v8+s9+$0x0] =	vst.idx.add.f32.msk $0xffff, v9  }
0x436: {  	[tilespmem:v4+s9+$0x0] =	vst.idx.add.f32.msk $0xffff, v10  }
0x437: {  	s11 =	simm.s32 $0x70E0;
	s6 =	simm.s32 $0x0;
	v2 =	vadd.s32 v1, v6;
	[tilespmem:v5+s9+$0x0] =	vst.idx.add.f32.msk $0xffff, v11  }
.LBB2_46:
0x438: {  	v4 =	vld [tilespmem:s11+$0x20];
	s6 =	sadd.s32 $0x5, s6  }
0x439: {  	v5 =	vld [tilespmem:s11+$0xFFFFFFF0];
	p1 =	slt.u32 s6, $0x78  }
0x43a: {  	v6 =	vld [tilespmem:s11+$0x0]  }
0x43b: {  	v7 =	vld [tilespmem:s11+$0x10]  }
0x43c: {  	s4 =	sadd.s32 $0x50, s4;
	v8 =	vld [tilespmem:s11+$0xFFFFFFE0]  }
0x43d: {  	v9 =	vld [tilespmem:s4+$0x20];
	v4 =	vadd.s32 v1, v4  }
0x43e: {  	v10 =	vld [tilespmem:s4+$0xFFFFFFE0];
	v5 =	vadd.s32 v1, v5  }
0x43f: {  	v11 =	vld [tilespmem:s4+$0xFFFFFFF0];
	v6 =	vadd.s32 v1, v6  }
0x440: {  	v12 =	vld [tilespmem:s4+$0x0];
	v7 =	vadd.s32 v1, v7  }
0x441: {  	v8 =	vadd.s32 v1, v8;
	v13 =	vld [tilespmem:s4+$0x10]  }
.Ltmp22:
0x442: {  	[tilespmem:v4+s9+$0x0] =	vst.idx.add.f32.msk $0xffff, v9;
	(pc) =	sbr.rel @p1 .LBB2_46-.Ltmp22, $4  }
0x443: {  	[tilespmem:v2+s9+$0x0] =	vst.idx.add.f32.msk $0xffff, v3;
	v2 =	vmov v7  }
0x444: {  	[tilespmem:v5+s9+$0x0] =	vst.idx.add.f32.msk $0xffff, v11  }
0x445: {  	[tilespmem:v6+s9+$0x0] =	vst.idx.add.f32.msk $0xffff, v12  }
0x446: {  	s11 =	sadd.s32 $0x50, s11;
	[tilespmem:v8+s9+$0x0] =	vst.idx.add.f32.msk $0xffff, v10;
	v3 =	vmov v13  }
0x447: {  	_ =	sdelay $0x3  }
0x448: {  	[tilespmem:v2+s9+$0x0] =	vst.idx.add.f32.msk $0xffff, v3  }
0x449: {  	_ =	swait.ge [sflag:s16], $0x7D0  }
0x44a: {  	[sflag:s16] =	ssyncset.done $0x0  }
0x44b: {  	s4 =	simm.s32 $0x8070;
	[sflag:s16] =	ssyncadd.s32 $0xFFFFF830  }
0x44c: {  	[tilespmem:s4], [sflag:$0xF] =	stream.indirect.gather [spmem:s21], $0x1, s5, s1, $0xb8;
	[tilespmem:$0xB2F0] =	vst v63  }
0x44d: {  	_ =	swait.ge [sflag:s18], $0x7D0  }
0x44e: {  	[sflag:s18] =	ssyncset.done $0x0  }
0x44f: {  	[sflag:s18] =	ssyncadd.s32 $0xFFFFF830  }
0x450: {  	_ =	swait.ge [sflag:s19], $0x7D0  }
0x451: {  	[sflag:s19] =	ssyncset.done $0x0  }
0x452: {  	s6 =	simm.s32 $0x7890;
	[sflag:s19] =	ssyncadd.s32 $0xFFFFF830  }
0x453: {  	v2 =	vld [tilespmem:s6+$0x20]  }
0x454: {  	v3 =	vld [tilespmem:s6+$0xFFFFFFF0]  }
0x455: {  	v4 =	vld [tilespmem:s6+$0x0]  }
0x456: {  	v5 =	vld [tilespmem:s6+$0xFFFFFFE0]  }
0x457: {  	s4 =	simm.s32 $0x5090;
	v6 =	vld [tilespmem:s6+$0x10]  }
0x458: {  	v7 =	vld [tilespmem:s4+$0x20];
	v2 =	vadd.s32 v1, v2  }
0x459: {  	v9 =	vld [tilespmem:s4+$0xFFFFFFF0];
	v8 =	vadd.s32 v1, v3  }
0x45a: {  	v10 =	vld [tilespmem:s4+$0x0];
	v4 =	vadd.s32 v1, v4  }
0x45b: {  	v11 =	vld [tilespmem:s4+$0xFFFFFFE0];
	v5 =	vadd.s32 v1, v5  }
0x45c: {  	v3 =	vld [tilespmem:s4+$0x10]  }
0x45d: {  	[tilespmem:v2+s9+$0x0] =	vst.idx.add.f32.msk $0xffff, v7  }
0x45e: {  	[tilespmem:v8+s9+$0x0] =	vst.idx.add.f32.msk $0xffff, v9  }
0x45f: {  	[tilespmem:v4+s9+$0x0] =	vst.idx.add.f32.msk $0xffff, v10  }
0x460: {  	s11 =	simm.s32 $0x78E0;
	s6 =	simm.s32 $0x0;
	v2 =	vadd.s32 v1, v6;
	[tilespmem:v5+s9+$0x0] =	vst.idx.add.f32.msk $0xffff, v11  }
.LBB2_48:
0x461: {  	v4 =	vld [tilespmem:s11+$0x20];
	s6 =	sadd.s32 $0x5, s6  }
0x462: {  	v5 =	vld [tilespmem:s11+$0xFFFFFFF0];
	p1 =	slt.u32 s6, $0x78  }
0x463: {  	v6 =	vld [tilespmem:s11+$0x0]  }
0x464: {  	v7 =	vld [tilespmem:s11+$0x10]  }
0x465: {  	s4 =	sadd.s32 $0x50, s4;
	v8 =	vld [tilespmem:s11+$0xFFFFFFE0]  }
0x466: {  	v9 =	vld [tilespmem:s4+$0x20];
	v4 =	vadd.s32 v1, v4  }
0x467: {  	v10 =	vld [tilespmem:s4+$0xFFFFFFE0];
	v5 =	vadd.s32 v1, v5  }
0x468: {  	v11 =	vld [tilespmem:s4+$0xFFFFFFF0];
	v6 =	vadd.s32 v1, v6  }
0x469: {  	v12 =	vld [tilespmem:s4+$0x0];
	v7 =	vadd.s32 v1, v7  }
0x46a: {  	v8 =	vadd.s32 v1, v8;
	v13 =	vld [tilespmem:s4+$0x10]  }
.Ltmp23:
0x46b: {  	[tilespmem:v4+s9+$0x0] =	vst.idx.add.f32.msk $0xffff, v9;
	(pc) =	sbr.rel @p1 .LBB2_48-.Ltmp23, $4  }
0x46c: {  	[tilespmem:v2+s9+$0x0] =	vst.idx.add.f32.msk $0xffff, v3;
	v2 =	vmov v7  }
0x46d: {  	[tilespmem:v5+s9+$0x0] =	vst.idx.add.f32.msk $0xffff, v11  }
0x46e: {  	[tilespmem:v6+s9+$0x0] =	vst.idx.add.f32.msk $0xffff, v12  }
0x46f: {  	s11 =	sadd.s32 $0x50, s11;
	[tilespmem:v8+s9+$0x0] =	vst.idx.add.f32.msk $0xffff, v10;
	v3 =	vmov v13  }
0x470: {  	_ =	sdelay $0x3  }
0x471: {  	[tilespmem:v2+s9+$0x0] =	vst.idx.add.f32.msk $0xffff, v3  }
0x472: {  	_ =	swait.ge [sflag:s20], $0x7D0  }
0x473: {  	[sflag:s20] =	ssyncset.done $0x0  }
0x474: {  	[sflag:s20] =	ssyncadd.s32 $0xFFFFF830  }
0x475: {  	[tilespmem:s22], [sflag:$0x10] =	stream.indirect.gather [spmem:s21], $0x1, s12, s1, $0xb8;
	[tilespmem:$0xB2F0] =	vst v63  }
0x476: {  	_ =	swait.ge [sflag:s23], $0x7D0  }
0x477: {  	[sflag:s23] =	ssyncset.done $0x0  }
0x478: {  	[sflag:s23] =	ssyncadd.s32 $0xFFFFF830  }
0x479: {  	_ =	swait.ge [sflag:s25], $0x7D0  }
0x47a: {  	[sflag:s25] =	ssyncset.done $0x0  }
0x47b: {  	s6 =	simm.s32 $0x8090;
	[sflag:s25] =	ssyncadd.s32 $0xFFFFF830  }
0x47c: {  	v2 =	vld [tilespmem:s6+$0x20]  }
0x47d: {  	v3 =	vld [tilespmem:s6+$0xFFFFFFF0]  }
0x47e: {  	v4 =	vld [tilespmem:s6+$0x0]  }
0x47f: {  	v5 =	vld [tilespmem:s6+$0xFFFFFFE0]  }
0x480: {  	s4 =	simm.s32 $0x5890;
	v6 =	vld [tilespmem:s6+$0x10]  }
0x481: {  	v7 =	vld [tilespmem:s4+$0x20];
	v2 =	vadd.s32 v1, v2  }
0x482: {  	v9 =	vld [tilespmem:s4+$0xFFFFFFF0];
	v8 =	vadd.s32 v1, v3  }
0x483: {  	v10 =	vld [tilespmem:s4+$0x0];
	v4 =	vadd.s32 v1, v4  }
0x484: {  	v11 =	vld [tilespmem:s4+$0xFFFFFFE0];
	v5 =	vadd.s32 v1, v5  }
0x485: {  	v3 =	vld [tilespmem:s4+$0x10]  }
0x486: {  	[tilespmem:v2+s9+$0x0] =	vst.idx.add.f32.msk $0xffff, v7  }
0x487: {  	[tilespmem:v8+s9+$0x0] =	vst.idx.add.f32.msk $0xffff, v9  }
0x488: {  	[tilespmem:v4+s9+$0x0] =	vst.idx.add.f32.msk $0xffff, v10  }
0x489: {  	s11 =	simm.s32 $0x80E0;
	s6 =	simm.s32 $0x0;
	v2 =	vadd.s32 v1, v6;
	[tilespmem:v5+s9+$0x0] =	vst.idx.add.f32.msk $0xffff, v11  }
.LBB2_50:
0x48a: {  	v4 =	vld [tilespmem:s11+$0x20];
	s6 =	sadd.s32 $0x5, s6  }
0x48b: {  	v5 =	vld [tilespmem:s11+$0xFFFFFFF0];
	p1 =	slt.u32 s6, $0x78  }
0x48c: {  	v6 =	vld [tilespmem:s11+$0x0]  }
0x48d: {  	v7 =	vld [tilespmem:s11+$0x10]  }
0x48e: {  	s4 =	sadd.s32 $0x50, s4;
	v8 =	vld [tilespmem:s11+$0xFFFFFFE0]  }
0x48f: {  	v9 =	vld [tilespmem:s4+$0x20];
	v4 =	vadd.s32 v1, v4  }
0x490: {  	v10 =	vld [tilespmem:s4+$0xFFFFFFE0];
	v5 =	vadd.s32 v1, v5  }
0x491: {  	v11 =	vld [tilespmem:s4+$0xFFFFFFF0];
	v6 =	vadd.s32 v1, v6  }
0x492: {  	v12 =	vld [tilespmem:s4+$0x0];
	v7 =	vadd.s32 v1, v7  }
0x493: {  	v8 =	vadd.s32 v1, v8;
	v13 =	vld [tilespmem:s4+$0x10]  }
.Ltmp24:
0x494: {  	[tilespmem:v4+s9+$0x0] =	vst.idx.add.f32.msk $0xffff, v9;
	(pc) =	sbr.rel @p1 .LBB2_50-.Ltmp24, $4  }
0x495: {  	[tilespmem:v2+s9+$0x0] =	vst.idx.add.f32.msk $0xffff, v3;
	v2 =	vmov v7  }
0x496: {  	[tilespmem:v5+s9+$0x0] =	vst.idx.add.f32.msk $0xffff, v11  }
0x497: {  	[tilespmem:v6+s9+$0x0] =	vst.idx.add.f32.msk $0xffff, v12  }
0x498: {  	s11 =	sadd.s32 $0x50, s11;
	[tilespmem:v8+s9+$0x0] =	vst.idx.add.f32.msk $0xffff, v10;
	v3 =	vmov v13  }
0x499: {  	_ =	sdelay $0x3  }
0x49a: {  	[tilespmem:v2+s9+$0x0] =	vst.idx.add.f32.msk $0xffff, v3  }
0x49b: {  	_ =	swait.ge [sflag:s28], $0x7D0  }
0x49c: {  	[sflag:s28] =	ssyncset.done $0x0  }
0x49d: {  	[sflag:s28] =	ssyncadd.s32 $0xFFFFF830  }
0x49e: {  	_ =	swait.ge [sflag:s30], $0x7D0  }
0x49f: {  	[sflag:s30] =	ssyncset.done $0x0  }
0x4a0: {  	s4 =	simm.s32 $0x8890;
	[sflag:s30] =	ssyncadd.s32 $0xFFFFF830  }
0x4a1: {  	v2 =	vld [tilespmem:s4+$0x20]  }
0x4a2: {  	v3 =	vld [tilespmem:s4+$0xFFFFFFF0]  }
0x4a3: {  	v4 =	vld [tilespmem:s4+$0x0]  }
0x4a4: {  	v5 =	vld [tilespmem:s4+$0xFFFFFFE0]  }
0x4a5: {  	s6 =	simm.s32 $0x6090;
	v6 =	vld [tilespmem:s4+$0x10]  }
0x4a6: {  	v7 =	vld [tilespmem:s6+$0x20];
	v2 =	vadd.s32 v1, v2  }
0x4a7: {  	v9 =	vld [tilespmem:s6+$0xFFFFFFF0];
	v8 =	vadd.s32 v1, v3  }
0x4a8: {  	v10 =	vld [tilespmem:s6+$0x0];
	v4 =	vadd.s32 v1, v4  }
0x4a9: {  	v11 =	vld [tilespmem:s6+$0xFFFFFFE0];
	v5 =	vadd.s32 v1, v5  }
0x4aa: {  	v3 =	vld [tilespmem:s6+$0x10]  }
0x4ab: {  	[tilespmem:v2+s9+$0x0] =	vst.idx.add.f32.msk $0xffff, v7  }
0x4ac: {  	[tilespmem:v8+s9+$0x0] =	vst.idx.add.f32.msk $0xffff, v9  }
0x4ad: {  	s13 =	simm.s32 $0x0;
	[tilespmem:v4+s9+$0x0] =	vst.idx.add.f32.msk $0xffff, v10  }
0x4ae: {  	s11 =	simm.s32 $0xA078;
	s17 =	simm.s32 $0x88E0;
	s4 =	simm.s32 $0xB110;
	v2 =	vadd.s32 v1, v6;
	[tilespmem:v5+s9+$0x0] =	vst.idx.add.f32.msk $0xffff, v11  }
.LBB2_52:
0x4af: {  	v4 =	vld [tilespmem:s17+$0x20];
	s13 =	sadd.s32 $0x5, s13  }
0x4b0: {  	v5 =	vld [tilespmem:s17+$0xFFFFFFF0];
	p1 =	slt.u32 s13, $0x78  }
0x4b1: {  	v6 =	vld [tilespmem:s17+$0x0]  }
0x4b2: {  	v7 =	vld [tilespmem:s17+$0x10]  }
0x4b3: {  	s6 =	sadd.s32 $0x50, s6;
	v8 =	vld [tilespmem:s17+$0xFFFFFFE0]  }
0x4b4: {  	v9 =	vld [tilespmem:s6+$0x20];
	v4 =	vadd.s32 v1, v4  }
0x4b5: {  	v10 =	vld [tilespmem:s6+$0xFFFFFFE0];
	v5 =	vadd.s32 v1, v5  }
0x4b6: {  	v11 =	vld [tilespmem:s6+$0xFFFFFFF0];
	v6 =	vadd.s32 v1, v6  }
0x4b7: {  	v12 =	vld [tilespmem:s6+$0x0];
	v7 =	vadd.s32 v1, v7  }
0x4b8: {  	v8 =	vadd.s32 v1, v8;
	v13 =	vld [tilespmem:s6+$0x10]  }
.Ltmp25:
0x4b9: {  	[tilespmem:v4+s9+$0x0] =	vst.idx.add.f32.msk $0xffff, v9;
	(pc) =	sbr.rel @p1 .LBB2_52-.Ltmp25, $4  }
0x4ba: {  	[tilespmem:v2+s9+$0x0] =	vst.idx.add.f32.msk $0xffff, v3;
	v2 =	vmov v7  }
0x4bb: {  	[tilespmem:v5+s9+$0x0] =	vst.idx.add.f32.msk $0xffff, v11  }
0x4bc: {  	[tilespmem:v6+s9+$0x0] =	vst.idx.add.f32.msk $0xffff, v12  }
0x4bd: {  	s17 =	sadd.s32 $0x50, s17;
	[tilespmem:v8+s9+$0x0] =	vst.idx.add.f32.msk $0xffff, v10;
	v3 =	vmov v13  }
0x4be: {  	_ =	sdelay $0x3  }
0x4bf: {  	[tilespmem:v2+s9+$0x0] =	vst.idx.add.f32.msk $0xffff, v3  }
0x4c0: {  	v2 =	vld [tilespmem:s11+$0xFFFFF028]  }
0x4c1: {  	v3 =	vld [tilespmem:s11+$0xFFFFF008]  }
0x4c2: {  	v4 =	vld [tilespmem:s11+$0xFFFFF229]  }
0x4c3: {  	v5 =	vld [tilespmem:s11+$0xFFFFF018]  }
0x4c4: {  	v6 =	vld [tilespmem:s11+$0xFFFFF42A]  }
0x4c5: {  	v7 =	vld [tilespmem:s11+$0xFFFFEFF8]  }
0x4c6: {  	v8 =	vld [tilespmem:s11+$0xFFFFF62B]  }
0x4c7: {  	v9 =	vld [tilespmem:s11+$0xFFFFF1F9]  }
0x4c8: {  	v10 =	vld [tilespmem:s11+$0xFFFFF82C]  }
0x4c9: {  	v11 =	vld [tilespmem:s11+$0xFFFFF209]  }
0x4ca: {  	v12 =	vld [tilespmem:s11+$0xFFFFFA2D]  }
0x4cb: {  	v13 =	vld [tilespmem:s11+$0xFFFFF219]  }
0x4cc: {  	v14 =	vld [tilespmem:s11+$0xFFFFFC2E]  }
0x4cd: {  	v15 =	vld [tilespmem:s11+$0xFFFFF3FA]  }
0x4ce: {  	v16 =	vld [tilespmem:s11+$0xFFFFFE2F]  }
0x4cf: {  	v17 =	vld [tilespmem:s11+$0xFFFFF40A]  }
0x4d0: {  	v18 =	vld [tilespmem:s11+$0x30]  }
0x4d1: {  	v19 =	vld [tilespmem:s11+$0xFFFFF41A]  }
0x4d2: {  	v20 =	vld [tilespmem:s11+$0x231]  }
0x4d3: {  	v21 =	vld [tilespmem:s11+$0xFFFFF5FB]  }
0x4d4: {  	v22 =	vld [tilespmem:s11+$0x432]  }
0x4d5: {  	v23 =	vld [tilespmem:s11+$0xFFFFF60B]  }
0x4d6: {  	v24 =	vld [tilespmem:s11+$0x633]  }
0x4d7: {  	v25 =	vld [tilespmem:s11+$0xFFFFF61B]  }
0x4d8: {  	v26 =	vld [tilespmem:s11+$0x834]  }
0x4d9: {  	v27 =	vld [tilespmem:s11+$0xFFFFF7FC]  }
0x4da: {  	v28 =	vld [tilespmem:s11+$0xA35]  }
0x4db: {  	v29 =	vld [tilespmem:s11+$0xFFFFF80C]  }
0x4dc: {  	v30 =	vld [tilespmem:s11+$0xC36]  }
0x4dd: {  	v31 =	vld [tilespmem:s11+$0xFFFFF81C]  }
0x4de: {  	v32 =	vld [tilespmem:s11+$0xE37]  }
0x4df: {  	v33 =	vld [tilespmem:s11+$0xFFFFF9FD];
	v2 =	vadd.f32 $0.0e+00, v2  }
0x4e0: {  	v34 =	vld [tilespmem:s11+$0xFFFFFA1D]  }
0x4e1: {  	v35 =	vld [tilespmem:s11+$0xFFFFFC0E];
	v2 =	vadd.f32 v4, v2  }
0x4e2: {  	v53 =	vld [tilespmem:s11+$0x0]  }
0x4e3: {  	v54 =	vld [tilespmem:s11+$0x10];
	v7 =	vadd.f32 $0.0e+00, v7;
	v2 =	vadd.f32 v6, v2  }
0x4e4: {  	v55 =	vld [tilespmem:s11+$0x20];
	v3 =	vadd.f32 $0.0e+00, v3;
	v5 =	vadd.f32 $0.0e+00, v5  }
0x4e5: {  	v56 =	vld [tilespmem:s11+$0x201];
	v7 =	vadd.f32 v9, v7;
	v2 =	vadd.f32 v8, v2  }
0x4e6: {  	v57 =	vld [tilespmem:s11+$0x211];
	v3 =	vadd.f32 v11, v3;
	v5 =	vadd.f32 v13, v5  }
0x4e7: {  	v58 =	vld [tilespmem:s11+$0x221];
	v7 =	vadd.f32 v15, v7;
	v2 =	vadd.f32 v10, v2  }
0x4e8: {  	v4 =	vld [tilespmem:s11+$0xFFFFFA0D];
	v3 =	vadd.f32 v17, v3;
	v5 =	vadd.f32 v19, v5  }
0x4e9: {  	v9 =	vld [tilespmem:s11+$0xFFFFFDFF];
	v7 =	vadd.f32 v21, v7;
	v2 =	vadd.f32 v12, v2  }
0x4ea: {  	v6 =	vld [tilespmem:s11+$0xFFFFFBFE];
	v3 =	vadd.f32 v23, v3;
	v5 =	vadd.f32 v25, v5  }
0x4eb: {  	v8 =	vld [tilespmem:s11+$0xFFFFFC1E];
	v7 =	vadd.f32 v27, v7;
	v2 =	vadd.f32 v14, v2  }
0x4ec: {  	v11 =	vld [tilespmem:s11+$0xFFFFFE1F];
	v3 =	vadd.f32 v29, v3;
	v5 =	vadd.f32 v31, v5  }
0x4ed: {  	v10 =	vld [tilespmem:s11+$0xFFFFFE0F];
	v7 =	vadd.f32 v33, v7;
	v2 =	vadd.f32 v16, v2  }
0x4ee: {  	v59 =	vld [tilespmem:s11+$0x422];
	v3 =	vadd.f32 v4, v3;
	v5 =	vadd.f32 v34, v5  }
0x4ef: {  	v60 =	vld [tilespmem:s11+$0x814];
	v6 =	vadd.f32 v6, v7;
	v2 =	vadd.f32 v18, v2  }
0x4f0: {  	v61 =	vld [tilespmem:s11+$0x824];
	v3 =	vadd.f32 v35, v3;
	v5 =	vadd.f32 v8, v5  }
0x4f1: {  	v4 =	vld [tilespmem:s11+$0x402];
	v6 =	vadd.f32 v9, v6;
	v2 =	vadd.f32 v20, v2  }
0x4f2: {  	v7 =	vld [tilespmem:s11+$0x412];
	v3 =	vadd.f32 v10, v3;
	v5 =	vadd.f32 v11, v5  }
0x4f3: {  	v8 =	vld [tilespmem:s11+$0x603];
	v6 =	vadd.f32 v53, v6;
	v2 =	vadd.f32 v22, v2  }
0x4f4: {  	v9 =	vld [tilespmem:s11+$0x613];
	v3 =	vadd.f32 v54, v3;
	v5 =	vadd.f32 v55, v5  }
0x4f5: {  	v10 =	vld [tilespmem:s11+$0x623];
	v6 =	vadd.f32 v56, v6;
	v2 =	vadd.f32 v24, v2  }
0x4f6: {  	v11 =	vld [tilespmem:s11+$0x804];
	v3 =	vadd.f32 v57, v3;
	v5 =	vadd.f32 v58, v5  }
0x4f7: {  	v63 =	vld [tilespmem:s11+$0xC06];
	v4 =	vadd.f32 v4, v6;
	v2 =	vadd.f32 v26, v2  }
0x4f8: {  	v6 =	vld [tilespmem:s11+$0xA05];
	v3 =	vadd.f32 v7, v3;
	v5 =	vadd.f32 v59, v5  }
0x4f9: {  	v7 =	vld [tilespmem:s11+$0xA15];
	v4 =	vadd.f32 v8, v4;
	v2 =	vadd.f32 v28, v2  }
0x4fa: {  	v8 =	vld [tilespmem:s11+$0xA25];
	v3 =	vadd.f32 v9, v3;
	v5 =	vadd.f32 v10, v5  }
0x4fb: {  	v4 =	vadd.f32 v11, v4;
	v62 =	vadd.f32 v30, v2;
	v2 =	vld [tilespmem:s11+$0xC16]  }
0x4fc: {  	v10 =	vadd.f32 v60, v3;
	v3 =	vld [tilespmem:s11+$0xC26];
	v11 =	vadd.f32 v61, v5  }
0x4fd: {  	v6 =	vadd.f32 v6, v4;
	v4 =	vld [tilespmem:s11+$0xE07];
	v9 =	vadd.f32 v32, v62  }
0x4fe: {  	v5 =	vld [tilespmem:s11+$0xE17];
	v7 =	vadd.f32 v7, v10  }
0x4ff: {  	s6 =	simm.s32 $0x0;
	[tilespmem:s4+$0x10] =	vst v9;
	v9 =	vadd.f32 v8, v11;
	v8 =	vadd.f32 v63, v6;
	v6 =	vld [tilespmem:s11+$0xE27];
	s11 =	simm.s32 $0xA0B8  }
.LBB2_54:
0x500: {  	v10 =	vld [tilespmem:s11+$0xFFFFF028];
	s6 =	sadd.s32 $0x4, s6;
	v2 =	vadd.f32 v2, v7  }
0x501: {  	v7 =	vld [tilespmem:s11+$0xFFFFF008];
	p1 =	slt.u32 s6, $0x1C;
	v3 =	vadd.f32 v3, v9  }
0x502: {  	v9 =	vld [tilespmem:s11+$0xFFFFF229];
	v4 =	vadd.f32 v4, v8  }
0x503: {  	v8 =	vld [tilespmem:s11+$0xFFFFF018];
	v2 =	vadd.f32 v5, v2  }
0x504: {  	v5 =	vld [tilespmem:s11+$0xFFFFF42A];
	[tilespmem:s4+$0xFFFFFFE0] =	vst v4;
	v3 =	vadd.f32 v6, v3  }
0x505: {  	v4 =	vld [tilespmem:s11+$0xFFFFEFF8];
	v6 =	vadd.f32 $0.0e+00, v10;
	[tilespmem:s4+$0xFFFFFFF0] =	vst v2  }
0x506: {  	v2 =	vadd.f32 $0.0e+00, v7;
	v7 =	vld [tilespmem:s11+$0xFFFFF62B];
	[tilespmem:s4+$0x0] =	vst v3  }
0x507: {  	v3 =	vld [tilespmem:s11+$0xFFFFF1F9];
	v6 =	vadd.f32 v9, v6  }
0x508: {  	v8 =	vadd.f32 $0.0e+00, v8;
	v9 =	vld [tilespmem:s11+$0xFFFFF82C]  }
0x509: {  	v10 =	vld [tilespmem:s11+$0xFFFFF209];
	v5 =	vadd.f32 v5, v6  }
0x50a: {  	v4 =	vadd.f32 $0.0e+00, v4;
	v6 =	vld [tilespmem:s11+$0xFFFFFA2D]  }
0x50b: {  	v11 =	vld [tilespmem:s11+$0xFFFFF219];
	v5 =	vadd.f32 v7, v5  }
0x50c: {  	v3 =	vadd.f32 v3, v4;
	v4 =	vld [tilespmem:s11+$0xFFFFFC2E]  }
0x50d: {  	v7 =	vld [tilespmem:s11+$0xFFFFF3FA];
	v5 =	vadd.f32 v9, v5  }
0x50e: {  	v2 =	vadd.f32 v10, v2;
	v9 =	vld [tilespmem:s11+$0xFFFFFE2F]  }
0x50f: {  	v10 =	vld [tilespmem:s11+$0xFFFFF40A];
	v5 =	vadd.f32 v6, v5  }
0x510: {  	v6 =	vadd.f32 v11, v8;
	v8 =	vld [tilespmem:s11+$0x30]  }
0x511: {  	v11 =	vld [tilespmem:s11+$0xFFFFF41A];
	v4 =	vadd.f32 v4, v5  }
0x512: {  	v3 =	vadd.f32 v7, v3;
	v5 =	vld [tilespmem:s11+$0x231]  }
0x513: {  	v7 =	vld [tilespmem:s11+$0xFFFFF5FB];
	v4 =	vadd.f32 v9, v4  }
0x514: {  	v2 =	vadd.f32 v10, v2;
	v9 =	vld [tilespmem:s11+$0x432]  }
0x515: {  	v10 =	vld [tilespmem:s11+$0xFFFFF60B];
	v4 =	vadd.f32 v8, v4  }
0x516: {  	v6 =	vadd.f32 v11, v6;
	v8 =	vld [tilespmem:s11+$0x633]  }
0x517: {  	v11 =	vld [tilespmem:s11+$0xFFFFF61B];
	v4 =	vadd.f32 v5, v4  }
0x518: {  	v3 =	vadd.f32 v7, v3;
	v5 =	vld [tilespmem:s11+$0x834]  }
0x519: {  	v7 =	vld [tilespmem:s11+$0xFFFFF7FC];
	v4 =	vadd.f32 v9, v4  }
0x51a: {  	v2 =	vadd.f32 v10, v2;
	v9 =	vld [tilespmem:s11+$0xA35]  }
0x51b: {  	v10 =	vld [tilespmem:s11+$0xFFFFF80C];
	v4 =	vadd.f32 v8, v4  }
0x51c: {  	v6 =	vadd.f32 v11, v6;
	v8 =	vld [tilespmem:s11+$0xC36]  }
0x51d: {  	v11 =	vld [tilespmem:s11+$0xFFFFF81C];
	v4 =	vadd.f32 v5, v4  }
0x51e: {  	v3 =	vadd.f32 v7, v3;
	v5 =	vld [tilespmem:s11+$0xE37]  }
0x51f: {  	v7 =	vld [tilespmem:s11+$0xFFFFF9FD];
	v4 =	vadd.f32 v9, v4  }
0x520: {  	v2 =	vadd.f32 v10, v2;
	v9 =	vld [tilespmem:s11+$0xFFFFFA0D]  }
0x521: {  	v10 =	vld [tilespmem:s11+$0xFFFFFA1D];
	v4 =	vadd.f32 v8, v4  }
0x522: {  	v8 =	vld [tilespmem:s11+$0xFFFFFBFE];
	v6 =	vadd.f32 v11, v6  }
0x523: {  	v11 =	vld [tilespmem:s11+$0xFFFFFC0E];
	v4 =	vadd.f32 v5, v4  }
0x524: {  	s4 =	sadd.s32 $0x40, s4;
	v3 =	vadd.f32 v7, v3;
	v5 =	vld [tilespmem:s11+$0xFFFFFC1E]  }
0x525: {  	v7 =	vld [tilespmem:s11+$0xFFFFFDFF];
	v2 =	vadd.f32 v9, v2;
	[tilespmem:s4+$0x10] =	vst v4  }
0x526: {  	v4 =	vld [tilespmem:s11+$0xFFFFFE0F];
	v6 =	vadd.f32 v10, v6  }
0x527: {  	v3 =	vadd.f32 v8, v3;
	v8 =	vld [tilespmem:s11+$0xFFFFFE1F]  }
0x528: {  	v9 =	vld [tilespmem:s11+$0x0];
	v2 =	vadd.f32 v11, v2  }
0x529: {  	v10 =	vld [tilespmem:s11+$0x10];
	v5 =	vadd.f32 v5, v6  }
0x52a: {  	v3 =	vadd.f32 v7, v3;
	v6 =	vld [tilespmem:s11+$0x20]  }
0x52b: {  	v7 =	vld [tilespmem:s11+$0x201];
	v2 =	vadd.f32 v4, v2  }
0x52c: {  	v4 =	vld [tilespmem:s11+$0x211];
	v5 =	vadd.f32 v8, v5  }
0x52d: {  	v3 =	vadd.f32 v9, v3;
	v8 =	vld [tilespmem:s11+$0x221]  }
0x52e: {  	v9 =	vld [tilespmem:s11+$0x402];
	v2 =	vadd.f32 v10, v2  }
0x52f: {  	v10 =	vld [tilespmem:s11+$0x412];
	v5 =	vadd.f32 v6, v5  }
0x530: {  	v3 =	vadd.f32 v7, v3;
	v6 =	vld [tilespmem:s11+$0x422]  }
0x531: {  	v7 =	vld [tilespmem:s11+$0x603];
	v2 =	vadd.f32 v4, v2  }
0x532: {  	v4 =	vld [tilespmem:s11+$0x613];
	v5 =	vadd.f32 v8, v5  }
0x533: {  	v3 =	vadd.f32 v9, v3;
	v8 =	vld [tilespmem:s11+$0x623]  }
0x534: {  	v9 =	vld [tilespmem:s11+$0x804];
	v2 =	vadd.f32 v10, v2  }
0x535: {  	v10 =	vld [tilespmem:s11+$0x814];
	v5 =	vadd.f32 v6, v5  }
0x536: {  	v3 =	vadd.f32 v7, v3;
	v6 =	vld [tilespmem:s11+$0x824]  }
0x537: {  	v7 =	vld [tilespmem:s11+$0xA05];
	v2 =	vadd.f32 v4, v2  }
0x538: {  	v11 =	vld [tilespmem:s11+$0xA15];
	v4 =	vadd.f32 v8, v5  }
0x539: {  	v3 =	vadd.f32 v9, v3;
	v8 =	vld [tilespmem:s11+$0xA25]  }
0x53a: {  	v12 =	vld [tilespmem:s11+$0xC06];
	v5 =	vadd.f32 v10, v2  }
.Ltmp26:
0x53b: {  	v2 =	vld [tilespmem:s11+$0xC16];
	v6 =	vadd.f32 v6, v4;
	(pc) =	sbr.rel @p1 .LBB2_54-.Ltmp26, $4  }
0x53c: {  	v10 =	vadd.f32 v7, v3;
	v3 =	vld [tilespmem:s11+$0xC26]  }
0x53d: {  	v4 =	vld [tilespmem:s11+$0xE07];
	v7 =	vadd.f32 v11, v5  }
0x53e: {  	v5 =	vld [tilespmem:s11+$0xE17];
	v9 =	vadd.f32 v8, v6  }
0x53f: {  	v8 =	vadd.f32 v12, v10;
	v6 =	vld [tilespmem:s11+$0xE27];
	s11 =	sadd.s32 $0x40, s11  }
0x540: {  	_ = 	snop  }
0x541: {  	v2 =	vadd.f32 v2, v7  }
0x542: {  	v3 =	vadd.f32 v3, v9;
	v4 =	vadd.f32 v4, v8  }
0x543: {  	v2 =	vadd.f32 v5, v2  }
0x544: {  	[tilespmem:s4+$0xFFFFFFE0] =	vst v4;
	v3 =	vadd.f32 v6, v3  }
0x545: {  	[tilespmem:s4+$0xFFFFFFF0] =	vst v2  }
0x546: {  	[tilespmem:s4+$0x0] =	vst v3  }
0x547: {  	s4 =	sld [smem:$0x7FC];
	_ =	sdelay $0x1  }
0x548: {  	s6 =	simm.s32 $0x80;
	s11 =	simm.s32 $0x400;
	s13 =	simm.s32 $0xB0F0  }
0x549: {  	[hbm4b:s4+s6] =	stream.strided.scatter [tilespmem:s13], [sflag:$0x11], $0x200, s11, s6, $0x38;
	[tilespmem:$0xB2F0] =	vst v63  }
0x54a: {  	s13 =	simm.s32 $0x11  }
0x54b: {  	_ =	swait.ge [sflag:s13], $0x200  }
0x54c: {  	s17 =	sld [smem:$0x7FD];
	_ =	sdelay $0x1  }
0x54d: {  	s2 =	sadd.s32 $0x1, s2  }
0x54e: {  	p1 =	sne.s32 s2, s17  }
.Ltmp27:
0x54f: {  	_ = 	snop;
	(pc) =	sbr.rel @p1 .LBB2_1-.Ltmp27, $3  }
0x550: {  	_ =	sdelay $0x1  }
0x551: {  	[sflag:s13] =	ssyncset.done $0x0  }
0x552: {  	[sflag:s13] =	ssyncadd.s32 $0xFFFFFE00;
	s13 =	simm.s32 $0x4870;
	s17 =	simm.s32 $0x4070  }
0x553: {  	_ =	sfence.sel $0x180000  }
0x554: {  	[bflag:$0x0] =	sbarrier.arrive $0xFFFF  }
0x555: {  	_ =	strace $0x90000047  }
0x556: {  	[bflag:$0x2] =	sbarrier.arrive $0xFFFF  }
0x557: {  	s0 =	rddreg [dreg:$0x5]  }
0x558: {  	s0 =	sadd.s32 @!p0 $0x100000, s0  }
0x559: {  	[sflag:s0] =	ssyncadd.tile.s32 @!p0 $0x1;
	_ =	shalt  }
.Lfunc_end2:
_tile_overlayer_lowered:
.L_overlay_start_2:
0x55a: {  	(tag) =	ssettag $0x2  }
0x55b: {  	s0 =	rddreg [dreg:$0x0];
	s2 =	stileid.u32  }
0x55c: {  	s1 =	rddreg [dreg:$0x1];
	p0 =	sne.s32 s2, $0x0  }
0x55d: {  	s3 =	rddreg [dreg:$0x2];
	[bflag:$0x3] =	sbarrier.arrive $0xFFFF;
	s2 =	simm.s32 @!p0 $0x1C11  }
0x55e: {  	[timem:s3], [sflag:s2] =	dma.local @!p0 [hbm:s0], s1  }
0x55f: {  	s0 =	simm.s32 @!p0 $0x11  }
0x560: {  	_ =	swait.ge @!p0 [sflag:s0], s1  }
0x561: {  	s1 =	ssub.s32 @!p0 $0x0, s1;
	[sflag:s0] =	ssyncset.done @!p0 $0x0  }
0x562: {  	[sflag:s0] =	ssyncadd.s32 @!p0 s1  }
0x563: {  	[bflag:$0x3] =	sbarrier.arrive $0xFFFF  }
0x564: {  	_ =	shalt  }

</sc_bundles>
